<compile_context>
chip_gen: v7x
topology: tpu7x:2x2x1
jax: 0.10.2.dev20260603
libtpu: 0.0.44.dev20260713+nightly
codegen_flags: <defaults>
</compile_context>

<pallas_src>
import functools

import jax
import jax.numpy as jnp
from jax import lax
from jax.experimental import pallas as pl
from jax.experimental.pallas import tpu as pltpu
from jax.experimental.pallas import tpu_sc as plsc

_B = 4096
_D = 512
_C = 1000
_L = 16
_NCORE = 2
_NSUB = 16
_NW = _NCORE * _NSUB
_SPW = _B // _NSUB
_ROWS = 64
_NCH = _SPW // _ROWS
_CT = 1024
_CPW = _CT // _NSUB
_FV = _D // _L


_GATHER_DNUMS = lax.GatherDimensionNumbers(
    offset_dims=(), collapsed_slice_dims=(0,), start_index_map=(0,))


def _bcast_lane(vec, k):
    idx = jnp.full((_L, 1), k, jnp.int32)
    return lax.gather(vec, idx, _GATHER_DNUMS, slice_sizes=(1,),
                      mode=lax.GatherScatterMode.PROMISE_IN_BOUNDS)


def _sc_body(m1_hbm, m2_hbm, tgt_hbm, cent_hbm, out_hbm,
             tgt_v, idx_v, buf_v, cnt_v, inv_v, res_v, sums_sp,
             tsem, csem, msem, ssem):
    cid = lax.axis_index("c")
    sid = lax.axis_index("s")
    wid = sid * _NCORE + cid
    s0 = sid * _SPW

    zeros = jnp.zeros((_L,), jnp.float32)

    def _inbound(c):
        p = c % 2
        sl = pl.ds(s0 + c * _ROWS, _ROWS)
        a = pltpu.make_async_copy(m1_hbm.at[sl], buf_v.at[p], msem.at[p])
        b = pltpu.make_async_copy(m2_hbm.at[sl], buf_v.at[p], msem.at[p])
        return a, b

    def _start_inbound(c):
        a, b = _inbound(c)

        @pl.when(cid == 0)
        def _():
            a.start()

        @pl.when(cid == 1)
        def _():
            b.start()

    def _wait_inbound(c):
        a, _unused = _inbound(c)
        a.wait()

    def _scatter(c):
        p = c % 2
        return pltpu.make_async_copy(
            buf_v.at[p], sums_sp.at[idx_v.at[c]], ssem.at[p])

    tgt_cp = pltpu.make_async_copy(tgt_hbm, tgt_v, tsem)
    tgt_cp.start()
    _start_inbound(0)

    @plsc.parallel_loop(0, _CT // _L, unroll=4)
    def _zero_cnt(i):
        cnt_v[pl.ds(i * _L, _L)] = zeros

    @plsc.parallel_loop(0, _ROWS * _FV, unroll=4)
    def _zero_buf(i):
        buf_v[1, i // _FV, pl.ds((i % _FV) * _L, _L)] = zeros

    pltpu.sync_copy(buf_v.at[1], sums_sp.at[pl.ds(sid * _CPW, _ROWS)])

    tgt_cp.wait()

    @plsc.parallel_loop(0, _B // _L, unroll=2)
    def _prep(g):
        tvec = tgt_v[pl.ds(g * _L, _L)]
        dup, last = plsc.scan_count(tvec)
        plsc.addupdate_scatter(
            cnt_v, [tvec], dup.astype(jnp.float32), mask=last)

    @plsc.parallel_loop(0, _SPW // _L, unroll=2)
    def _prep_idx(g):
        c = g // (_ROWS // _L)
        off = (g % (_ROWS // _L)) * _L
        idx_v[c, pl.ds(off, _L)] = tgt_v[pl.ds(s0 + g * _L, _L)]

    plsc.subcore_barrier()

    for c in range(_NCH):
        _wait_inbound(c)
        _scatter(c).start(add=True)
        if c >= 1:
            _scatter(c - 1).wait()
        if c + 1 < _NCH:
            _start_inbound(c + 1)
    _scatter(_NCH - 1).wait()

    plsc.subcore_barrier()

    c0 = sid * _CPW
    cs = jnp.minimum(c0, _C - _CPW)
    pltpu.sync_copy(sums_sp.at[pl.ds(cs, _CPW)], buf_v.at[0])
    cent_cp = pltpu.make_async_copy(
        cent_hbm.at[pl.ds(cs, _CPW)], buf_v.at[1], csem)
    cent_cp.start()

    @plsc.parallel_loop(0, _CT // _L, unroll=4)
    def _inv_cnt(i):
        inv_v[pl.ds(i * _L, _L)] = 1.0 / jnp.maximum(cnt_v[pl.ds(i * _L, _L)], 1.0)

    cent_cp.wait()

    accs0 = (zeros, zeros, zeros, zeros)

    @plsc.parallel_loop(0, _CPW, carry=accs0)
    def _class_loop(ci, accs):
        cw = cnt_v[pl.ds(cs + ci, _L)]
        iw = inv_v[pl.ds(cs + ci, _L)]
        cb = _bcast_lane(cw, 0)
        inv = _bcast_lane(iw, 0)
        keep = jnp.full((_L,), 0, jnp.int32) + (cs + ci - c0) >= 0
        cb = jnp.where(keep, cb, 0.0)
        accs = list(accs)
        for f in range(_FV):
            d = buf_v[0, ci, pl.ds(f * _L, _L)] * inv \
                - buf_v[1, ci, pl.ds(f * _L, _L)]
            a = jnp.abs(d)
            h = jnp.where(a < 1.0, 0.5 * d * d, a - 0.5)
            accs[f % 4] = accs[f % 4] + cb * h
        return tuple(accs)

    accs = _class_loop
    res_v[...] = (accs[0] + accs[1]) + (accs[2] + accs[3])
    pltpu.sync_copy(res_v, out_hbm.at[wid])


_sc_kernel = functools.partial(
    pl.kernel,
    out_type=jax.ShapeDtypeStruct((_NW, _L), jnp.float32),
    mesh=plsc.VectorSubcoreMesh(core_axis_name="c", subcore_axis_name="s"),
    compiler_params=pltpu.CompilerParams(
        use_tc_tiling_on_sc=False, needs_layout_passes=False),
    scratch_types=[
        pltpu.VMEM((_B,), jnp.int32),
        pltpu.VMEM((_NCH, _ROWS), jnp.int32),
        pltpu.VMEM((2, _ROWS, _D), jnp.float32),
        pltpu.VMEM((_CT,), jnp.float32),
        pltpu.VMEM((_CT,), jnp.float32),
        pltpu.VMEM((_L,), jnp.float32),
        pltpu.VMEM_SHARED((_CT, _D), jnp.float32),
        pltpu.SemaphoreType.DMA,
        pltpu.SemaphoreType.DMA,
        pltpu.SemaphoreType.DMA((2,)),
        pltpu.SemaphoreType.DMA((2,)),
    ],
)(_sc_body)


def _tc_reduce_body(x_ref, o_ref):
    o_ref[...] = jnp.sum(x_ref[...]).reshape(1, 1) * (1.0 / (_B * _D))


def kernel(modal1_inputs, modal2_inputs, targets, centers_param):
    partials = _sc_kernel(modal1_inputs, modal2_inputs, targets, centers_param)
    out = pl.pallas_call(
        _tc_reduce_body,
        out_shape=jax.ShapeDtypeStruct((1, 1), jnp.float32),
    )(partials)
    return out[0, 0]

# --- scband reference (transcript-rebuilt; emitter-appended) ---
"""Pipeline reference for scband-cross-modal-center-contrastive-loss-36618891166025 (READ-ONLY COPY).

The authoritative reference and input builder live on the scoring server;
editing this copy changes nothing except your own understanding.
"""

import jax, jax.numpy as jnp
import numpy as np

NUM_CLASSES = 1000
FEAT_DIM = 512
BATCH = 4096


def smooth_l1(pred, target):
    diff = pred - target
    absd = jnp.abs(diff)
    return jnp.mean(jnp.where(absd < 1.0, 0.5 * diff * diff, absd - 0.5))


def setup_inputs(seed: int = 0) -> dict:
    key = jax.random.key(seed)
    k1, k2, k3, k4 = jax.random.split(key, 4)
    modal1_inputs = jax.random.normal(k1, (BATCH, FEAT_DIM), dtype=jnp.float32)
    modal2_inputs = jax.random.normal(k2, (BATCH, FEAT_DIM), dtype=jnp.float32)
    targets = jax.random.randint(k3, (BATCH,), 0, NUM_CLASSES).astype(jnp.int32)
    # learned parameter: class centers, initialized with uniform rand like torch.rand
    centers_param = jax.random.uniform(k4, (NUM_CLASSES, FEAT_DIM), dtype=jnp.float32)
    return {
        "modal1_inputs": modal1_inputs,
        "modal2_inputs": modal2_inputs,
        "targets": targets,
        "centers_param": centers_param,
    }


def reference(modal1_inputs, modal2_inputs, targets, centers_param):
    # Per-sample class means: for each i, mean over all j with targets[j] == targets[i].
    # Equivalent to the original python loop, computed via segment_sum + gather.
    sums1 = jax.ops.segment_sum(modal1_inputs, targets, num_segments=NUM_CLASSES)
    sums2 = jax.ops.segment_sum(modal2_inputs, targets, num_segments=NUM_CLASSES)
    counts = jax.ops.segment_sum(
        jnp.ones((modal1_inputs.shape[0],), dtype=modal1_inputs.dtype),
        targets,
        num_segments=NUM_CLASSES,
    )
    counts = jnp.maximum(counts, 1.0)[:, None]
    class_mean1 = sums1 / counts
    class_mean2 = sums2 / counts
    centersR = jnp.take(class_mean1, targets, axis=0)
    centersT = jnp.take(class_mean2, targets, axis=0)
    centers = jnp.take(centers_param, targets, axis=0)
    loss1 = smooth_l1(centersR, centers)
    loss2 = smooth_l1(centersT, centers)
    return loss1 + loss2

if __name__ == "__main__":
    import jax
    _d = setup_inputs()
    print(jax.jit(kernel)(*tuple(_d.values())))

</pallas_src>

<mosaic_0001>
#map = affine_map<(d0, d1) -> (0, 0)>
#map1 = affine_map<(d0, d1) -> (0)>
module attributes {stable_mosaic.version = 14 : i64} {
  func.func @_sc_body(%arg0: i32, %arg1: i32, %arg2: memref<4096x512xf32, #tpu.memory_space<hbm>>, %arg3: memref<4096x512xf32, #tpu.memory_space<hbm>>, %arg4: memref<4096xi32, #tpu.memory_space<hbm>>, %arg5: memref<1000x512xf32, #tpu.memory_space<hbm>>, %arg6: memref<32x16xf32, #tpu.memory_space<hbm>>, %arg7: memref<4096xi32, #tpu.memory_space<vmem>>, %arg8: memref<4x64xi32, #tpu.memory_space<vmem>>, %arg9: memref<2x64x512xf32, #tpu.memory_space<vmem>>, %arg10: memref<1024xf32, #tpu.memory_space<vmem>>, %arg11: memref<1024xf32, #tpu.memory_space<vmem>>, %arg12: memref<16xf32, #tpu.memory_space<vmem>>, %arg13: memref<1024x512xf32, #tpu.memory_space<vmem_shared>>, %arg14: memref<!tpu.dma_semaphore, #tpu.memory_space<semaphore_mem>>, %arg15: memref<!tpu.dma_semaphore, #tpu.memory_space<semaphore_mem>>, %arg16: memref<2x!tpu.dma_semaphore, #tpu.memory_space<semaphore_mem>>, %arg17: memref<2x!tpu.dma_semaphore, #tpu.memory_space<semaphore_mem>>) attributes {dimension_semantics = [#tpu.dimension_semantics<core_parallel>, #tpu.dimension_semantics<subcore_parallel>], iteration_bounds = array<i64: 2, 16>, scalar_prefetch = 0 : i64, scratch_operands = 11 : i64, tpu.core_type = #tpu.core_type<sc_vector_subcore>, window_params = [{transform_indices = #map}, {transform_indices = #map}, {transform_indices = #map1}, {transform_indices = #map}, {transform_indices = #map}]} {
    %mul3A = arith.constant 2 : i32
    %mul3A_0 = arith.muli %arg1, %mul3A : i32
    %add3A = arith.addi %mul3A_0, %arg0 : i32
    %mul3A_1 = arith.constant 256 : i32
    %mul3A_2 = arith.muli %arg1, %mul3A_1 : i32
    %broadcast_in_dim3A = arith.constant 0.000000e+00 : f32
    %broadcast_in_dim3A_3 = vector.broadcast %broadcast_in_dim3A : f32 to vector<16xf32>
    tpu.enqueue_dma source(%arg4 : memref<4096xi32, #tpu.memory_space<hbm>>) target(%arg7 : memref<4096xi32, #tpu.memory_space<vmem>>) target_semaphore(%arg14 : memref<!tpu.dma_semaphore, #tpu.memory_space<semaphore_mem>>)
    %add3A_4 = arith.constant 0 : i32
    %add3A_5 = arith.addi %mul3A_2, %add3A_4 : i32
    %eq3A = arith.constant 0 : i32
    %eq3A_6 = arith.cmpi eq, %arg0, %eq3A : i32
    %convert_element_type3A = arith.extui %eq3A_6 : i1 to i32
    %cond3A = arith.constant 0 : i32
    %cond3A_7 = arith.constant 0 : i32
    %cond3A_8 = arith.constant 0 : i32
    %cond3A_9 = arith.cmpi ne, %convert_element_type3A, %cond3A_8 : i32
    scf.if %cond3A_9 {
      %dma_start3A_310 = arith.constant 0 : i32
      %dma_start3A_311 = arith.constant 0 : i32
      %dma_start3A_312 = tpu.memref_slice %arg9[%cond3A, %dma_start3A_310, %dma_start3A_311] : memref<2x64x512xf32, #tpu.memory_space<vmem>> -> memref<1x64x512xf32, #tpu.memory_space<vmem>>
      %dma_start3A_313 = tpu.memref_squeeze %dma_start3A_312 : memref<1x64x512xf32, #tpu.memory_space<vmem>> -> memref<64x512xf32, #tpu.memory_space<vmem>>
      %dma_start3A_314 = arith.constant 0 : i32
      %dma_start3A_315 = tpu.memref_slice %arg2[%add3A_5, %dma_start3A_314] : memref<4096x512xf32, #tpu.memory_space<hbm>> -> memref<64x512xf32, #tpu.memory_space<hbm>>
      %dma_start3A_316 = tpu.memref_slice %arg16[%cond3A_7] : memref<2x!tpu.dma_semaphore, #tpu.memory_space<semaphore_mem>> -> memref<1x!tpu.dma_semaphore, #tpu.memory_space<semaphore_mem>>
      %dma_start3A_317 = tpu.memref_squeeze %dma_start3A_316 : memref<1x!tpu.dma_semaphore, #tpu.memory_space<semaphore_mem>> -> memref<!tpu.dma_semaphore, #tpu.memory_space<semaphore_mem>>
      %dma_start3A_318 = arith.constant 0 : i32
      %dma_start3A_319 = arith.constant 0 : i32
      %dma_start3A_320 = tpu.memref_slice %arg9[%cond3A, %dma_start3A_318, %dma_start3A_319] : memref<2x64x512xf32, #tpu.memory_space<vmem>> -> memref<1x64x512xf32, #tpu.memory_space<vmem>>
      %dma_start3A_321 = tpu.memref_squeeze %dma_start3A_320 : memref<1x64x512xf32, #tpu.memory_space<vmem>> -> memref<64x512xf32, #tpu.memory_space<vmem>>
      %dma_start3A_322 = arith.constant 0 : i32
      %dma_start3A_323 = tpu.memref_slice %arg2[%add3A_5, %dma_start3A_322] : memref<4096x512xf32, #tpu.memory_space<hbm>> -> memref<64x512xf32, #tpu.memory_space<hbm>>
      tpu.enqueue_dma source(%dma_start3A_323 : memref<64x512xf32, #tpu.memory_space<hbm>>) target(%dma_start3A_321 : memref<64x512xf32, #tpu.memory_space<vmem>>) target_semaphore(%dma_start3A_317 : memref<!tpu.dma_semaphore, #tpu.memory_space<semaphore_mem>>)
    } else {
    }
    %eq3A_10 = arith.constant 1 : i32
    %eq3A_11 = arith.cmpi eq, %arg0, %eq3A_10 : i32
    %convert_element_type3A_12 = arith.extui %eq3A_11 : i1 to i32
    %cond3A_13 = arith.constant 0 : i32
    %cond3A_14 = arith.constant 0 : i32
    %cond3A_15 = arith.constant 0 : i32
    %cond3A_16 = arith.cmpi ne, %convert_element_type3A_12, %cond3A_15 : i32
    scf.if %cond3A_16 {
      %dma_start3A_310 = arith.constant 0 : i32
      %dma_start3A_311 = arith.constant 0 : i32
      %dma_start3A_312 = tpu.memref_slice %arg9[%cond3A_13, %dma_start3A_310, %dma_start3A_311] : memref<2x64x512xf32, #tpu.memory_space<vmem>> -> memref<1x64x512xf32, #tpu.memory_space<vmem>>
      %dma_start3A_313 = tpu.memref_squeeze %dma_start3A_312 : memref<1x64x512xf32, #tpu.memory_space<vmem>> -> memref<64x512xf32, #tpu.memory_space<vmem>>
      %dma_start3A_314 = arith.constant 0 : i32
      %dma_start3A_315 = tpu.memref_slice %arg3[%add3A_5, %dma_start3A_314] : memref<4096x512xf32, #tpu.memory_space<hbm>> -> memref<64x512xf32, #tpu.memory_space<hbm>>
      %dma_start3A_316 = tpu.memref_slice %arg16[%cond3A_14] : memref<2x!tpu.dma_semaphore, #tpu.memory_space<semaphore_mem>> -> memref<1x!tpu.dma_semaphore, #tpu.memory_space<semaphore_mem>>
      %dma_start3A_317 = tpu.memref_squeeze %dma_start3A_316 : memref<1x!tpu.dma_semaphore, #tpu.memory_space<semaphore_mem>> -> memref<!tpu.dma_semaphore, #tpu.memory_space<semaphore_mem>>
      %dma_start3A_318 = arith.constant 0 : i32
      %dma_start3A_319 = arith.constant 0 : i32
      %dma_start3A_320 = tpu.memref_slice %arg9[%cond3A_13, %dma_start3A_318, %dma_start3A_319] : memref<2x64x512xf32, #tpu.memory_space<vmem>> -> memref<1x64x512xf32, #tpu.memory_space<vmem>>
      %dma_start3A_321 = tpu.memref_squeeze %dma_start3A_320 : memref<1x64x512xf32, #tpu.memory_space<vmem>> -> memref<64x512xf32, #tpu.memory_space<vmem>>
      %dma_start3A_322 = arith.constant 0 : i32
      %dma_start3A_323 = tpu.memref_slice %arg3[%add3A_5, %dma_start3A_322] : memref<4096x512xf32, #tpu.memory_space<hbm>> -> memref<64x512xf32, #tpu.memory_space<hbm>>
      tpu.enqueue_dma source(%dma_start3A_323 : memref<64x512xf32, #tpu.memory_space<hbm>>) target(%dma_start3A_321 : memref<64x512xf32, #tpu.memory_space<vmem>>) target_semaphore(%dma_start3A_317 : memref<!tpu.dma_semaphore, #tpu.memory_space<semaphore_mem>>)
    } else {
    }
    %parallel_loop3A = arith.constant 0 : i32
    %parallel_loop3A_17 = arith.constant 64 : i32
    %parallel_loop3A_18 = arith.constant 1 : i32
    scf.for %parallel_loop3A_310 = %parallel_loop3A to %parallel_loop3A_17 step %parallel_loop3A_18  : i32 {
      %parallel_loop3A_311 = arith.constant 16 : i32
      %parallel_loop3A_312 = arith.muli %parallel_loop3A_310, %parallel_loop3A_311 : i32
      %parallel_loop3A_313 = arith.index_cast %parallel_loop3A_312 : i32 to index
      %parallel_loop3A_314 = tpu.vector_load %arg10[%parallel_loop3A_313] {strides = array<i32>} : memref<1024xf32, #tpu.memory_space<vmem>>, vector<16xf32>,
      tpu.vector_store %arg10[%parallel_loop3A_313], %broadcast_in_dim3A_3 {strides = array<i32>} : memref<1024xf32, #tpu.memory_space<vmem>>, vector<16xf32>,
    } {sc.loop_unroll_factor = 4 : i64, sc.parallel_access}
    %parallel_loop3A_19 = arith.constant 0 : i32
    %parallel_loop3A_20 = arith.constant 2048 : i32
    %parallel_loop3A_21 = arith.constant 1 : i32
    scf.for %parallel_loop3A_310 = %parallel_loop3A_19 to %parallel_loop3A_20 step %parallel_loop3A_21  : i32 {
      %parallel_loop3A_311 = arith.constant 32 : i32
      %parallel_loop3A_312 = arith.divsi %parallel_loop3A_310, %parallel_loop3A_311 : i32
      %parallel_loop3A_313 = arith.constant 0 : i32
      %parallel_loop3A_314 = arith.cmpi sgt, %parallel_loop3A_310, %parallel_loop3A_313 : i32
      %parallel_loop3A_315 = arith.extui %parallel_loop3A_314 : i1 to i32
      %parallel_loop3A_316 = arith.constant 0 : i32
      %parallel_loop3A_317 = arith.cmpi slt, %parallel_loop3A_310, %parallel_loop3A_316 : i32
      %parallel_loop3A_318 = arith.extui %parallel_loop3A_317 : i1 to i32
      %parallel_loop3A_319 = arith.subi %parallel_loop3A_315, %parallel_loop3A_318 : i32
      %parallel_loop3A_320 = arith.constant 0 : i32
      %parallel_loop3A_321 = arith.cmpi sgt, %parallel_loop3A_311, %parallel_loop3A_320 : i32
      %parallel_loop3A_322 = arith.extui %parallel_loop3A_321 : i1 to i32
      %parallel_loop3A_323 = arith.constant 0 : i32
      %parallel_loop3A_324 = arith.cmpi slt, %parallel_loop3A_311, %parallel_loop3A_323 : i32
      %parallel_loop3A_325 = arith.extui %parallel_loop3A_324 : i1 to i32
      %parallel_loop3A_326 = arith.subi %parallel_loop3A_322, %parallel_loop3A_325 : i32
      %parallel_loop3A_327 = arith.cmpi ne, %parallel_loop3A_319, %parallel_loop3A_326 : i32
      %parallel_loop3A_328 = arith.remsi %parallel_loop3A_310, %parallel_loop3A_311 : i32
      %parallel_loop3A_329 = arith.constant 0 : i32
      %parallel_loop3A_330 = arith.cmpi ne, %parallel_loop3A_328, %parallel_loop3A_329 : i32
      %parallel_loop3A_331 = arith.andi %parallel_loop3A_327, %parallel_loop3A_330 : i1
      %parallel_loop3A_332 = arith.constant 1 : i32
      %parallel_loop3A_333 = arith.subi %parallel_loop3A_312, %parallel_loop3A_332 : i32
      %parallel_loop3A_334 = arith.select %parallel_loop3A_331, %parallel_loop3A_333, %parallel_loop3A_312 : i32
      %parallel_loop3A_335 = arith.constant 32 : i32
      %parallel_loop3A_336 = arith.constant 0 : i32
      %parallel_loop3A_337 = arith.cmpi eq, %parallel_loop3A_335, %parallel_loop3A_336 : i32
      %parallel_loop3A_338 = arith.constant 1 : i32
      %parallel_loop3A_339 = arith.select %parallel_loop3A_337, %parallel_loop3A_338, %parallel_loop3A_335 : i32
      %parallel_loop3A_340 = arith.remsi %parallel_loop3A_310, %parallel_loop3A_339 : i32
      %parallel_loop3A_341 = arith.constant 0 : i32
      %parallel_loop3A_342 = arith.cmpi ne, %parallel_loop3A_340, %parallel_loop3A_341 : i32
      %parallel_loop3A_343 = arith.constant 0 : i32
      %parallel_loop3A_344 = arith.cmpi slt, %parallel_loop3A_340, %parallel_loop3A_343 : i32
      %parallel_loop3A_345 = arith.constant 0 : i32
      %parallel_loop3A_346 = arith.cmpi slt, %parallel_loop3A_339, %parallel_loop3A_345 : i32
      %parallel_loop3A_347 = arith.xori %parallel_loop3A_344, %parallel_loop3A_346 : i1
      %parallel_loop3A_348 = arith.andi %parallel_loop3A_347, %parallel_loop3A_342 : i1
      %parallel_loop3A_349 = arith.addi %parallel_loop3A_340, %parallel_loop3A_339 : i32
      %parallel_loop3A_350 = arith.select %parallel_loop3A_348, %parallel_loop3A_349, %parallel_loop3A_340 : i32
      %parallel_loop3A_351 = arith.constant 16 : i32
      %parallel_loop3A_352 = arith.muli %parallel_loop3A_350, %parallel_loop3A_351 : i32
      %parallel_loop3A_353 = arith.constant 1 : i32
      %parallel_loop3A_354 = arith.index_cast %parallel_loop3A_353 : i32 to index
      %parallel_loop3A_355 = arith.index_cast %parallel_loop3A_334 : i32 to index
      %parallel_loop3A_356 = arith.index_cast %parallel_loop3A_352 : i32 to index
      %parallel_loop3A_357 = tpu.vector_load %arg9[%parallel_loop3A_354, %parallel_loop3A_355, %parallel_loop3A_356] {strides = array<i32>} : memref<2x64x512xf32, #tpu.memory_space<vmem>>, vector<16xf32>,
      tpu.vector_store %arg9[%parallel_loop3A_354, %parallel_loop3A_355, %parallel_loop3A_356], %broadcast_in_dim3A_3 {strides = array<i32>} : memref<2x64x512xf32, #tpu.memory_space<vmem>>, vector<16xf32>,
    } {sc.loop_unroll_factor = 4 : i64, sc.parallel_access}
    %mul3A_22 = arith.constant 64 : i32
    %mul3A_23 = arith.muli %arg1, %mul3A_22 : i32
    %run_scoped3A = arith.constant 1 : i32
    "tpu.region"() ({
      %run_scoped3A_310 = tpu.sem_alloc : memref<!tpu.dma_semaphore, #tpu.memory_space<semaphore_mem>>
      %dma_start3A_311 = arith.constant 0 : i32
      %dma_start3A_312 = arith.constant 0 : i32
      %dma_start3A_313 = tpu.memref_slice %arg9[%run_scoped3A, %dma_start3A_311, %dma_start3A_312] : memref<2x64x512xf32, #tpu.memory_space<vmem>> -> memref<1x64x512xf32, #tpu.memory_space<vmem>>
      %dma_start3A_314 = tpu.memref_squeeze %dma_start3A_313 : memref<1x64x512xf32, #tpu.memory_space<vmem>> -> memref<64x512xf32, #tpu.memory_space<vmem>>
      %dma_start3A_315 = arith.constant 0 : i32
      %dma_start3A_316 = tpu.memref_slice %arg13[%mul3A_23, %dma_start3A_315] : memref<1024x512xf32, #tpu.memory_space<vmem_shared>> -> memref<64x512xf32, #tpu.memory_space<vmem_shared>>
      %dma_start3A_317 = arith.constant 0 : i32
      %dma_start3A_318 = tpu.memref_slice %arg13[%mul3A_23, %dma_start3A_317] : memref<1024x512xf32, #tpu.memory_space<vmem_shared>> -> memref<64x512xf32, #tpu.memory_space<vmem_shared>>
      %dma_start3A_319 = arith.constant 0 : i32
      %dma_start3A_320 = arith.constant 0 : i32
      %dma_start3A_321 = tpu.memref_slice %arg9[%run_scoped3A, %dma_start3A_319, %dma_start3A_320] : memref<2x64x512xf32, #tpu.memory_space<vmem>> -> memref<1x64x512xf32, #tpu.memory_space<vmem>>
      %dma_start3A_322 = tpu.memref_squeeze %dma_start3A_321 : memref<1x64x512xf32, #tpu.memory_space<vmem>> -> memref<64x512xf32, #tpu.memory_space<vmem>>
      tpu.enqueue_dma source(%dma_start3A_322 : memref<64x512xf32, #tpu.memory_space<vmem>>) target(%dma_start3A_318 : memref<64x512xf32, #tpu.memory_space<vmem_shared>>) target_semaphore(%run_scoped3A_310 : memref<!tpu.dma_semaphore, #tpu.memory_space<semaphore_mem>>)
      %dma_wait3A_323 = arith.constant 0 : i32
      %dma_wait3A_324 = arith.constant 0 : i32
      %dma_wait3A_325 = tpu.memref_slice %arg9[%run_scoped3A, %dma_wait3A_323, %dma_wait3A_324] : memref<2x64x512xf32, #tpu.memory_space<vmem>> -> memref<1x64x512xf32, #tpu.memory_space<vmem>>
      %dma_wait3A_326 = tpu.memref_squeeze %dma_wait3A_325 : memref<1x64x512xf32, #tpu.memory_space<vmem>> -> memref<64x512xf32, #tpu.memory_space<vmem>>
      %dma_wait3A_327 = arith.constant 0 : i32
      %dma_wait3A_328 = tpu.memref_slice %arg13[%mul3A_23, %dma_wait3A_327] : memref<1024x512xf32, #tpu.memory_space<vmem_shared>> -> memref<64x512xf32, #tpu.memory_space<vmem_shared>>
      %dma_wait3A_329 = arith.constant 0 : i32
      %dma_wait3A_330 = tpu.memref_slice %arg13[%mul3A_23, %dma_wait3A_329] : memref<1024x512xf32, #tpu.memory_space<vmem_shared>> -> memref<64x512xf32, #tpu.memory_space<vmem_shared>>
      %dma_wait3A_331 = arith.constant 0 : i32
      %dma_wait3A_332 = arith.constant 0 : i32
      %dma_wait3A_333 = tpu.memref_slice %arg9[%run_scoped3A, %dma_wait3A_331, %dma_wait3A_332] : memref<2x64x512xf32, #tpu.memory_space<vmem>> -> memref<1x64x512xf32, #tpu.memory_space<vmem>>
      %dma_wait3A_334 = tpu.memref_squeeze %dma_wait3A_333 : memref<1x64x512xf32, #tpu.memory_space<vmem>> -> memref<64x512xf32, #tpu.memory_space<vmem>>
      tpu.wait_dma2 semaphore(%run_scoped3A_310 : memref<!tpu.dma_semaphore, #tpu.memory_space<semaphore_mem>>) src(%dma_wait3A_334 : memref<64x512xf32, #tpu.memory_space<vmem>>) dst(%dma_wait3A_330 : memref<64x512xf32, #tpu.memory_space<vmem_shared>>)
      tpu.yield
    }) : () -> ()
    tpu.wait_dma2 semaphore(%arg14 : memref<!tpu.dma_semaphore, #tpu.memory_space<semaphore_mem>>) src(%arg4 : memref<4096xi32, #tpu.memory_space<hbm>>) dst(%arg7 : memref<4096xi32, #tpu.memory_space<vmem>>)
    %parallel_loop3A_24 = arith.constant 0 : i32
    %parallel_loop3A_25 = arith.constant 256 : i32
    %parallel_loop3A_26 = arith.constant 1 : i32
    scf.for %parallel_loop3A_310 = %parallel_loop3A_24 to %parallel_loop3A_25 step %parallel_loop3A_26  : i32 {
      %parallel_loop3A_311 = arith.constant 16 : i32
      %parallel_loop3A_312 = arith.muli %parallel_loop3A_310, %parallel_loop3A_311 : i32
      %parallel_loop3A_313 = arith.index_cast %parallel_loop3A_312 : i32 to index
      %parallel_loop3A_314 = tpu.vector_load %arg7[%parallel_loop3A_313] {strides = array<i32>} : memref<4096xi32, #tpu.memory_space<vmem>>, vector<16xi32>,
      %parallel_loop3A_315 = arith.constant true
      %parallel_loop3A_316 = vector.broadcast %parallel_loop3A_315 : i1 to vector<16xi1>
      %parallel_loop3A_317, %parallel_loop3A_318 = tpu.scan_count mask(%parallel_loop3A_316 : vector<16xi1>) value(%parallel_loop3A_314 : vector<16xi32>) : vector<16xi1>, vector<16xi32>
      %parallel_loop3A_319 = arith.sitofp %parallel_loop3A_318 : vector<16xi32> to vector<16xf32>
      tpu.vector_store_idx %arg10[%parallel_loop3A_314], %parallel_loop3A_319 masked %parallel_loop3A_317 {add = true} : memref<1024xf32, #tpu.memory_space<vmem>>[vector<16xi32>], vector<16xf32>, vector<16xi1>
    } {sc.loop_unroll_factor = 2 : i64, sc.parallel_access}
    %parallel_loop3A_27 = arith.constant 0 : i32
    %parallel_loop3A_28 = arith.constant 16 : i32
    %parallel_loop3A_29 = arith.constant 1 : i32
    scf.for %parallel_loop3A_310 = %parallel_loop3A_27 to %parallel_loop3A_28 step %parallel_loop3A_29  : i32 {
      %parallel_loop3A_311 = arith.constant 4 : i32
      %parallel_loop3A_312 = arith.divsi %parallel_loop3A_310, %parallel_loop3A_311 : i32
      %parallel_loop3A_313 = arith.constant 0 : i32
      %parallel_loop3A_314 = arith.cmpi sgt, %parallel_loop3A_310, %parallel_loop3A_313 : i32
      %parallel_loop3A_315 = arith.extui %parallel_loop3A_314 : i1 to i32
      %parallel_loop3A_316 = arith.constant 0 : i32
      %parallel_loop3A_317 = arith.cmpi slt, %parallel_loop3A_310, %parallel_loop3A_316 : i32
      %parallel_loop3A_318 = arith.extui %parallel_loop3A_317 : i1 to i32
      %parallel_loop3A_319 = arith.subi %parallel_loop3A_315, %parallel_loop3A_318 : i32
      %parallel_loop3A_320 = arith.constant 0 : i32
      %parallel_loop3A_321 = arith.cmpi sgt, %parallel_loop3A_311, %parallel_loop3A_320 : i32
      %parallel_loop3A_322 = arith.extui %parallel_loop3A_321 : i1 to i32
      %parallel_loop3A_323 = arith.constant 0 : i32
      %parallel_loop3A_324 = arith.cmpi slt, %parallel_loop3A_311, %parallel_loop3A_323 : i32
      %parallel_loop3A_325 = arith.extui %parallel_loop3A_324 : i1 to i32
      %parallel_loop3A_326 = arith.subi %parallel_loop3A_322, %parallel_loop3A_325 : i32
      %parallel_loop3A_327 = arith.cmpi ne, %parallel_loop3A_319, %parallel_loop3A_326 : i32
      %parallel_loop3A_328 = arith.remsi %parallel_loop3A_310, %parallel_loop3A_311 : i32
      %parallel_loop3A_329 = arith.constant 0 : i32
      %parallel_loop3A_330 = arith.cmpi ne, %parallel_loop3A_328, %parallel_loop3A_329 : i32
      %parallel_loop3A_331 = arith.andi %parallel_loop3A_327, %parallel_loop3A_330 : i1
      %parallel_loop3A_332 = arith.constant 1 : i32
      %parallel_loop3A_333 = arith.subi %parallel_loop3A_312, %parallel_loop3A_332 : i32
      %parallel_loop3A_334 = arith.select %parallel_loop3A_331, %parallel_loop3A_333, %parallel_loop3A_312 : i32
      %parallel_loop3A_335 = arith.constant 4 : i32
      %parallel_loop3A_336 = arith.constant 0 : i32
      %parallel_loop3A_337 = arith.cmpi eq, %parallel_loop3A_335, %parallel_loop3A_336 : i32
      %parallel_loop3A_338 = arith.constant 1 : i32
      %parallel_loop3A_339 = arith.select %parallel_loop3A_337, %parallel_loop3A_338, %parallel_loop3A_335 : i32
      %parallel_loop3A_340 = arith.remsi %parallel_loop3A_310, %parallel_loop3A_339 : i32
      %parallel_loop3A_341 = arith.constant 0 : i32
      %parallel_loop3A_342 = arith.cmpi ne, %parallel_loop3A_340, %parallel_loop3A_341 : i32
      %parallel_loop3A_343 = arith.constant 0 : i32
      %parallel_loop3A_344 = arith.cmpi slt, %parallel_loop3A_340, %parallel_loop3A_343 : i32
      %parallel_loop3A_345 = arith.constant 0 : i32
      %parallel_loop3A_346 = arith.cmpi slt, %parallel_loop3A_339, %parallel_loop3A_345 : i32
      %parallel_loop3A_347 = arith.xori %parallel_loop3A_344, %parallel_loop3A_346 : i1
      %parallel_loop3A_348 = arith.andi %parallel_loop3A_347, %parallel_loop3A_342 : i1
      %parallel_loop3A_349 = arith.addi %parallel_loop3A_340, %parallel_loop3A_339 : i32
      %parallel_loop3A_350 = arith.select %parallel_loop3A_348, %parallel_loop3A_349, %parallel_loop3A_340 : i32
      %parallel_loop3A_351 = arith.constant 16 : i32
      %parallel_loop3A_352 = arith.muli %parallel_loop3A_350, %parallel_loop3A_351 : i32
      %parallel_loop3A_353 = arith.constant 16 : i32
      %parallel_loop3A_354 = arith.muli %parallel_loop3A_310, %parallel_loop3A_353 : i32
      %parallel_loop3A_355 = arith.addi %mul3A_2, %parallel_loop3A_354 : i32
      %parallel_loop3A_356 = arith.index_cast %parallel_loop3A_355 : i32 to index
      %parallel_loop3A_357 = tpu.vector_load %arg7[%parallel_loop3A_356] {strides = array<i32>} : memref<4096xi32, #tpu.memory_space<vmem>>, vector<16xi32>,
      %parallel_loop3A_358 = arith.index_cast %parallel_loop3A_334 : i32 to index
      %parallel_loop3A_359 = arith.index_cast %parallel_loop3A_352 : i32 to index
      %parallel_loop3A_360 = tpu.vector_load %arg8[%parallel_loop3A_358, %parallel_loop3A_359] {strides = array<i32>} : memref<4x64xi32, #tpu.memory_space<vmem>>, vector<16xi32>,
      tpu.vector_store %arg8[%parallel_loop3A_358, %parallel_loop3A_359], %parallel_loop3A_357 {strides = array<i32>} : memref<4x64xi32, #tpu.memory_space<vmem>>, vector<16xi32>,
    } {sc.loop_unroll_factor = 2 : i64, sc.parallel_access}
    %barrier3A = arith.constant 0 : index
    tpu.barrier barrier_id(%barrier3A)
    %add3A_30 = arith.constant 0 : i32
    %add3A_31 = arith.addi %mul3A_2, %add3A_30 : i32
    %dma_wait3A = arith.constant 0 : i32
    %dma_wait3A_32 = arith.constant 0 : i32
    %dma_wait3A_33 = arith.constant 0 : i32
    %dma_wait3A_34 = arith.constant 0 : i32
    %dma_wait3A_35 = tpu.memref_slice %arg9[%dma_wait3A, %dma_wait3A_33, %dma_wait3A_34] : memref<2x64x512xf32, #tpu.memory_space<vmem>> -> memref<1x64x512xf32, #tpu.memory_space<vmem>>
    %dma_wait3A_36 = tpu.memref_squeeze %dma_wait3A_35 : memref<1x64x512xf32, #tpu.memory_space<vmem>> -> memref<64x512xf32, #tpu.memory_space<vmem>>
    %dma_wait3A_37 = arith.constant 0 : i32
    %dma_wait3A_38 = tpu.memref_slice %arg2[%add3A_31, %dma_wait3A_37] : memref<4096x512xf32, #tpu.memory_space<hbm>> -> memref<64x512xf32, #tpu.memory_space<hbm>>
    %dma_wait3A_39 = tpu.memref_slice %arg16[%dma_wait3A_32] : memref<2x!tpu.dma_semaphore, #tpu.memory_space<semaphore_mem>> -> memref<1x!tpu.dma_semaphore, #tpu.memory_space<semaphore_mem>>
    %dma_wait3A_40 = tpu.memref_squeeze %dma_wait3A_39 : memref<1x!tpu.dma_semaphore, #tpu.memory_space<semaphore_mem>> -> memref<!tpu.dma_semaphore, #tpu.memory_space<semaphore_mem>>
    %dma_wait3A_41 = arith.constant 0 : i32
    %dma_wait3A_42 = arith.constant 0 : i32
    %dma_wait3A_43 = tpu.memref_slice %arg9[%dma_wait3A, %dma_wait3A_41, %dma_wait3A_42] : memref<2x64x512xf32, #tpu.memory_space<vmem>> -> memref<1x64x512xf32, #tpu.memory_space<vmem>>
    %dma_wait3A_44 = tpu.memref_squeeze %dma_wait3A_43 : memref<1x64x512xf32, #tpu.memory_space<vmem>> -> memref<64x512xf32, #tpu.memory_space<vmem>>
    %dma_wait3A_45 = arith.constant 0 : i32
    %dma_wait3A_46 = tpu.memref_slice %arg2[%add3A_31, %dma_wait3A_45] : memref<4096x512xf32, #tpu.memory_space<hbm>> -> memref<64x512xf32, #tpu.memory_space<hbm>>
    tpu.wait_dma2 semaphore(%dma_wait3A_40 : memref<!tpu.dma_semaphore, #tpu.memory_space<semaphore_mem>>) src(%dma_wait3A_46 : memref<64x512xf32, #tpu.memory_space<hbm>>) dst(%dma_wait3A_44 : memref<64x512xf32, #tpu.memory_space<vmem>>)
    %dma_start3A = arith.constant 0 : i32
    %dma_start3A_47 = arith.constant 0 : i32
    %dma_start3A_48 = arith.constant 0 : i32
    %dma_start3A_49 = arith.constant 0 : i32
    %dma_start3A_50 = arith.constant 0 : i32
    %dma_start3A_51 = tpu.memref_slice %arg9[%dma_start3A, %dma_start3A_49, %dma_start3A_50] : memref<2x64x512xf32, #tpu.memory_space<vmem>> -> memref<1x64x512xf32, #tpu.memory_space<vmem>>
    %dma_start3A_52 = tpu.memref_squeeze %dma_start3A_51 : memref<1x64x512xf32, #tpu.memory_space<vmem>> -> memref<64x512xf32, #tpu.memory_space<vmem>>
    %dma_start3A_53 = arith.constant 0 : i32
    %dma_start3A_54 = tpu.memref_slice %arg8[%dma_start3A_47, %dma_start3A_53] : memref<4x64xi32, #tpu.memory_space<vmem>> -> memref<1x64xi32, #tpu.memory_space<vmem>>
    %dma_start3A_55 = tpu.memref_squeeze %dma_start3A_54 : memref<1x64xi32, #tpu.memory_space<vmem>> -> memref<64xi32, #tpu.memory_space<vmem>>
    %dma_start3A_56 = arith.constant 0 : i32
    %dma_start3A_57 = arith.constant 0 : i32
    %dma_start3A_58 = tpu.memref_slice %arg13[%dma_start3A_56, %dma_start3A_57] : memref<1024x512xf32, #tpu.memory_space<vmem_shared>> -> memref<1024x512xf32, #tpu.memory_space<vmem_shared>>
    %dma_start3A_59 = tpu.memref_slice %arg17[%dma_start3A_48] : memref<2x!tpu.dma_semaphore, #tpu.memory_space<semaphore_mem>> -> memref<1x!tpu.dma_semaphore, #tpu.memory_space<semaphore_mem>>
    %dma_start3A_60 = tpu.memref_squeeze %dma_start3A_59 : memref<1x!tpu.dma_semaphore, #tpu.memory_space<semaphore_mem>> -> memref<!tpu.dma_semaphore, #tpu.memory_space<semaphore_mem>>
    tpu.enqueue_indirect_dma source(%dma_start3A_52 : memref<64x512xf32, #tpu.memory_space<vmem>>) target(%dma_start3A_58 : memref<1024x512xf32, #tpu.memory_space<vmem_shared>>) offsets(%dma_start3A_55 : memref<64xi32, #tpu.memory_space<vmem>>) semaphore(%dma_start3A_60 : memref<!tpu.dma_semaphore, #tpu.memory_space<semaphore_mem>>) {add = true}
    %add3A_61 = arith.constant 64 : i32
    %add3A_62 = arith.addi %mul3A_2, %add3A_61 : i32
    %eq3A_63 = arith.constant 0 : i32
    %eq3A_64 = arith.cmpi eq, %arg0, %eq3A_63 : i32
    %convert_element_type3A_65 = arith.extui %eq3A_64 : i1 to i32
    %cond3A_66 = arith.constant 1 : i32
    %cond3A_67 = arith.constant 1 : i32
    %cond3A_68 = arith.constant 0 : i32
    %cond3A_69 = arith.cmpi ne, %convert_element_type3A_65, %cond3A_68 : i32
    scf.if %cond3A_69 {
      %dma_start3A_310 = arith.constant 0 : i32
      %dma_start3A_311 = arith.constant 0 : i32
      %dma_start3A_312 = tpu.memref_slice %arg9[%cond3A_66, %dma_start3A_310, %dma_start3A_311] : memref<2x64x512xf32, #tpu.memory_space<vmem>> -> memref<1x64x512xf32, #tpu.memory_space<vmem>>
      %dma_start3A_313 = tpu.memref_squeeze %dma_start3A_312 : memref<1x64x512xf32, #tpu.memory_space<vmem>> -> memref<64x512xf32, #tpu.memory_space<vmem>>
      %dma_start3A_314 = arith.constant 0 : i32
      %dma_start3A_315 = tpu.memref_slice %arg2[%add3A_62, %dma_start3A_314] : memref<4096x512xf32, #tpu.memory_space<hbm>> -> memref<64x512xf32, #tpu.memory_space<hbm>>
      %dma_start3A_316 = tpu.memref_slice %arg16[%cond3A_67] : memref<2x!tpu.dma_semaphore, #tpu.memory_space<semaphore_mem>> -> memref<1x!tpu.dma_semaphore, #tpu.memory_space<semaphore_mem>>
      %dma_start3A_317 = tpu.memref_squeeze %dma_start3A_316 : memref<1x!tpu.dma_semaphore, #tpu.memory_space<semaphore_mem>> -> memref<!tpu.dma_semaphore, #tpu.memory_space<semaphore_mem>>
      %dma_start3A_318 = arith.constant 0 : i32
      %dma_start3A_319 = arith.constant 0 : i32
      %dma_start3A_320 = tpu.memref_slice %arg9[%cond3A_66, %dma_start3A_318, %dma_start3A_319] : memref<2x64x512xf32, #tpu.memory_space<vmem>> -> memref<1x64x512xf32, #tpu.memory_space<vmem>>
      %dma_start3A_321 = tpu.memref_squeeze %dma_start3A_320 : memref<1x64x512xf32, #tpu.memory_space<vmem>> -> memref<64x512xf32, #tpu.memory_space<vmem>>
      %dma_start3A_322 = arith.constant 0 : i32
      %dma_start3A_323 = tpu.memref_slice %arg2[%add3A_62, %dma_start3A_322] : memref<4096x512xf32, #tpu.memory_space<hbm>> -> memref<64x512xf32, #tpu.memory_space<hbm>>
      tpu.enqueue_dma source(%dma_start3A_323 : memref<64x512xf32, #tpu.memory_space<hbm>>) target(%dma_start3A_321 : memref<64x512xf32, #tpu.memory_space<vmem>>) target_semaphore(%dma_start3A_317 : memref<!tpu.dma_semaphore, #tpu.memory_space<semaphore_mem>>)
    } else {
    }
    %eq3A_70 = arith.constant 1 : i32
    %eq3A_71 = arith.cmpi eq, %arg0, %eq3A_70 : i32
    %convert_element_type3A_72 = arith.extui %eq3A_71 : i1 to i32
    %cond3A_73 = arith.constant 1 : i32
    %cond3A_74 = arith.constant 1 : i32
    %cond3A_75 = arith.constant 0 : i32
    %cond3A_76 = arith.cmpi ne, %convert_element_type3A_72, %cond3A_75 : i32
    scf.if %cond3A_76 {
      %dma_start3A_310 = arith.constant 0 : i32
      %dma_start3A_311 = arith.constant 0 : i32
      %dma_start3A_312 = tpu.memref_slice %arg9[%cond3A_73, %dma_start3A_310, %dma_start3A_311] : memref<2x64x512xf32, #tpu.memory_space<vmem>> -> memref<1x64x512xf32, #tpu.memory_space<vmem>>
      %dma_start3A_313 = tpu.memref_squeeze %dma_start3A_312 : memref<1x64x512xf32, #tpu.memory_space<vmem>> -> memref<64x512xf32, #tpu.memory_space<vmem>>
      %dma_start3A_314 = arith.constant 0 : i32
      %dma_start3A_315 = tpu.memref_slice %arg3[%add3A_62, %dma_start3A_314] : memref<4096x512xf32, #tpu.memory_space<hbm>> -> memref<64x512xf32, #tpu.memory_space<hbm>>
      %dma_start3A_316 = tpu.memref_slice %arg16[%cond3A_74] : memref<2x!tpu.dma_semaphore, #tpu.memory_space<semaphore_mem>> -> memref<1x!tpu.dma_semaphore, #tpu.memory_space<semaphore_mem>>
      %dma_start3A_317 = tpu.memref_squeeze %dma_start3A_316 : memref<1x!tpu.dma_semaphore, #tpu.memory_space<semaphore_mem>> -> memref<!tpu.dma_semaphore, #tpu.memory_space<semaphore_mem>>
      %dma_start3A_318 = arith.constant 0 : i32
      %dma_start3A_319 = arith.constant 0 : i32
      %dma_start3A_320 = tpu.memref_slice %arg9[%cond3A_73, %dma_start3A_318, %dma_start3A_319] : memref<2x64x512xf32, #tpu.memory_space<vmem>> -> memref<1x64x512xf32, #tpu.memory_space<vmem>>
      %dma_start3A_321 = tpu.memref_squeeze %dma_start3A_320 : memref<1x64x512xf32, #tpu.memory_space<vmem>> -> memref<64x512xf32, #tpu.memory_space<vmem>>
      %dma_start3A_322 = arith.constant 0 : i32
      %dma_start3A_323 = tpu.memref_slice %arg3[%add3A_62, %dma_start3A_322] : memref<4096x512xf32, #tpu.memory_space<hbm>> -> memref<64x512xf32, #tpu.memory_space<hbm>>
      tpu.enqueue_dma source(%dma_start3A_323 : memref<64x512xf32, #tpu.memory_space<hbm>>) target(%dma_start3A_321 : memref<64x512xf32, #tpu.memory_space<vmem>>) target_semaphore(%dma_start3A_317 : memref<!tpu.dma_semaphore, #tpu.memory_space<semaphore_mem>>)
    } else {
    }
    %add3A_77 = arith.constant 64 : i32
    %add3A_78 = arith.addi %mul3A_2, %add3A_77 : i32
    %dma_wait3A_79 = arith.constant 1 : i32
    %dma_wait3A_80 = arith.constant 1 : i32
    %dma_wait3A_81 = arith.constant 0 : i32
    %dma_wait3A_82 = arith.constant 0 : i32
    %dma_wait3A_83 = tpu.memref_slice %arg9[%dma_wait3A_79, %dma_wait3A_81, %dma_wait3A_82] : memref<2x64x512xf32, #tpu.memory_space<vmem>> -> memref<1x64x512xf32, #tpu.memory_space<vmem>>
    %dma_wait3A_84 = tpu.memref_squeeze %dma_wait3A_83 : memref<1x64x512xf32, #tpu.memory_space<vmem>> -> memref<64x512xf32, #tpu.memory_space<vmem>>
    %dma_wait3A_85 = arith.constant 0 : i32
    %dma_wait3A_86 = tpu.memref_slice %arg2[%add3A_78, %dma_wait3A_85] : memref<4096x512xf32, #tpu.memory_space<hbm>> -> memref<64x512xf32, #tpu.memory_space<hbm>>
    %dma_wait3A_87 = tpu.memref_slice %arg16[%dma_wait3A_80] : memref<2x!tpu.dma_semaphore, #tpu.memory_space<semaphore_mem>> -> memref<1x!tpu.dma_semaphore, #tpu.memory_space<semaphore_mem>>
    %dma_wait3A_88 = tpu.memref_squeeze %dma_wait3A_87 : memref<1x!tpu.dma_semaphore, #tpu.memory_space<semaphore_mem>> -> memref<!tpu.dma_semaphore, #tpu.memory_space<semaphore_mem>>
    %dma_wait3A_89 = arith.constant 0 : i32
    %dma_wait3A_90 = arith.constant 0 : i32
    %dma_wait3A_91 = tpu.memref_slice %arg9[%dma_wait3A_79, %dma_wait3A_89, %dma_wait3A_90] : memref<2x64x512xf32, #tpu.memory_space<vmem>> -> memref<1x64x512xf32, #tpu.memory_space<vmem>>
    %dma_wait3A_92 = tpu.memref_squeeze %dma_wait3A_91 : memref<1x64x512xf32, #tpu.memory_space<vmem>> -> memref<64x512xf32, #tpu.memory_space<vmem>>
    %dma_wait3A_93 = arith.constant 0 : i32
    %dma_wait3A_94 = tpu.memref_slice %arg2[%add3A_78, %dma_wait3A_93] : memref<4096x512xf32, #tpu.memory_space<hbm>> -> memref<64x512xf32, #tpu.memory_space<hbm>>
    tpu.wait_dma2 semaphore(%dma_wait3A_88 : memref<!tpu.dma_semaphore, #tpu.memory_space<semaphore_mem>>) src(%dma_wait3A_94 : memref<64x512xf32, #tpu.memory_space<hbm>>) dst(%dma_wait3A_92 : memref<64x512xf32, #tpu.memory_space<vmem>>)
    %dma_start3A_95 = arith.constant 1 : i32
    %dma_start3A_96 = arith.constant 1 : i32
    %dma_start3A_97 = arith.constant 1 : i32
    %dma_start3A_98 = arith.constant 0 : i32
    %dma_start3A_99 = arith.constant 0 : i32
    %dma_start3A_100 = tpu.memref_slice %arg9[%dma_start3A_95, %dma_start3A_98, %dma_start3A_99] : memref<2x64x512xf32, #tpu.memory_space<vmem>> -> memref<1x64x512xf32, #tpu.memory_space<vmem>>
    %dma_start3A_101 = tpu.memref_squeeze %dma_start3A_100 : memref<1x64x512xf32, #tpu.memory_space<vmem>> -> memref<64x512xf32, #tpu.memory_space<vmem>>
    %dma_start3A_102 = arith.constant 0 : i32
    %dma_start3A_103 = tpu.memref_slice %arg8[%dma_start3A_96, %dma_start3A_102] : memref<4x64xi32, #tpu.memory_space<vmem>> -> memref<1x64xi32, #tpu.memory_space<vmem>>
    %dma_start3A_104 = tpu.memref_squeeze %dma_start3A_103 : memref<1x64xi32, #tpu.memory_space<vmem>> -> memref<64xi32, #tpu.memory_space<vmem>>
    %dma_start3A_105 = arith.constant 0 : i32
    %dma_start3A_106 = arith.constant 0 : i32
    %dma_start3A_107 = tpu.memref_slice %arg13[%dma_start3A_105, %dma_start3A_106] : memref<1024x512xf32, #tpu.memory_space<vmem_shared>> -> memref<1024x512xf32, #tpu.memory_space<vmem_shared>>
    %dma_start3A_108 = tpu.memref_slice %arg17[%dma_start3A_97] : memref<2x!tpu.dma_semaphore, #tpu.memory_space<semaphore_mem>> -> memref<1x!tpu.dma_semaphore, #tpu.memory_space<semaphore_mem>>
    %dma_start3A_109 = tpu.memref_squeeze %dma_start3A_108 : memref<1x!tpu.dma_semaphore, #tpu.memory_space<semaphore_mem>> -> memref<!tpu.dma_semaphore, #tpu.memory_space<semaphore_mem>>
    tpu.enqueue_indirect_dma source(%dma_start3A_101 : memref<64x512xf32, #tpu.memory_space<vmem>>) target(%dma_start3A_107 : memref<1024x512xf32, #tpu.memory_space<vmem_shared>>) offsets(%dma_start3A_104 : memref<64xi32, #tpu.memory_space<vmem>>) semaphore(%dma_start3A_109 : memref<!tpu.dma_semaphore, #tpu.memory_space<semaphore_mem>>) {add = true}
    %dma_wait3A_110 = arith.constant 0 : i32
    %dma_wait3A_111 = arith.constant 0 : i32
    %dma_wait3A_112 = arith.constant 0 : i32
    %dma_wait3A_113 = arith.constant 0 : i32
    %dma_wait3A_114 = arith.constant 0 : i32
    %dma_wait3A_115 = tpu.memref_slice %arg9[%dma_wait3A_110, %dma_wait3A_113, %dma_wait3A_114] : memref<2x64x512xf32, #tpu.memory_space<vmem>> -> memref<1x64x512xf32, #tpu.memory_space<vmem>>
    %dma_wait3A_116 = tpu.memref_squeeze %dma_wait3A_115 : memref<1x64x512xf32, #tpu.memory_space<vmem>> -> memref<64x512xf32, #tpu.memory_space<vmem>>
    %dma_wait3A_117 = arith.constant 0 : i32
    %dma_wait3A_118 = tpu.memref_slice %arg8[%dma_wait3A_111, %dma_wait3A_117] : memref<4x64xi32, #tpu.memory_space<vmem>> -> memref<1x64xi32, #tpu.memory_space<vmem>>
    %dma_wait3A_119 = tpu.memref_squeeze %dma_wait3A_118 : memref<1x64xi32, #tpu.memory_space<vmem>> -> memref<64xi32, #tpu.memory_space<vmem>>
    %dma_wait3A_120 = arith.constant 0 : i32
    %dma_wait3A_121 = arith.constant 0 : i32
    %dma_wait3A_122 = tpu.memref_slice %arg13[%dma_wait3A_120, %dma_wait3A_121] : memref<1024x512xf32, #tpu.memory_space<vmem_shared>> -> memref<1024x512xf32, #tpu.memory_space<vmem_shared>>
    %dma_wait3A_123 = tpu.memref_slice %arg17[%dma_wait3A_112] : memref<2x!tpu.dma_semaphore, #tpu.memory_space<semaphore_mem>> -> memref<1x!tpu.dma_semaphore, #tpu.memory_space<semaphore_mem>>
    %dma_wait3A_124 = tpu.memref_squeeze %dma_wait3A_123 : memref<1x!tpu.dma_semaphore, #tpu.memory_space<semaphore_mem>> -> memref<!tpu.dma_semaphore, #tpu.memory_space<semaphore_mem>>
    tpu.wait_indirect_dma semaphore(%dma_wait3A_124 : memref<!tpu.dma_semaphore, #tpu.memory_space<semaphore_mem>>) src(%dma_wait3A_116 : memref<64x512xf32, #tpu.memory_space<vmem>>) dst(%dma_wait3A_122 : memref<1024x512xf32, #tpu.memory_space<vmem_shared>>)
    %add3A_125 = arith.constant 128 : i32
    %add3A_126 = arith.addi %mul3A_2, %add3A_125 : i32
    %eq3A_127 = arith.constant 0 : i32
    %eq3A_128 = arith.cmpi eq, %arg0, %eq3A_127 : i32
    %convert_element_type3A_129 = arith.extui %eq3A_128 : i1 to i32
    %cond3A_130 = arith.constant 0 : i32
    %cond3A_131 = arith.constant 0 : i32
    %cond3A_132 = arith.constant 0 : i32
    %cond3A_133 = arith.cmpi ne, %convert_element_type3A_129, %cond3A_132 : i32
    scf.if %cond3A_133 {
      %dma_start3A_310 = arith.constant 0 : i32
      %dma_start3A_311 = arith.constant 0 : i32
      %dma_start3A_312 = tpu.memref_slice %arg9[%cond3A_130, %dma_start3A_310, %dma_start3A_311] : memref<2x64x512xf32, #tpu.memory_space<vmem>> -> memref<1x64x512xf32, #tpu.memory_space<vmem>>
      %dma_start3A_313 = tpu.memref_squeeze %dma_start3A_312 : memref<1x64x512xf32, #tpu.memory_space<vmem>> -> memref<64x512xf32, #tpu.memory_space<vmem>>
      %dma_start3A_314 = arith.constant 0 : i32
      %dma_start3A_315 = tpu.memref_slice %arg2[%add3A_126, %dma_start3A_314] : memref<4096x512xf32, #tpu.memory_space<hbm>> -> memref<64x512xf32, #tpu.memory_space<hbm>>
      %dma_start3A_316 = tpu.memref_slice %arg16[%cond3A_131] : memref<2x!tpu.dma_semaphore, #tpu.memory_space<semaphore_mem>> -> memref<1x!tpu.dma_semaphore, #tpu.memory_space<semaphore_mem>>
      %dma_start3A_317 = tpu.memref_squeeze %dma_start3A_316 : memref<1x!tpu.dma_semaphore, #tpu.memory_space<semaphore_mem>> -> memref<!tpu.dma_semaphore, #tpu.memory_space<semaphore_mem>>
      %dma_start3A_318 = arith.constant 0 : i32
      %dma_start3A_319 = arith.constant 0 : i32
      %dma_start3A_320 = tpu.memref_slice %arg9[%cond3A_130, %dma_start3A_318, %dma_start3A_319] : memref<2x64x512xf32, #tpu.memory_space<vmem>> -> memref<1x64x512xf32, #tpu.memory_space<vmem>>
      %dma_start3A_321 = tpu.memref_squeeze %dma_start3A_320 : memref<1x64x512xf32, #tpu.memory_space<vmem>> -> memref<64x512xf32, #tpu.memory_space<vmem>>
      %dma_start3A_322 = arith.constant 0 : i32
      %dma_start3A_323 = tpu.memref_slice %arg2[%add3A_126, %dma_start3A_322] : memref<4096x512xf32, #tpu.memory_space<hbm>> -> memref<64x512xf32, #tpu.memory_space<hbm>>
      tpu.enqueue_dma source(%dma_start3A_323 : memref<64x512xf32, #tpu.memory_space<hbm>>) target(%dma_start3A_321 : memref<64x512xf32, #tpu.memory_space<vmem>>) target_semaphore(%dma_start3A_317 : memref<!tpu.dma_semaphore, #tpu.memory_space<semaphore_mem>>)
    } else {
    }
    %eq3A_134 = arith.constant 1 : i32
    %eq3A_135 = arith.cmpi eq, %arg0, %eq3A_134 : i32
    %convert_element_type3A_136 = arith.extui %eq3A_135 : i1 to i32
    %cond3A_137 = arith.constant 0 : i32
    %cond3A_138 = arith.constant 0 : i32
    %cond3A_139 = arith.constant 0 : i32
    %cond3A_140 = arith.cmpi ne, %convert_element_type3A_136, %cond3A_139 : i32
    scf.if %cond3A_140 {
      %dma_start3A_310 = arith.constant 0 : i32
      %dma_start3A_311 = arith.constant 0 : i32
      %dma_start3A_312 = tpu.memref_slice %arg9[%cond3A_137, %dma_start3A_310, %dma_start3A_311] : memref<2x64x512xf32, #tpu.memory_space<vmem>> -> memref<1x64x512xf32, #tpu.memory_space<vmem>>
      %dma_start3A_313 = tpu.memref_squeeze %dma_start3A_312 : memref<1x64x512xf32, #tpu.memory_space<vmem>> -> memref<64x512xf32, #tpu.memory_space<vmem>>
      %dma_start3A_314 = arith.constant 0 : i32
      %dma_start3A_315 = tpu.memref_slice %arg3[%add3A_126, %dma_start3A_314] : memref<4096x512xf32, #tpu.memory_space<hbm>> -> memref<64x512xf32, #tpu.memory_space<hbm>>
      %dma_start3A_316 = tpu.memref_slice %arg16[%cond3A_138] : memref<2x!tpu.dma_semaphore, #tpu.memory_space<semaphore_mem>> -> memref<1x!tpu.dma_semaphore, #tpu.memory_space<semaphore_mem>>
      %dma_start3A_317 = tpu.memref_squeeze %dma_start3A_316 : memref<1x!tpu.dma_semaphore, #tpu.memory_space<semaphore_mem>> -> memref<!tpu.dma_semaphore, #tpu.memory_space<semaphore_mem>>
      %dma_start3A_318 = arith.constant 0 : i32
      %dma_start3A_319 = arith.constant 0 : i32
      %dma_start3A_320 = tpu.memref_slice %arg9[%cond3A_137, %dma_start3A_318, %dma_start3A_319] : memref<2x64x512xf32, #tpu.memory_space<vmem>> -> memref<1x64x512xf32, #tpu.memory_space<vmem>>
      %dma_start3A_321 = tpu.memref_squeeze %dma_start3A_320 : memref<1x64x512xf32, #tpu.memory_space<vmem>> -> memref<64x512xf32, #tpu.memory_space<vmem>>
      %dma_start3A_322 = arith.constant 0 : i32
      %dma_start3A_323 = tpu.memref_slice %arg3[%add3A_126, %dma_start3A_322] : memref<4096x512xf32, #tpu.memory_space<hbm>> -> memref<64x512xf32, #tpu.memory_space<hbm>>
      tpu.enqueue_dma source(%dma_start3A_323 : memref<64x512xf32, #tpu.memory_space<hbm>>) target(%dma_start3A_321 : memref<64x512xf32, #tpu.memory_space<vmem>>) target_semaphore(%dma_start3A_317 : memref<!tpu.dma_semaphore, #tpu.memory_space<semaphore_mem>>)
    } else {
    }
    %add3A_141 = arith.constant 128 : i32
    %add3A_142 = arith.addi %mul3A_2, %add3A_141 : i32
    %dma_wait3A_143 = arith.constant 0 : i32
    %dma_wait3A_144 = arith.constant 0 : i32
    %dma_wait3A_145 = arith.constant 0 : i32
    %dma_wait3A_146 = arith.constant 0 : i32
    %dma_wait3A_147 = tpu.memref_slice %arg9[%dma_wait3A_143, %dma_wait3A_145, %dma_wait3A_146] : memref<2x64x512xf32, #tpu.memory_space<vmem>> -> memref<1x64x512xf32, #tpu.memory_space<vmem>>
    %dma_wait3A_148 = tpu.memref_squeeze %dma_wait3A_147 : memref<1x64x512xf32, #tpu.memory_space<vmem>> -> memref<64x512xf32, #tpu.memory_space<vmem>>
    %dma_wait3A_149 = arith.constant 0 : i32
    %dma_wait3A_150 = tpu.memref_slice %arg2[%add3A_142, %dma_wait3A_149] : memref<4096x512xf32, #tpu.memory_space<hbm>> -> memref<64x512xf32, #tpu.memory_space<hbm>>
    %dma_wait3A_151 = tpu.memref_slice %arg16[%dma_wait3A_144] : memref<2x!tpu.dma_semaphore, #tpu.memory_space<semaphore_mem>> -> memref<1x!tpu.dma_semaphore, #tpu.memory_space<semaphore_mem>>
    %dma_wait3A_152 = tpu.memref_squeeze %dma_wait3A_151 : memref<1x!tpu.dma_semaphore, #tpu.memory_space<semaphore_mem>> -> memref<!tpu.dma_semaphore, #tpu.memory_space<semaphore_mem>>
    %dma_wait3A_153 = arith.constant 0 : i32
    %dma_wait3A_154 = arith.constant 0 : i32
    %dma_wait3A_155 = tpu.memref_slice %arg9[%dma_wait3A_143, %dma_wait3A_153, %dma_wait3A_154] : memref<2x64x512xf32, #tpu.memory_space<vmem>> -> memref<1x64x512xf32, #tpu.memory_space<vmem>>
    %dma_wait3A_156 = tpu.memref_squeeze %dma_wait3A_155 : memref<1x64x512xf32, #tpu.memory_space<vmem>> -> memref<64x512xf32, #tpu.memory_space<vmem>>
    %dma_wait3A_157 = arith.constant 0 : i32
    %dma_wait3A_158 = tpu.memref_slice %arg2[%add3A_142, %dma_wait3A_157] : memref<4096x512xf32, #tpu.memory_space<hbm>> -> memref<64x512xf32, #tpu.memory_space<hbm>>
    tpu.wait_dma2 semaphore(%dma_wait3A_152 : memref<!tpu.dma_semaphore, #tpu.memory_space<semaphore_mem>>) src(%dma_wait3A_158 : memref<64x512xf32, #tpu.memory_space<hbm>>) dst(%dma_wait3A_156 : memref<64x512xf32, #tpu.memory_space<vmem>>)
    %dma_start3A_159 = arith.constant 0 : i32
    %dma_start3A_160 = arith.constant 2 : i32
    %dma_start3A_161 = arith.constant 0 : i32
    %dma_start3A_162 = arith.constant 0 : i32
    %dma_start3A_163 = arith.constant 0 : i32
    %dma_start3A_164 = tpu.memref_slice %arg9[%dma_start3A_159, %dma_start3A_162, %dma_start3A_163] : memref<2x64x512xf32, #tpu.memory_space<vmem>> -> memref<1x64x512xf32, #tpu.memory_space<vmem>>
    %dma_start3A_165 = tpu.memref_squeeze %dma_start3A_164 : memref<1x64x512xf32, #tpu.memory_space<vmem>> -> memref<64x512xf32, #tpu.memory_space<vmem>>
    %dma_start3A_166 = arith.constant 0 : i32
    %dma_start3A_167 = tpu.memref_slice %arg8[%dma_start3A_160, %dma_start3A_166] : memref<4x64xi32, #tpu.memory_space<vmem>> -> memref<1x64xi32, #tpu.memory_space<vmem>>
    %dma_start3A_168 = tpu.memref_squeeze %dma_start3A_167 : memref<1x64xi32, #tpu.memory_space<vmem>> -> memref<64xi32, #tpu.memory_space<vmem>>
    %dma_start3A_169 = arith.constant 0 : i32
    %dma_start3A_170 = arith.constant 0 : i32
    %dma_start3A_171 = tpu.memref_slice %arg13[%dma_start3A_169, %dma_start3A_170] : memref<1024x512xf32, #tpu.memory_space<vmem_shared>> -> memref<1024x512xf32, #tpu.memory_space<vmem_shared>>
    %dma_start3A_172 = tpu.memref_slice %arg17[%dma_start3A_161] : memref<2x!tpu.dma_semaphore, #tpu.memory_space<semaphore_mem>> -> memref<1x!tpu.dma_semaphore, #tpu.memory_space<semaphore_mem>>
    %dma_start3A_173 = tpu.memref_squeeze %dma_start3A_172 : memref<1x!tpu.dma_semaphore, #tpu.memory_space<semaphore_mem>> -> memref<!tpu.dma_semaphore, #tpu.memory_space<semaphore_mem>>
    tpu.enqueue_indirect_dma source(%dma_start3A_165 : memref<64x512xf32, #tpu.memory_space<vmem>>) target(%dma_start3A_171 : memref<1024x512xf32, #tpu.memory_space<vmem_shared>>) offsets(%dma_start3A_168 : memref<64xi32, #tpu.memory_space<vmem>>) semaphore(%dma_start3A_173 : memref<!tpu.dma_semaphore, #tpu.memory_space<semaphore_mem>>) {add = true}
    %dma_wait3A_174 = arith.constant 1 : i32
    %dma_wait3A_175 = arith.constant 1 : i32
    %dma_wait3A_176 = arith.constant 1 : i32
    %dma_wait3A_177 = arith.constant 0 : i32
    %dma_wait3A_178 = arith.constant 0 : i32
    %dma_wait3A_179 = tpu.memref_slice %arg9[%dma_wait3A_174, %dma_wait3A_177, %dma_wait3A_178] : memref<2x64x512xf32, #tpu.memory_space<vmem>> -> memref<1x64x512xf32, #tpu.memory_space<vmem>>
    %dma_wait3A_180 = tpu.memref_squeeze %dma_wait3A_179 : memref<1x64x512xf32, #tpu.memory_space<vmem>> -> memref<64x512xf32, #tpu.memory_space<vmem>>
    %dma_wait3A_181 = arith.constant 0 : i32
    %dma_wait3A_182 = tpu.memref_slice %arg8[%dma_wait3A_175, %dma_wait3A_181] : memref<4x64xi32, #tpu.memory_space<vmem>> -> memref<1x64xi32, #tpu.memory_space<vmem>>
    %dma_wait3A_183 = tpu.memref_squeeze %dma_wait3A_182 : memref<1x64xi32, #tpu.memory_space<vmem>> -> memref<64xi32, #tpu.memory_space<vmem>>
    %dma_wait3A_184 = arith.constant 0 : i32
    %dma_wait3A_185 = arith.constant 0 : i32
    %dma_wait3A_186 = tpu.memref_slice %arg13[%dma_wait3A_184, %dma_wait3A_185] : memref<1024x512xf32, #tpu.memory_space<vmem_shared>> -> memref<1024x512xf32, #tpu.memory_space<vmem_shared>>
    %dma_wait3A_187 = tpu.memref_slice %arg17[%dma_wait3A_176] : memref<2x!tpu.dma_semaphore, #tpu.memory_space<semaphore_mem>> -> memref<1x!tpu.dma_semaphore, #tpu.memory_space<semaphore_mem>>
    %dma_wait3A_188 = tpu.memref_squeeze %dma_wait3A_187 : memref<1x!tpu.dma_semaphore, #tpu.memory_space<semaphore_mem>> -> memref<!tpu.dma_semaphore, #tpu.memory_space<semaphore_mem>>
    tpu.wait_indirect_dma semaphore(%dma_wait3A_188 : memref<!tpu.dma_semaphore, #tpu.memory_space<semaphore_mem>>) src(%dma_wait3A_180 : memref<64x512xf32, #tpu.memory_space<vmem>>) dst(%dma_wait3A_186 : memref<1024x512xf32, #tpu.memory_space<vmem_shared>>)
    %add3A_189 = arith.constant 192 : i32
    %add3A_190 = arith.addi %mul3A_2, %add3A_189 : i32
    %eq3A_191 = arith.constant 0 : i32
    %eq3A_192 = arith.cmpi eq, %arg0, %eq3A_191 : i32
    %convert_element_type3A_193 = arith.extui %eq3A_192 : i1 to i32
    %cond3A_194 = arith.constant 1 : i32
    %cond3A_195 = arith.constant 1 : i32
    %cond3A_196 = arith.constant 0 : i32
    %cond3A_197 = arith.cmpi ne, %convert_element_type3A_193, %cond3A_196 : i32
    scf.if %cond3A_197 {
      %dma_start3A_310 = arith.constant 0 : i32
      %dma_start3A_311 = arith.constant 0 : i32
      %dma_start3A_312 = tpu.memref_slice %arg9[%cond3A_194, %dma_start3A_310, %dma_start3A_311] : memref<2x64x512xf32, #tpu.memory_space<vmem>> -> memref<1x64x512xf32, #tpu.memory_space<vmem>>
      %dma_start3A_313 = tpu.memref_squeeze %dma_start3A_312 : memref<1x64x512xf32, #tpu.memory_space<vmem>> -> memref<64x512xf32, #tpu.memory_space<vmem>>
      %dma_start3A_314 = arith.constant 0 : i32
      %dma_start3A_315 = tpu.memref_slice %arg2[%add3A_190, %dma_start3A_314] : memref<4096x512xf32, #tpu.memory_space<hbm>> -> memref<64x512xf32, #tpu.memory_space<hbm>>
      %dma_start3A_316 = tpu.memref_slice %arg16[%cond3A_195] : memref<2x!tpu.dma_semaphore, #tpu.memory_space<semaphore_mem>> -> memref<1x!tpu.dma_semaphore, #tpu.memory_space<semaphore_mem>>
      %dma_start3A_317 = tpu.memref_squeeze %dma_start3A_316 : memref<1x!tpu.dma_semaphore, #tpu.memory_space<semaphore_mem>> -> memref<!tpu.dma_semaphore, #tpu.memory_space<semaphore_mem>>
      %dma_start3A_318 = arith.constant 0 : i32
      %dma_start3A_319 = arith.constant 0 : i32
      %dma_start3A_320 = tpu.memref_slice %arg9[%cond3A_194, %dma_start3A_318, %dma_start3A_319] : memref<2x64x512xf32, #tpu.memory_space<vmem>> -> memref<1x64x512xf32, #tpu.memory_space<vmem>>
      %dma_start3A_321 = tpu.memref_squeeze %dma_start3A_320 : memref<1x64x512xf32, #tpu.memory_space<vmem>> -> memref<64x512xf32, #tpu.memory_space<vmem>>
      %dma_start3A_322 = arith.constant 0 : i32
      %dma_start3A_323 = tpu.memref_slice %arg2[%add3A_190, %dma_start3A_322] : memref<4096x512xf32, #tpu.memory_space<hbm>> -> memref<64x512xf32, #tpu.memory_space<hbm>>
      tpu.enqueue_dma source(%dma_start3A_323 : memref<64x512xf32, #tpu.memory_space<hbm>>) target(%dma_start3A_321 : memref<64x512xf32, #tpu.memory_space<vmem>>) target_semaphore(%dma_start3A_317 : memref<!tpu.dma_semaphore, #tpu.memory_space<semaphore_mem>>)
    } else {
    }
    %eq3A_198 = arith.constant 1 : i32
    %eq3A_199 = arith.cmpi eq, %arg0, %eq3A_198 : i32
    %convert_element_type3A_200 = arith.extui %eq3A_199 : i1 to i32
    %cond3A_201 = arith.constant 1 : i32
    %cond3A_202 = arith.constant 1 : i32
    %cond3A_203 = arith.constant 0 : i32
    %cond3A_204 = arith.cmpi ne, %convert_element_type3A_200, %cond3A_203 : i32
    scf.if %cond3A_204 {
      %dma_start3A_310 = arith.constant 0 : i32
      %dma_start3A_311 = arith.constant 0 : i32
      %dma_start3A_312 = tpu.memref_slice %arg9[%cond3A_201, %dma_start3A_310, %dma_start3A_311] : memref<2x64x512xf32, #tpu.memory_space<vmem>> -> memref<1x64x512xf32, #tpu.memory_space<vmem>>
      %dma_start3A_313 = tpu.memref_squeeze %dma_start3A_312 : memref<1x64x512xf32, #tpu.memory_space<vmem>> -> memref<64x512xf32, #tpu.memory_space<vmem>>
      %dma_start3A_314 = arith.constant 0 : i32
      %dma_start3A_315 = tpu.memref_slice %arg3[%add3A_190, %dma_start3A_314] : memref<4096x512xf32, #tpu.memory_space<hbm>> -> memref<64x512xf32, #tpu.memory_space<hbm>>
      %dma_start3A_316 = tpu.memref_slice %arg16[%cond3A_202] : memref<2x!tpu.dma_semaphore, #tpu.memory_space<semaphore_mem>> -> memref<1x!tpu.dma_semaphore, #tpu.memory_space<semaphore_mem>>
      %dma_start3A_317 = tpu.memref_squeeze %dma_start3A_316 : memref<1x!tpu.dma_semaphore, #tpu.memory_space<semaphore_mem>> -> memref<!tpu.dma_semaphore, #tpu.memory_space<semaphore_mem>>
      %dma_start3A_318 = arith.constant 0 : i32
      %dma_start3A_319 = arith.constant 0 : i32
      %dma_start3A_320 = tpu.memref_slice %arg9[%cond3A_201, %dma_start3A_318, %dma_start3A_319] : memref<2x64x512xf32, #tpu.memory_space<vmem>> -> memref<1x64x512xf32, #tpu.memory_space<vmem>>
      %dma_start3A_321 = tpu.memref_squeeze %dma_start3A_320 : memref<1x64x512xf32, #tpu.memory_space<vmem>> -> memref<64x512xf32, #tpu.memory_space<vmem>>
      %dma_start3A_322 = arith.constant 0 : i32
      %dma_start3A_323 = tpu.memref_slice %arg3[%add3A_190, %dma_start3A_322] : memref<4096x512xf32, #tpu.memory_space<hbm>> -> memref<64x512xf32, #tpu.memory_space<hbm>>
      tpu.enqueue_dma source(%dma_start3A_323 : memref<64x512xf32, #tpu.memory_space<hbm>>) target(%dma_start3A_321 : memref<64x512xf32, #tpu.memory_space<vmem>>) target_semaphore(%dma_start3A_317 : memref<!tpu.dma_semaphore, #tpu.memory_space<semaphore_mem>>)
    } else {
    }
    %add3A_205 = arith.constant 192 : i32
    %add3A_206 = arith.addi %mul3A_2, %add3A_205 : i32
    %dma_wait3A_207 = arith.constant 1 : i32
    %dma_wait3A_208 = arith.constant 1 : i32
    %dma_wait3A_209 = arith.constant 0 : i32
    %dma_wait3A_210 = arith.constant 0 : i32
    %dma_wait3A_211 = tpu.memref_slice %arg9[%dma_wait3A_207, %dma_wait3A_209, %dma_wait3A_210] : memref<2x64x512xf32, #tpu.memory_space<vmem>> -> memref<1x64x512xf32, #tpu.memory_space<vmem>>
    %dma_wait3A_212 = tpu.memref_squeeze %dma_wait3A_211 : memref<1x64x512xf32, #tpu.memory_space<vmem>> -> memref<64x512xf32, #tpu.memory_space<vmem>>
    %dma_wait3A_213 = arith.constant 0 : i32
    %dma_wait3A_214 = tpu.memref_slice %arg2[%add3A_206, %dma_wait3A_213] : memref<4096x512xf32, #tpu.memory_space<hbm>> -> memref<64x512xf32, #tpu.memory_space<hbm>>
    %dma_wait3A_215 = tpu.memref_slice %arg16[%dma_wait3A_208] : memref<2x!tpu.dma_semaphore, #tpu.memory_space<semaphore_mem>> -> memref<1x!tpu.dma_semaphore, #tpu.memory_space<semaphore_mem>>
    %dma_wait3A_216 = tpu.memref_squeeze %dma_wait3A_215 : memref<1x!tpu.dma_semaphore, #tpu.memory_space<semaphore_mem>> -> memref<!tpu.dma_semaphore, #tpu.memory_space<semaphore_mem>>
    %dma_wait3A_217 = arith.constant 0 : i32
    %dma_wait3A_218 = arith.constant 0 : i32
    %dma_wait3A_219 = tpu.memref_slice %arg9[%dma_wait3A_207, %dma_wait3A_217, %dma_wait3A_218] : memref<2x64x512xf32, #tpu.memory_space<vmem>> -> memref<1x64x512xf32, #tpu.memory_space<vmem>>
    %dma_wait3A_220 = tpu.memref_squeeze %dma_wait3A_219 : memref<1x64x512xf32, #tpu.memory_space<vmem>> -> memref<64x512xf32, #tpu.memory_space<vmem>>
    %dma_wait3A_221 = arith.constant 0 : i32
    %dma_wait3A_222 = tpu.memref_slice %arg2[%add3A_206, %dma_wait3A_221] : memref<4096x512xf32, #tpu.memory_space<hbm>> -> memref<64x512xf32, #tpu.memory_space<hbm>>
    tpu.wait_dma2 semaphore(%dma_wait3A_216 : memref<!tpu.dma_semaphore, #tpu.memory_space<semaphore_mem>>) src(%dma_wait3A_222 : memref<64x512xf32, #tpu.memory_space<hbm>>) dst(%dma_wait3A_220 : memref<64x512xf32, #tpu.memory_space<vmem>>)
    %dma_start3A_223 = arith.constant 1 : i32
    %dma_start3A_224 = arith.constant 3 : i32
    %dma_start3A_225 = arith.constant 1 : i32
    %dma_start3A_226 = arith.constant 0 : i32
    %dma_start3A_227 = arith.constant 0 : i32
    %dma_start3A_228 = tpu.memref_slice %arg9[%dma_start3A_223, %dma_start3A_226, %dma_start3A_227] : memref<2x64x512xf32, #tpu.memory_space<vmem>> -> memref<1x64x512xf32, #tpu.memory_space<vmem>>
    %dma_start3A_229 = tpu.memref_squeeze %dma_start3A_228 : memref<1x64x512xf32, #tpu.memory_space<vmem>> -> memref<64x512xf32, #tpu.memory_space<vmem>>
    %dma_start3A_230 = arith.constant 0 : i32
    %dma_start3A_231 = tpu.memref_slice %arg8[%dma_start3A_224, %dma_start3A_230] : memref<4x64xi32, #tpu.memory_space<vmem>> -> memref<1x64xi32, #tpu.memory_space<vmem>>
    %dma_start3A_232 = tpu.memref_squeeze %dma_start3A_231 : memref<1x64xi32, #tpu.memory_space<vmem>> -> memref<64xi32, #tpu.memory_space<vmem>>
    %dma_start3A_233 = arith.constant 0 : i32
    %dma_start3A_234 = arith.constant 0 : i32
    %dma_start3A_235 = tpu.memref_slice %arg13[%dma_start3A_233, %dma_start3A_234] : memref<1024x512xf32, #tpu.memory_space<vmem_shared>> -> memref<1024x512xf32, #tpu.memory_space<vmem_shared>>
    %dma_start3A_236 = tpu.memref_slice %arg17[%dma_start3A_225] : memref<2x!tpu.dma_semaphore, #tpu.memory_space<semaphore_mem>> -> memref<1x!tpu.dma_semaphore, #tpu.memory_space<semaphore_mem>>
    %dma_start3A_237 = tpu.memref_squeeze %dma_start3A_236 : memref<1x!tpu.dma_semaphore, #tpu.memory_space<semaphore_mem>> -> memref<!tpu.dma_semaphore, #tpu.memory_space<semaphore_mem>>
    tpu.enqueue_indirect_dma source(%dma_start3A_229 : memref<64x512xf32, #tpu.memory_space<vmem>>) target(%dma_start3A_235 : memref<1024x512xf32, #tpu.memory_space<vmem_shared>>) offsets(%dma_start3A_232 : memref<64xi32, #tpu.memory_space<vmem>>) semaphore(%dma_start3A_237 : memref<!tpu.dma_semaphore, #tpu.memory_space<semaphore_mem>>) {add = true}
    %dma_wait3A_238 = arith.constant 0 : i32
    %dma_wait3A_239 = arith.constant 2 : i32
    %dma_wait3A_240 = arith.constant 0 : i32
    %dma_wait3A_241 = arith.constant 0 : i32
    %dma_wait3A_242 = arith.constant 0 : i32
    %dma_wait3A_243 = tpu.memref_slice %arg9[%dma_wait3A_238, %dma_wait3A_241, %dma_wait3A_242] : memref<2x64x512xf32, #tpu.memory_space<vmem>> -> memref<1x64x512xf32, #tpu.memory_space<vmem>>
    %dma_wait3A_244 = tpu.memref_squeeze %dma_wait3A_243 : memref<1x64x512xf32, #tpu.memory_space<vmem>> -> memref<64x512xf32, #tpu.memory_space<vmem>>
    %dma_wait3A_245 = arith.constant 0 : i32
    %dma_wait3A_246 = tpu.memref_slice %arg8[%dma_wait3A_239, %dma_wait3A_245] : memref<4x64xi32, #tpu.memory_space<vmem>> -> memref<1x64xi32, #tpu.memory_space<vmem>>
    %dma_wait3A_247 = tpu.memref_squeeze %dma_wait3A_246 : memref<1x64xi32, #tpu.memory_space<vmem>> -> memref<64xi32, #tpu.memory_space<vmem>>
    %dma_wait3A_248 = arith.constant 0 : i32
    %dma_wait3A_249 = arith.constant 0 : i32
    %dma_wait3A_250 = tpu.memref_slice %arg13[%dma_wait3A_248, %dma_wait3A_249] : memref<1024x512xf32, #tpu.memory_space<vmem_shared>> -> memref<1024x512xf32, #tpu.memory_space<vmem_shared>>
    %dma_wait3A_251 = tpu.memref_slice %arg17[%dma_wait3A_240] : memref<2x!tpu.dma_semaphore, #tpu.memory_space<semaphore_mem>> -> memref<1x!tpu.dma_semaphore, #tpu.memory_space<semaphore_mem>>
    %dma_wait3A_252 = tpu.memref_squeeze %dma_wait3A_251 : memref<1x!tpu.dma_semaphore, #tpu.memory_space<semaphore_mem>> -> memref<!tpu.dma_semaphore, #tpu.memory_space<semaphore_mem>>
    tpu.wait_indirect_dma semaphore(%dma_wait3A_252 : memref<!tpu.dma_semaphore, #tpu.memory_space<semaphore_mem>>) src(%dma_wait3A_244 : memref<64x512xf32, #tpu.memory_space<vmem>>) dst(%dma_wait3A_250 : memref<1024x512xf32, #tpu.memory_space<vmem_shared>>)
    %dma_wait3A_253 = arith.constant 1 : i32
    %dma_wait3A_254 = arith.constant 3 : i32
    %dma_wait3A_255 = arith.constant 1 : i32
    %dma_wait3A_256 = arith.constant 0 : i32
    %dma_wait3A_257 = arith.constant 0 : i32
    %dma_wait3A_258 = tpu.memref_slice %arg9[%dma_wait3A_253, %dma_wait3A_256, %dma_wait3A_257] : memref<2x64x512xf32, #tpu.memory_space<vmem>> -> memref<1x64x512xf32, #tpu.memory_space<vmem>>
    %dma_wait3A_259 = tpu.memref_squeeze %dma_wait3A_258 : memref<1x64x512xf32, #tpu.memory_space<vmem>> -> memref<64x512xf32, #tpu.memory_space<vmem>>
    %dma_wait3A_260 = arith.constant 0 : i32
    %dma_wait3A_261 = tpu.memref_slice %arg8[%dma_wait3A_254, %dma_wait3A_260] : memref<4x64xi32, #tpu.memory_space<vmem>> -> memref<1x64xi32, #tpu.memory_space<vmem>>
    %dma_wait3A_262 = tpu.memref_squeeze %dma_wait3A_261 : memref<1x64xi32, #tpu.memory_space<vmem>> -> memref<64xi32, #tpu.memory_space<vmem>>
    %dma_wait3A_263 = arith.constant 0 : i32
    %dma_wait3A_264 = arith.constant 0 : i32
    %dma_wait3A_265 = tpu.memref_slice %arg13[%dma_wait3A_263, %dma_wait3A_264] : memref<1024x512xf32, #tpu.memory_space<vmem_shared>> -> memref<1024x512xf32, #tpu.memory_space<vmem_shared>>
    %dma_wait3A_266 = tpu.memref_slice %arg17[%dma_wait3A_255] : memref<2x!tpu.dma_semaphore, #tpu.memory_space<semaphore_mem>> -> memref<1x!tpu.dma_semaphore, #tpu.memory_space<semaphore_mem>>
    %dma_wait3A_267 = tpu.memref_squeeze %dma_wait3A_266 : memref<1x!tpu.dma_semaphore, #tpu.memory_space<semaphore_mem>> -> memref<!tpu.dma_semaphore, #tpu.memory_space<semaphore_mem>>
    tpu.wait_indirect_dma semaphore(%dma_wait3A_267 : memref<!tpu.dma_semaphore, #tpu.memory_space<semaphore_mem>>) src(%dma_wait3A_259 : memref<64x512xf32, #tpu.memory_space<vmem>>) dst(%dma_wait3A_265 : memref<1024x512xf32, #tpu.memory_space<vmem_shared>>)
    %barrier3A_268 = arith.constant 0 : index
    tpu.barrier barrier_id(%barrier3A_268)
    %mul3A_269 = arith.constant 64 : i32
    %mul3A_270 = arith.muli %arg1, %mul3A_269 : i32
    %min3A = arith.constant 936 : i32
    %min3A_271 = arith.minsi %mul3A_270, %min3A : i32
    %run_scoped3A_272 = arith.constant 0 : i32
    "tpu.region"() ({
      %run_scoped3A_310 = tpu.sem_alloc : memref<!tpu.dma_semaphore, #tpu.memory_space<semaphore_mem>>
      %dma_start3A_311 = arith.constant 0 : i32
      %dma_start3A_312 = arith.constant 0 : i32
      %dma_start3A_313 = tpu.memref_slice %arg9[%run_scoped3A_272, %dma_start3A_311, %dma_start3A_312] : memref<2x64x512xf32, #tpu.memory_space<vmem>> -> memref<1x64x512xf32, #tpu.memory_space<vmem>>
      %dma_start3A_314 = tpu.memref_squeeze %dma_start3A_313 : memref<1x64x512xf32, #tpu.memory_space<vmem>> -> memref<64x512xf32, #tpu.memory_space<vmem>>
      %dma_start3A_315 = arith.constant 0 : i32
      %dma_start3A_316 = tpu.memref_slice %arg13[%min3A_271, %dma_start3A_315] : memref<1024x512xf32, #tpu.memory_space<vmem_shared>> -> memref<64x512xf32, #tpu.memory_space<vmem_shared>>
      %dma_start3A_317 = arith.constant 0 : i32
      %dma_start3A_318 = arith.constant 0 : i32
      %dma_start3A_319 = tpu.memref_slice %arg9[%run_scoped3A_272, %dma_start3A_317, %dma_start3A_318] : memref<2x64x512xf32, #tpu.memory_space<vmem>> -> memref<1x64x512xf32, #tpu.memory_space<vmem>>
      %dma_start3A_320 = tpu.memref_squeeze %dma_start3A_319 : memref<1x64x512xf32, #tpu.memory_space<vmem>> -> memref<64x512xf32, #tpu.memory_space<vmem>>
      %dma_start3A_321 = arith.constant 0 : i32
      %dma_start3A_322 = tpu.memref_slice %arg13[%min3A_271, %dma_start3A_321] : memref<1024x512xf32, #tpu.memory_space<vmem_shared>> -> memref<64x512xf32, #tpu.memory_space<vmem_shared>>
      tpu.enqueue_dma source(%dma_start3A_322 : memref<64x512xf32, #tpu.memory_space<vmem_shared>>) target(%dma_start3A_320 : memref<64x512xf32, #tpu.memory_space<vmem>>) target_semaphore(%run_scoped3A_310 : memref<!tpu.dma_semaphore, #tpu.memory_space<semaphore_mem>>)
      %dma_wait3A_323 = arith.constant 0 : i32
      %dma_wait3A_324 = arith.constant 0 : i32
      %dma_wait3A_325 = tpu.memref_slice %arg9[%run_scoped3A_272, %dma_wait3A_323, %dma_wait3A_324] : memref<2x64x512xf32, #tpu.memory_space<vmem>> -> memref<1x64x512xf32, #tpu.memory_space<vmem>>
      %dma_wait3A_326 = tpu.memref_squeeze %dma_wait3A_325 : memref<1x64x512xf32, #tpu.memory_space<vmem>> -> memref<64x512xf32, #tpu.memory_space<vmem>>
      %dma_wait3A_327 = arith.constant 0 : i32
      %dma_wait3A_328 = tpu.memref_slice %arg13[%min3A_271, %dma_wait3A_327] : memref<1024x512xf32, #tpu.memory_space<vmem_shared>> -> memref<64x512xf32, #tpu.memory_space<vmem_shared>>
      %dma_wait3A_329 = arith.constant 0 : i32
      %dma_wait3A_330 = arith.constant 0 : i32
      %dma_wait3A_331 = tpu.memref_slice %arg9[%run_scoped3A_272, %dma_wait3A_329, %dma_wait3A_330] : memref<2x64x512xf32, #tpu.memory_space<vmem>> -> memref<1x64x512xf32, #tpu.memory_space<vmem>>
      %dma_wait3A_332 = tpu.memref_squeeze %dma_wait3A_331 : memref<1x64x512xf32, #tpu.memory_space<vmem>> -> memref<64x512xf32, #tpu.memory_space<vmem>>
      %dma_wait3A_333 = arith.constant 0 : i32
      %dma_wait3A_334 = tpu.memref_slice %arg13[%min3A_271, %dma_wait3A_333] : memref<1024x512xf32, #tpu.memory_space<vmem_shared>> -> memref<64x512xf32, #tpu.memory_space<vmem_shared>>
      tpu.wait_dma2 semaphore(%run_scoped3A_310 : memref<!tpu.dma_semaphore, #tpu.memory_space<semaphore_mem>>) src(%dma_wait3A_334 : memref<64x512xf32, #tpu.memory_space<vmem_shared>>) dst(%dma_wait3A_332 : memref<64x512xf32, #tpu.memory_space<vmem>>)
      tpu.yield
    }) : () -> ()
    %dma_start3A_273 = arith.constant 1 : i32
    %dma_start3A_274 = arith.constant 0 : i32
    %dma_start3A_275 = arith.constant 0 : i32
    %dma_start3A_276 = tpu.memref_slice %arg9[%dma_start3A_273, %dma_start3A_274, %dma_start3A_275] : memref<2x64x512xf32, #tpu.memory_space<vmem>> -> memref<1x64x512xf32, #tpu.memory_space<vmem>>
    %dma_start3A_277 = tpu.memref_squeeze %dma_start3A_276 : memref<1x64x512xf32, #tpu.memory_space<vmem>> -> memref<64x512xf32, #tpu.memory_space<vmem>>
    %dma_start3A_278 = arith.constant 0 : i32
    %dma_start3A_279 = tpu.memref_slice %arg5[%min3A_271, %dma_start3A_278] : memref<1000x512xf32, #tpu.memory_space<hbm>> -> memref<64x512xf32, #tpu.memory_space<hbm>>
    %dma_start3A_280 = arith.constant 0 : i32
    %dma_start3A_281 = arith.constant 0 : i32
    %dma_start3A_282 = tpu.memref_slice %arg9[%dma_start3A_273, %dma_start3A_280, %dma_start3A_281] : memref<2x64x512xf32, #tpu.memory_space<vmem>> -> memref<1x64x512xf32, #tpu.memory_space<vmem>>
    %dma_start3A_283 = tpu.memref_squeeze %dma_start3A_282 : memref<1x64x512xf32, #tpu.memory_space<vmem>> -> memref<64x512xf32, #tpu.memory_space<vmem>>
    %dma_start3A_284 = arith.constant 0 : i32
    %dma_start3A_285 = tpu.memref_slice %arg5[%min3A_271, %dma_start3A_284] : memref<1000x512xf32, #tpu.memory_space<hbm>> -> memref<64x512xf32, #tpu.memory_space<hbm>>
    tpu.enqueue_dma source(%dma_start3A_285 : memref<64x512xf32, #tpu.memory_space<hbm>>) target(%dma_start3A_283 : memref<64x512xf32, #tpu.memory_space<vmem>>) target_semaphore(%arg15 : memref<!tpu.dma_semaphore, #tpu.memory_space<semaphore_mem>>)
    %parallel_loop3A_286 = arith.constant 0 : i32
    %parallel_loop3A_287 = arith.constant 64 : i32
    %parallel_loop3A_288 = arith.constant 1 : i32
    scf.for %parallel_loop3A_310 = %parallel_loop3A_286 to %parallel_loop3A_287 step %parallel_loop3A_288  : i32 {
      %parallel_loop3A_311 = arith.constant 16 : i32
      %parallel_loop3A_312 = arith.muli %parallel_loop3A_310, %parallel_loop3A_311 : i32
      %parallel_loop3A_313 = arith.index_cast %parallel_loop3A_312 : i32 to index
      %parallel_loop3A_314 = tpu.vector_load %arg10[%parallel_loop3A_313] {strides = array<i32>} : memref<1024xf32, #tpu.memory_space<vmem>>, vector<16xf32>,
      %parallel_loop3A_315 = arith.constant 1.000000e+00 : f32
      %parallel_loop3A_316 = vector.broadcast %parallel_loop3A_315 : f32 to vector<16xf32>
      %parallel_loop3A_317 = arith.maximumf %parallel_loop3A_314, %parallel_loop3A_316 : vector<16xf32>
      %parallel_loop3A_318 = arith.constant 1.000000e+00 : f32
      %parallel_loop3A_319 = vector.broadcast %parallel_loop3A_318 : f32 to vector<16xf32>
      %parallel_loop3A_320 = arith.divf %parallel_loop3A_319, %parallel_loop3A_317 : vector<16xf32>
      %parallel_loop3A_321 = arith.constant 16 : i32
      %parallel_loop3A_322 = arith.muli %parallel_loop3A_310, %parallel_loop3A_321 : i32
      %parallel_loop3A_323 = arith.index_cast %parallel_loop3A_322 : i32 to index
      %parallel_loop3A_324 = tpu.vector_load %arg11[%parallel_loop3A_323] {strides = array<i32>} : memref<1024xf32, #tpu.memory_space<vmem>>, vector<16xf32>,
      tpu.vector_store %arg11[%parallel_loop3A_323], %parallel_loop3A_320 {strides = array<i32>} : memref<1024xf32, #tpu.memory_space<vmem>>, vector<16xf32>,
    } {sc.loop_unroll_factor = 4 : i64, sc.parallel_access}
    %dma_wait3A_289 = arith.constant 1 : i32
    %dma_wait3A_290 = arith.constant 0 : i32
    %dma_wait3A_291 = arith.constant 0 : i32
    %dma_wait3A_292 = tpu.memref_slice %arg9[%dma_wait3A_289, %dma_wait3A_290, %dma_wait3A_291] : memref<2x64x512xf32, #tpu.memory_space<vmem>> -> memref<1x64x512xf32, #tpu.memory_space<vmem>>
    %dma_wait3A_293 = tpu.memref_squeeze %dma_wait3A_292 : memref<1x64x512xf32, #tpu.memory_space<vmem>> -> memref<64x512xf32, #tpu.memory_space<vmem>>
    %dma_wait3A_294 = arith.constant 0 : i32
    %dma_wait3A_295 = tpu.memref_slice %arg5[%min3A_271, %dma_wait3A_294] : memref<1000x512xf32, #tpu.memory_space<hbm>> -> memref<64x512xf32, #tpu.memory_space<hbm>>
    %dma_wait3A_296 = arith.constant 0 : i32
    %dma_wait3A_297 = arith.constant 0 : i32
    %dma_wait3A_298 = tpu.memref_slice %arg9[%dma_wait3A_289, %dma_wait3A_296, %dma_wait3A_297] : memref<2x64x512xf32, #tpu.memory_space<vmem>> -> memref<1x64x512xf32, #tpu.memory_space<vmem>>
    %dma_wait3A_299 = tpu.memref_squeeze %dma_wait3A_298 : memref<1x64x512xf32, #tpu.memory_space<vmem>> -> memref<64x512xf32, #tpu.memory_space<vmem>>
    %dma_wait3A_300 = arith.constant 0 : i32
    %dma_wait3A_301 = tpu.memref_slice %arg5[%min3A_271, %dma_wait3A_300] : memref<1000x512xf32, #tpu.memory_space<hbm>> -> memref<64x512xf32, #tpu.memory_space<hbm>>
    tpu.wait_dma2 semaphore(%arg15 : memref<!tpu.dma_semaphore, #tpu.memory_space<semaphore_mem>>) src(%dma_wait3A_301 : memref<64x512xf32, #tpu.memory_space<hbm>>) dst(%dma_wait3A_299 : memref<64x512xf32, #tpu.memory_space<vmem>>)
    %parallel_loop3A_302 = arith.constant 0 : i32
    %parallel_loop3A_303 = arith.constant 64 : i32
    %parallel_loop3A_304 = arith.constant 1 : i32
    %parallel_loop3A_305:4 = scf.for %parallel_loop3A_310 = %parallel_loop3A_302 to %parallel_loop3A_303 step %parallel_loop3A_304 iter_args(%parallel_loop3A_311 = %broadcast_in_dim3A_3, %parallel_loop3A_312 = %broadcast_in_dim3A_3, %parallel_loop3A_313 = %broadcast_in_dim3A_3, %parallel_loop3A_314 = %broadcast_in_dim3A_3) -> (vector<16xf32>, vector<16xf32>, vector<16xf32>, vector<16xf32>)  : i32 {
      %parallel_loop3A_315 = arith.addi %min3A_271, %parallel_loop3A_310 : i32
      %parallel_loop3A_316 = arith.index_cast %parallel_loop3A_315 : i32 to index
      %parallel_loop3A_317 = tpu.vector_load %arg10[%parallel_loop3A_316] {strides = array<i32>} : memref<1024xf32, #tpu.memory_space<vmem>>, vector<16xf32>,
      %parallel_loop3A_318 = arith.addi %min3A_271, %parallel_loop3A_310 : i32
      %parallel_loop3A_319 = arith.index_cast %parallel_loop3A_318 : i32 to index
      %parallel_loop3A_320 = tpu.vector_load %arg11[%parallel_loop3A_319] {strides = array<i32>} : memref<1024xf32, #tpu.memory_space<vmem>>, vector<16xf32>,
      %parallel_loop3A_321 = arith.constant 0 : i32
      %parallel_loop3A_322 = vector.broadcast %parallel_loop3A_321 : i32 to vector<16x1xi32>
      %parallel_loop3A_323 = vector.shape_cast %parallel_loop3A_322 : vector<16x1xi32> to vector<16xi32>
      %parallel_loop3A_324 = tpu.dynamic_gather %parallel_loop3A_317[%parallel_loop3A_323] in [0] : vector<16xf32>, vector<16xi32> -> vector<16xf32>
      %parallel_loop3A_325 = arith.constant 0 : i32
      %parallel_loop3A_326 = vector.broadcast %parallel_loop3A_325 : i32 to vector<16x1xi32>
      %parallel_loop3A_327 = vector.shape_cast %parallel_loop3A_326 : vector<16x1xi32> to vector<16xi32>
      %parallel_loop3A_328 = tpu.dynamic_gather %parallel_loop3A_320[%parallel_loop3A_327] in [0] : vector<16xf32>, vector<16xi32> -> vector<16xf32>
      %parallel_loop3A_329 = arith.constant 0 : i32
      %parallel_loop3A_330 = vector.broadcast %parallel_loop3A_329 : i32 to vector<16xi32>
      %parallel_loop3A_331 = arith.addi %min3A_271, %parallel_loop3A_310 : i32
      %parallel_loop3A_332 = arith.subi %parallel_loop3A_331, %mul3A_270 : i32
      %parallel_loop3A_333 = vector.broadcast %parallel_loop3A_332 : i32 to vector<16xi32>
      %parallel_loop3A_334 = arith.addi %parallel_loop3A_330, %parallel_loop3A_333 : vector<16xi32>
      %parallel_loop3A_335 = arith.constant 0 : i32
      %parallel_loop3A_336 = vector.broadcast %parallel_loop3A_335 : i32 to vector<16xi32>
      %parallel_loop3A_337 = arith.cmpi sge, %parallel_loop3A_334, %parallel_loop3A_336 : vector<16xi32>
      %parallel_loop3A_338 = arith.constant 0.000000e+00 : f32
      %parallel_loop3A_339 = vector.broadcast %parallel_loop3A_338 : f32 to vector<16xf32>
      %parallel_loop3A_340 = arith.select %parallel_loop3A_337, %parallel_loop3A_324, %parallel_loop3A_339 : vector<16xi1>, vector<16xf32>
      %parallel_loop3A_341 = arith.constant 0 : i32
      %parallel_loop3A_342 = arith.index_cast %parallel_loop3A_341 : i32 to index
      %parallel_loop3A_343 = arith.index_cast %parallel_loop3A_310 : i32 to index
      %parallel_loop3A_344 = arith.constant 0 : index
      %parallel_loop3A_345 = tpu.vector_load %arg9[%parallel_loop3A_342, %parallel_loop3A_343, %parallel_loop3A_344] {strides = array<i32>} : memref<2x64x512xf32, #tpu.memory_space<vmem>>, vector<16xf32>,
      %parallel_loop3A_346 = arith.mulf %parallel_loop3A_345, %parallel_loop3A_328 : vector<16xf32>
      %parallel_loop3A_347 = arith.constant 1 : i32
      %parallel_loop3A_348 = arith.index_cast %parallel_loop3A_347 : i32 to index
      %parallel_loop3A_349 = arith.index_cast %parallel_loop3A_310 : i32 to index
      %parallel_loop3A_350 = arith.constant 0 : index
      %parallel_loop3A_351 = tpu.vector_load %arg9[%parallel_loop3A_348, %parallel_loop3A_349, %parallel_loop3A_350] {strides = array<i32>} : memref<2x64x512xf32, #tpu.memory_space<vmem>>, vector<16xf32>,
      %parallel_loop3A_352 = arith.subf %parallel_loop3A_346, %parallel_loop3A_351 : vector<16xf32>
      %parallel_loop3A_353 = math.absf %parallel_loop3A_352 : vector<16xf32>
      %parallel_loop3A_354 = arith.constant 1.000000e+00 : f32
      %parallel_loop3A_355 = vector.broadcast %parallel_loop3A_354 : f32 to vector<16xf32>
      %parallel_loop3A_356 = arith.cmpf olt, %parallel_loop3A_353, %parallel_loop3A_355 : vector<16xf32>
      %parallel_loop3A_357 = arith.constant 5.000000e-01 : f32
      %parallel_loop3A_358 = vector.broadcast %parallel_loop3A_357 : f32 to vector<16xf32>
      %parallel_loop3A_359 = arith.mulf %parallel_loop3A_358, %parallel_loop3A_352 : vector<16xf32>
      %parallel_loop3A_360 = arith.mulf %parallel_loop3A_359, %parallel_loop3A_352 : vector<16xf32>
      %parallel_loop3A_361 = arith.constant 5.000000e-01 : f32
      %parallel_loop3A_362 = vector.broadcast %parallel_loop3A_361 : f32 to vector<16xf32>
      %parallel_loop3A_363 = arith.subf %parallel_loop3A_353, %parallel_loop3A_362 : vector<16xf32>
      %parallel_loop3A_364 = arith.select %parallel_loop3A_356, %parallel_loop3A_360, %parallel_loop3A_363 : vector<16xi1>, vector<16xf32>
      %parallel_loop3A_365 = arith.mulf %parallel_loop3A_340, %parallel_loop3A_364 : vector<16xf32>
      %parallel_loop3A_366 = arith.addf %parallel_loop3A_311, %parallel_loop3A_365 : vector<16xf32>
      %parallel_loop3A_367 = arith.constant 0 : i32
      %parallel_loop3A_368 = arith.index_cast %parallel_loop3A_367 : i32 to index
      %parallel_loop3A_369 = arith.index_cast %parallel_loop3A_310 : i32 to index
      %parallel_loop3A_370 = arith.constant 16 : index
      %parallel_loop3A_371 = tpu.vector_load %arg9[%parallel_loop3A_368, %parallel_loop3A_369, %parallel_loop3A_370] {strides = array<i32>} : memref<2x64x512xf32, #tpu.memory_space<vmem>>, vector<16xf32>,
      %parallel_loop3A_372 = arith.mulf %parallel_loop3A_371, %parallel_loop3A_328 : vector<16xf32>
      %parallel_loop3A_373 = arith.constant 1 : i32
      %parallel_loop3A_374 = arith.index_cast %parallel_loop3A_373 : i32 to index
      %parallel_loop3A_375 = arith.index_cast %parallel_loop3A_310 : i32 to index
      %parallel_loop3A_376 = arith.constant 16 : index
      %parallel_loop3A_377 = tpu.vector_load %arg9[%parallel_loop3A_374, %parallel_loop3A_375, %parallel_loop3A_376] {strides = array<i32>} : memref<2x64x512xf32, #tpu.memory_space<vmem>>, vector<16xf32>,
      %parallel_loop3A_378 = arith.subf %parallel_loop3A_372, %parallel_loop3A_377 : vector<16xf32>
      %parallel_loop3A_379 = math.absf %parallel_loop3A_378 : vector<16xf32>
      %parallel_loop3A_380 = arith.constant 1.000000e+00 : f32
      %parallel_loop3A_381 = vector.broadcast %parallel_loop3A_380 : f32 to vector<16xf32>
      %parallel_loop3A_382 = arith.cmpf olt, %parallel_loop3A_379, %parallel_loop3A_381 : vector<16xf32>
      %parallel_loop3A_383 = arith.constant 5.000000e-01 : f32
      %parallel_loop3A_384 = vector.broadcast %parallel_loop3A_383 : f32 to vector<16xf32>
      %parallel_loop3A_385 = arith.mulf %parallel_loop3A_384, %parallel_loop3A_378 : vector<16xf32>
      %parallel_loop3A_386 = arith.mulf %parallel_loop3A_385, %parallel_loop3A_378 : vector<16xf32>
      %parallel_loop3A_387 = arith.constant 5.000000e-01 : f32
      %parallel_loop3A_388 = vector.broadcast %parallel_loop3A_387 : f32 to vector<16xf32>
      %parallel_loop3A_389 = arith.subf %parallel_loop3A_379, %parallel_loop3A_388 : vector<16xf32>
      %parallel_loop3A_390 = arith.select %parallel_loop3A_382, %parallel_loop3A_386, %parallel_loop3A_389 : vector<16xi1>, vector<16xf32>
      %parallel_loop3A_391 = arith.mulf %parallel_loop3A_340, %parallel_loop3A_390 : vector<16xf32>
      %parallel_loop3A_392 = arith.addf %parallel_loop3A_312, %parallel_loop3A_391 : vector<16xf32>
      %parallel_loop3A_393 = arith.constant 0 : i32
      %parallel_loop3A_394 = arith.index_cast %parallel_loop3A_393 : i32 to index
      %parallel_loop3A_395 = arith.index_cast %parallel_loop3A_310 : i32 to index
      %parallel_loop3A_396 = arith.constant 32 : index
      %parallel_loop3A_397 = tpu.vector_load %arg9[%parallel_loop3A_394, %parallel_loop3A_395, %parallel_loop3A_396] {strides = array<i32>} : memref<2x64x512xf32, #tpu.memory_space<vmem>>, vector<16xf32>,
      %parallel_loop3A_398 = arith.mulf %parallel_loop3A_397, %parallel_loop3A_328 : vector<16xf32>
      %parallel_loop3A_399 = arith.constant 1 : i32
      %parallel_loop3A_400 = arith.index_cast %parallel_loop3A_399 : i32 to index
      %parallel_loop3A_401 = arith.index_cast %parallel_loop3A_310 : i32 to index
      %parallel_loop3A_402 = arith.constant 32 : index
      %parallel_loop3A_403 = tpu.vector_load %arg9[%parallel_loop3A_400, %parallel_loop3A_401, %parallel_loop3A_402] {strides = array<i32>} : memref<2x64x512xf32, #tpu.memory_space<vmem>>, vector<16xf32>,
      %parallel_loop3A_404 = arith.subf %parallel_loop3A_398, %parallel_loop3A_403 : vector<16xf32>
      %parallel_loop3A_405 = math.absf %parallel_loop3A_404 : vector<16xf32>
      %parallel_loop3A_406 = arith.constant 1.000000e+00 : f32
      %parallel_loop3A_407 = vector.broadcast %parallel_loop3A_406 : f32 to vector<16xf32>
      %parallel_loop3A_408 = arith.cmpf olt, %parallel_loop3A_405, %parallel_loop3A_407 : vector<16xf32>
      %parallel_loop3A_409 = arith.constant 5.000000e-01 : f32
      %parallel_loop3A_410 = vector.broadcast %parallel_loop3A_409 : f32 to vector<16xf32>
      %parallel_loop3A_411 = arith.mulf %parallel_loop3A_410, %parallel_loop3A_404 : vector<16xf32>
      %parallel_loop3A_412 = arith.mulf %parallel_loop3A_411, %parallel_loop3A_404 : vector<16xf32>
      %parallel_loop3A_413 = arith.constant 5.000000e-01 : f32
      %parallel_loop3A_414 = vector.broadcast %parallel_loop3A_413 : f32 to vector<16xf32>
      %parallel_loop3A_415 = arith.subf %parallel_loop3A_405, %parallel_loop3A_414 : vector<16xf32>
      %parallel_loop3A_416 = arith.select %parallel_loop3A_408, %parallel_loop3A_412, %parallel_loop3A_415 : vector<16xi1>, vector<16xf32>
      %parallel_loop3A_417 = arith.mulf %parallel_loop3A_340, %parallel_loop3A_416 : vector<16xf32>
      %parallel_loop3A_418 = arith.addf %parallel_loop3A_313, %parallel_loop3A_417 : vector<16xf32>
      %parallel_loop3A_419 = arith.constant 0 : i32
      %parallel_loop3A_420 = arith.index_cast %parallel_loop3A_419 : i32 to index
      %parallel_loop3A_421 = arith.index_cast %parallel_loop3A_310 : i32 to index
      %parallel_loop3A_422 = arith.constant 48 : index
      %parallel_loop3A_423 = tpu.vector_load %arg9[%parallel_loop3A_420, %parallel_loop3A_421, %parallel_loop3A_422] {strides = array<i32>} : memref<2x64x512xf32, #tpu.memory_space<vmem>>, vector<16xf32>,
      %parallel_loop3A_424 = arith.mulf %parallel_loop3A_423, %parallel_loop3A_328 : vector<16xf32>
      %parallel_loop3A_425 = arith.constant 1 : i32
      %parallel_loop3A_426 = arith.index_cast %parallel_loop3A_425 : i32 to index
      %parallel_loop3A_427 = arith.index_cast %parallel_loop3A_310 : i32 to index
      %parallel_loop3A_428 = arith.constant 48 : index
      %parallel_loop3A_429 = tpu.vector_load %arg9[%parallel_loop3A_426, %parallel_loop3A_427, %parallel_loop3A_428] {strides = array<i32>} : memref<2x64x512xf32, #tpu.memory_space<vmem>>, vector<16xf32>,
      %parallel_loop3A_430 = arith.subf %parallel_loop3A_424, %parallel_loop3A_429 : vector<16xf32>
      %parallel_loop3A_431 = math.absf %parallel_loop3A_430 : vector<16xf32>
      %parallel_loop3A_432 = arith.constant 1.000000e+00 : f32
      %parallel_loop3A_433 = vector.broadcast %parallel_loop3A_432 : f32 to vector<16xf32>
      %parallel_loop3A_434 = arith.cmpf olt, %parallel_loop3A_431, %parallel_loop3A_433 : vector<16xf32>
      %parallel_loop3A_435 = arith.constant 5.000000e-01 : f32
      %parallel_loop3A_436 = vector.broadcast %parallel_loop3A_435 : f32 to vector<16xf32>
      %parallel_loop3A_437 = arith.mulf %parallel_loop3A_436, %parallel_loop3A_430 : vector<16xf32>
      %parallel_loop3A_438 = arith.mulf %parallel_loop3A_437, %parallel_loop3A_430 : vector<16xf32>
      %parallel_loop3A_439 = arith.constant 5.000000e-01 : f32
      %parallel_loop3A_440 = vector.broadcast %parallel_loop3A_439 : f32 to vector<16xf32>
      %parallel_loop3A_441 = arith.subf %parallel_loop3A_431, %parallel_loop3A_440 : vector<16xf32>
      %parallel_loop3A_442 = arith.select %parallel_loop3A_434, %parallel_loop3A_438, %parallel_loop3A_441 : vector<16xi1>, vector<16xf32>
      %parallel_loop3A_443 = arith.mulf %parallel_loop3A_340, %parallel_loop3A_442 : vector<16xf32>
      %parallel_loop3A_444 = arith.addf %parallel_loop3A_314, %parallel_loop3A_443 : vector<16xf32>
      %parallel_loop3A_445 = arith.constant 0 : i32
      %parallel_loop3A_446 = arith.index_cast %parallel_loop3A_445 : i32 to index
      %parallel_loop3A_447 = arith.index_cast %parallel_loop3A_310 : i32 to index
      %parallel_loop3A_448 = arith.constant 64 : index
      %parallel_loop3A_449 = tpu.vector_load %arg9[%parallel_loop3A_446, %parallel_loop3A_447, %parallel_loop3A_448] {strides = array<i32>} : memref<2x64x512xf32, #tpu.memory_space<vmem>>, vector<16xf32>,
      %parallel_loop3A_450 = arith.mulf %parallel_loop3A_449, %parallel_loop3A_328 : vector<16xf32>
      %parallel_loop3A_451 = arith.constant 1 : i32
      %parallel_loop3A_452 = arith.index_cast %parallel_loop3A_451 : i32 to index
      %parallel_loop3A_453 = arith.index_cast %parallel_loop3A_310 : i32 to index
      %parallel_loop3A_454 = arith.constant 64 : index
      %parallel_loop3A_455 = tpu.vector_load %arg9[%parallel_loop3A_452, %parallel_loop3A_453, %parallel_loop3A_454] {strides = array<i32>} : memref<2x64x512xf32, #tpu.memory_space<vmem>>, vector<16xf32>,
      %parallel_loop3A_456 = arith.subf %parallel_loop3A_450, %parallel_loop3A_455 : vector<16xf32>
      %parallel_loop3A_457 = math.absf %parallel_loop3A_456 : vector<16xf32>
      %parallel_loop3A_458 = arith.constant 1.000000e+00 : f32
      %parallel_loop3A_459 = vector.broadcast %parallel_loop3A_458 : f32 to vector<16xf32>
      %parallel_loop3A_460 = arith.cmpf olt, %parallel_loop3A_457, %parallel_loop3A_459 : vector<16xf32>
      %parallel_loop3A_461 = arith.constant 5.000000e-01 : f32
      %parallel_loop3A_462 = vector.broadcast %parallel_loop3A_461 : f32 to vector<16xf32>
      %parallel_loop3A_463 = arith.mulf %parallel_loop3A_462, %parallel_loop3A_456 : vector<16xf32>
      %parallel_loop3A_464 = arith.mulf %parallel_loop3A_463, %parallel_loop3A_456 : vector<16xf32>
      %parallel_loop3A_465 = arith.constant 5.000000e-01 : f32
      %parallel_loop3A_466 = vector.broadcast %parallel_loop3A_465 : f32 to vector<16xf32>
      %parallel_loop3A_467 = arith.subf %parallel_loop3A_457, %parallel_loop3A_466 : vector<16xf32>
      %parallel_loop3A_468 = arith.select %parallel_loop3A_460, %parallel_loop3A_464, %parallel_loop3A_467 : vector<16xi1>, vector<16xf32>
      %parallel_loop3A_469 = arith.mulf %parallel_loop3A_340, %parallel_loop3A_468 : vector<16xf32>
      %parallel_loop3A_470 = arith.addf %parallel_loop3A_366, %parallel_loop3A_469 : vector<16xf32>
      %parallel_loop3A_471 = arith.constant 0 : i32
      %parallel_loop3A_472 = arith.index_cast %parallel_loop3A_471 : i32 to index
      %parallel_loop3A_473 = arith.index_cast %parallel_loop3A_310 : i32 to index
      %parallel_loop3A_474 = arith.constant 80 : index
      %parallel_loop3A_475 = tpu.vector_load %arg9[%parallel_loop3A_472, %parallel_loop3A_473, %parallel_loop3A_474] {strides = array<i32>} : memref<2x64x512xf32, #tpu.memory_space<vmem>>, vector<16xf32>,
      %parallel_loop3A_476 = arith.mulf %parallel_loop3A_475, %parallel_loop3A_328 : vector<16xf32>
      %parallel_loop3A_477 = arith.constant 1 : i32
      %parallel_loop3A_478 = arith.index_cast %parallel_loop3A_477 : i32 to index
      %parallel_loop3A_479 = arith.index_cast %parallel_loop3A_310 : i32 to index
      %parallel_loop3A_480 = arith.constant 80 : index
      %parallel_loop3A_481 = tpu.vector_load %arg9[%parallel_loop3A_478, %parallel_loop3A_479, %parallel_loop3A_480] {strides = array<i32>} : memref<2x64x512xf32, #tpu.memory_space<vmem>>, vector<16xf32>,
      %parallel_loop3A_482 = arith.subf %parallel_loop3A_476, %parallel_loop3A_481 : vector<16xf32>
      %parallel_loop3A_483 = math.absf %parallel_loop3A_482 : vector<16xf32>
      %parallel_loop3A_484 = arith.constant 1.000000e+00 : f32
      %parallel_loop3A_485 = vector.broadcast %parallel_loop3A_484 : f32 to vector<16xf32>
      %parallel_loop3A_486 = arith.cmpf olt, %parallel_loop3A_483, %parallel_loop3A_485 : vector<16xf32>
      %parallel_loop3A_487 = arith.constant 5.000000e-01 : f32
      %parallel_loop3A_488 = vector.broadcast %parallel_loop3A_487 : f32 to vector<16xf32>
      %parallel_loop3A_489 = arith.mulf %parallel_loop3A_488, %parallel_loop3A_482 : vector<16xf32>
      %parallel_loop3A_490 = arith.mulf %parallel_loop3A_489, %parallel_loop3A_482 : vector<16xf32>
      %parallel_loop3A_491 = arith.constant 5.000000e-01 : f32
      %parallel_loop3A_492 = vector.broadcast %parallel_loop3A_491 : f32 to vector<16xf32>
      %parallel_loop3A_493 = arith.subf %parallel_loop3A_483, %parallel_loop3A_492 : vector<16xf32>
      %parallel_loop3A_494 = arith.select %parallel_loop3A_486, %parallel_loop3A_490, %parallel_loop3A_493 : vector<16xi1>, vector<16xf32>
      %parallel_loop3A_495 = arith.mulf %parallel_loop3A_340, %parallel_loop3A_494 : vector<16xf32>
      %parallel_loop3A_496 = arith.addf %parallel_loop3A_392, %parallel_loop3A_495 : vector<16xf32>
      %parallel_loop3A_497 = arith.constant 0 : i32
      %parallel_loop3A_498 = arith.index_cast %parallel_loop3A_497 : i32 to index
      %parallel_loop3A_499 = arith.index_cast %parallel_loop3A_310 : i32 to index
      %parallel_loop3A_500 = arith.constant 96 : index
      %parallel_loop3A_501 = tpu.vector_load %arg9[%parallel_loop3A_498, %parallel_loop3A_499, %parallel_loop3A_500] {strides = array<i32>} : memref<2x64x512xf32, #tpu.memory_space<vmem>>, vector<16xf32>,
      %parallel_loop3A_502 = arith.mulf %parallel_loop3A_501, %parallel_loop3A_328 : vector<16xf32>
      %parallel_loop3A_503 = arith.constant 1 : i32
      %parallel_loop3A_504 = arith.index_cast %parallel_loop3A_503 : i32 to index
      %parallel_loop3A_505 = arith.index_cast %parallel_loop3A_310 : i32 to index
      %parallel_loop3A_506 = arith.constant 96 : index
      %parallel_loop3A_507 = tpu.vector_load %arg9[%parallel_loop3A_504, %parallel_loop3A_505, %parallel_loop3A_506] {strides = array<i32>} : memref<2x64x512xf32, #tpu.memory_space<vmem>>, vector<16xf32>,
      %parallel_loop3A_508 = arith.subf %parallel_loop3A_502, %parallel_loop3A_507 : vector<16xf32>
      %parallel_loop3A_509 = math.absf %parallel_loop3A_508 : vector<16xf32>
      %parallel_loop3A_510 = arith.constant 1.000000e+00 : f32
      %parallel_loop3A_511 = vector.broadcast %parallel_loop3A_510 : f32 to vector<16xf32>
      %parallel_loop3A_512 = arith.cmpf olt, %parallel_loop3A_509, %parallel_loop3A_511 : vector<16xf32>
      %parallel_loop3A_513 = arith.constant 5.000000e-01 : f32
      %parallel_loop3A_514 = vector.broadcast %parallel_loop3A_513 : f32 to vector<16xf32>
      %parallel_loop3A_515 = arith.mulf %parallel_loop3A_514, %parallel_loop3A_508 : vector<16xf32>
      %parallel_loop3A_516 = arith.mulf %parallel_loop3A_515, %parallel_loop3A_508 : vector<16xf32>
      %parallel_loop3A_517 = arith.constant 5.000000e-01 : f32
      %parallel_loop3A_518 = vector.broadcast %parallel_loop3A_517 : f32 to vector<16xf32>
      %parallel_loop3A_519 = arith.subf %parallel_loop3A_509, %parallel_loop3A_518 : vector<16xf32>
      %parallel_loop3A_520 = arith.select %parallel_loop3A_512, %parallel_loop3A_516, %parallel_loop3A_519 : vector<16xi1>, vector<16xf32>
      %parallel_loop3A_521 = arith.mulf %parallel_loop3A_340, %parallel_loop3A_520 : vector<16xf32>
      %parallel_loop3A_522 = arith.addf %parallel_loop3A_418, %parallel_loop3A_521 : vector<16xf32>
      %parallel_loop3A_523 = arith.constant 0 : i32
      %parallel_loop3A_524 = arith.index_cast %parallel_loop3A_523 : i32 to index
      %parallel_loop3A_525 = arith.index_cast %parallel_loop3A_310 : i32 to index
      %parallel_loop3A_526 = arith.constant 112 : index
      %parallel_loop3A_527 = tpu.vector_load %arg9[%parallel_loop3A_524, %parallel_loop3A_525, %parallel_loop3A_526] {strides = array<i32>} : memref<2x64x512xf32, #tpu.memory_space<vmem>>, vector<16xf32>,
      %parallel_loop3A_528 = arith.mulf %parallel_loop3A_527, %parallel_loop3A_328 : vector<16xf32>
      %parallel_loop3A_529 = arith.constant 1 : i32
      %parallel_loop3A_530 = arith.index_cast %parallel_loop3A_529 : i32 to index
      %parallel_loop3A_531 = arith.index_cast %parallel_loop3A_310 : i32 to index
      %parallel_loop3A_532 = arith.constant 112 : index
      %parallel_loop3A_533 = tpu.vector_load %arg9[%parallel_loop3A_530, %parallel_loop3A_531, %parallel_loop3A_532] {strides = array<i32>} : memref<2x64x512xf32, #tpu.memory_space<vmem>>, vector<16xf32>,
      %parallel_loop3A_534 = arith.subf %parallel_loop3A_528, %parallel_loop3A_533 : vector<16xf32>
      %parallel_loop3A_535 = math.absf %parallel_loop3A_534 : vector<16xf32>
      %parallel_loop3A_536 = arith.constant 1.000000e+00 : f32
      %parallel_loop3A_537 = vector.broadcast %parallel_loop3A_536 : f32 to vector<16xf32>
      %parallel_loop3A_538 = arith.cmpf olt, %parallel_loop3A_535, %parallel_loop3A_537 : vector<16xf32>
      %parallel_loop3A_539 = arith.constant 5.000000e-01 : f32
      %parallel_loop3A_540 = vector.broadcast %parallel_loop3A_539 : f32 to vector<16xf32>
      %parallel_loop3A_541 = arith.mulf %parallel_loop3A_540, %parallel_loop3A_534 : vector<16xf32>
      %parallel_loop3A_542 = arith.mulf %parallel_loop3A_541, %parallel_loop3A_534 : vector<16xf32>
      %parallel_loop3A_543 = arith.constant 5.000000e-01 : f32
      %parallel_loop3A_544 = vector.broadcast %parallel_loop3A_543 : f32 to vector<16xf32>
      %parallel_loop3A_545 = arith.subf %parallel_loop3A_535, %parallel_loop3A_544 : vector<16xf32>
      %parallel_loop3A_546 = arith.select %parallel_loop3A_538, %parallel_loop3A_542, %parallel_loop3A_545 : vector<16xi1>, vector<16xf32>
      %parallel_loop3A_547 = arith.mulf %parallel_loop3A_340, %parallel_loop3A_546 : vector<16xf32>
      %parallel_loop3A_548 = arith.addf %parallel_loop3A_444, %parallel_loop3A_547 : vector<16xf32>
      %parallel_loop3A_549 = arith.constant 0 : i32
      %parallel_loop3A_550 = arith.index_cast %parallel_loop3A_549 : i32 to index
      %parallel_loop3A_551 = arith.index_cast %parallel_loop3A_310 : i32 to index
      %parallel_loop3A_552 = arith.constant 128 : index
      %parallel_loop3A_553 = tpu.vector_load %arg9[%parallel_loop3A_550, %parallel_loop3A_551, %parallel_loop3A_552] {strides = array<i32>} : memref<2x64x512xf32, #tpu.memory_space<vmem>>, vector<16xf32>,
      %parallel_loop3A_554 = arith.mulf %parallel_loop3A_553, %parallel_loop3A_328 : vector<16xf32>
      %parallel_loop3A_555 = arith.constant 1 : i32
      %parallel_loop3A_556 = arith.index_cast %parallel_loop3A_555 : i32 to index
      %parallel_loop3A_557 = arith.index_cast %parallel_loop3A_310 : i32 to index
      %parallel_loop3A_558 = arith.constant 128 : index
      %parallel_loop3A_559 = tpu.vector_load %arg9[%parallel_loop3A_556, %parallel_loop3A_557, %parallel_loop3A_558] {strides = array<i32>} : memref<2x64x512xf32, #tpu.memory_space<vmem>>, vector<16xf32>,
      %parallel_loop3A_560 = arith.subf %parallel_loop3A_554, %parallel_loop3A_559 : vector<16xf32>
      %parallel_loop3A_561 = math.absf %parallel_loop3A_560 : vector<16xf32>
      %parallel_loop3A_562 = arith.constant 1.000000e+00 : f32
      %parallel_loop3A_563 = vector.broadcast %parallel_loop3A_562 : f32 to vector<16xf32>
      %parallel_loop3A_564 = arith.cmpf olt, %parallel_loop3A_561, %parallel_loop3A_563 : vector<16xf32>
      %parallel_loop3A_565 = arith.constant 5.000000e-01 : f32
      %parallel_loop3A_566 = vector.broadcast %parallel_loop3A_565 : f32 to vector<16xf32>
      %parallel_loop3A_567 = arith.mulf %parallel_loop3A_566, %parallel_loop3A_560 : vector<16xf32>
      %parallel_loop3A_568 = arith.mulf %parallel_loop3A_567, %parallel_loop3A_560 : vector<16xf32>
      %parallel_loop3A_569 = arith.constant 5.000000e-01 : f32
      %parallel_loop3A_570 = vector.broadcast %parallel_loop3A_569 : f32 to vector<16xf32>
      %parallel_loop3A_571 = arith.subf %parallel_loop3A_561, %parallel_loop3A_570 : vector<16xf32>
      %parallel_loop3A_572 = arith.select %parallel_loop3A_564, %parallel_loop3A_568, %parallel_loop3A_571 : vector<16xi1>, vector<16xf32>
      %parallel_loop3A_573 = arith.mulf %parallel_loop3A_340, %parallel_loop3A_572 : vector<16xf32>
      %parallel_loop3A_574 = arith.addf %parallel_loop3A_470, %parallel_loop3A_573 : vector<16xf32>
      %parallel_loop3A_575 = arith.constant 0 : i32
      %parallel_loop3A_576 = arith.index_cast %parallel_loop3A_575 : i32 to index
      %parallel_loop3A_577 = arith.index_cast %parallel_loop3A_310 : i32 to index
      %parallel_loop3A_578 = arith.constant 144 : index
      %parallel_loop3A_579 = tpu.vector_load %arg9[%parallel_loop3A_576, %parallel_loop3A_577, %parallel_loop3A_578] {strides = array<i32>} : memref<2x64x512xf32, #tpu.memory_space<vmem>>, vector<16xf32>,
      %parallel_loop3A_580 = arith.mulf %parallel_loop3A_579, %parallel_loop3A_328 : vector<16xf32>
      %parallel_loop3A_581 = arith.constant 1 : i32
      %parallel_loop3A_582 = arith.index_cast %parallel_loop3A_581 : i32 to index
      %parallel_loop3A_583 = arith.index_cast %parallel_loop3A_310 : i32 to index
      %parallel_loop3A_584 = arith.constant 144 : index
      %parallel_loop3A_585 = tpu.vector_load %arg9[%parallel_loop3A_582, %parallel_loop3A_583, %parallel_loop3A_584] {strides = array<i32>} : memref<2x64x512xf32, #tpu.memory_space<vmem>>, vector<16xf32>,
      %parallel_loop3A_586 = arith.subf %parallel_loop3A_580, %parallel_loop3A_585 : vector<16xf32>
      %parallel_loop3A_587 = math.absf %parallel_loop3A_586 : vector<16xf32>
      %parallel_loop3A_588 = arith.constant 1.000000e+00 : f32
      %parallel_loop3A_589 = vector.broadcast %parallel_loop3A_588 : f32 to vector<16xf32>
      %parallel_loop3A_590 = arith.cmpf olt, %parallel_loop3A_587, %parallel_loop3A_589 : vector<16xf32>
      %parallel_loop3A_591 = arith.constant 5.000000e-01 : f32
      %parallel_loop3A_592 = vector.broadcast %parallel_loop3A_591 : f32 to vector<16xf32>
      %parallel_loop3A_593 = arith.mulf %parallel_loop3A_592, %parallel_loop3A_586 : vector<16xf32>
      %parallel_loop3A_594 = arith.mulf %parallel_loop3A_593, %parallel_loop3A_586 : vector<16xf32>
      %parallel_loop3A_595 = arith.constant 5.000000e-01 : f32
      %parallel_loop3A_596 = vector.broadcast %parallel_loop3A_595 : f32 to vector<16xf32>
      %parallel_loop3A_597 = arith.subf %parallel_loop3A_587, %parallel_loop3A_596 : vector<16xf32>
      %parallel_loop3A_598 = arith.select %parallel_loop3A_590, %parallel_loop3A_594, %parallel_loop3A_597 : vector<16xi1>, vector<16xf32>
      %parallel_loop3A_599 = arith.mulf %parallel_loop3A_340, %parallel_loop3A_598 : vector<16xf32>
      %parallel_loop3A_600 = arith.addf %parallel_loop3A_496, %parallel_loop3A_599 : vector<16xf32>
      %parallel_loop3A_601 = arith.constant 0 : i32
      %parallel_loop3A_602 = arith.index_cast %parallel_loop3A_601 : i32 to index
      %parallel_loop3A_603 = arith.index_cast %parallel_loop3A_310 : i32 to index
      %parallel_loop3A_604 = arith.constant 160 : index
      %parallel_loop3A_605 = tpu.vector_load %arg9[%parallel_loop3A_602, %parallel_loop3A_603, %parallel_loop3A_604] {strides = array<i32>} : memref<2x64x512xf32, #tpu.memory_space<vmem>>, vector<16xf32>,
      %parallel_loop3A_606 = arith.mulf %parallel_loop3A_605, %parallel_loop3A_328 : vector<16xf32>
      %parallel_loop3A_607 = arith.constant 1 : i32
      %parallel_loop3A_608 = arith.index_cast %parallel_loop3A_607 : i32 to index
      %parallel_loop3A_609 = arith.index_cast %parallel_loop3A_310 : i32 to index
      %parallel_loop3A_610 = arith.constant 160 : index
      %parallel_loop3A_611 = tpu.vector_load %arg9[%parallel_loop3A_608, %parallel_loop3A_609, %parallel_loop3A_610] {strides = array<i32>} : memref<2x64x512xf32, #tpu.memory_space<vmem>>, vector<16xf32>,
      %parallel_loop3A_612 = arith.subf %parallel_loop3A_606, %parallel_loop3A_611 : vector<16xf32>
      %parallel_loop3A_613 = math.absf %parallel_loop3A_612 : vector<16xf32>
      %parallel_loop3A_614 = arith.constant 1.000000e+00 : f32
      %parallel_loop3A_615 = vector.broadcast %parallel_loop3A_614 : f32 to vector<16xf32>
      %parallel_loop3A_616 = arith.cmpf olt, %parallel_loop3A_613, %parallel_loop3A_615 : vector<16xf32>
      %parallel_loop3A_617 = arith.constant 5.000000e-01 : f32
      %parallel_loop3A_618 = vector.broadcast %parallel_loop3A_617 : f32 to vector<16xf32>
      %parallel_loop3A_619 = arith.mulf %parallel_loop3A_618, %parallel_loop3A_612 : vector<16xf32>
      %parallel_loop3A_620 = arith.mulf %parallel_loop3A_619, %parallel_loop3A_612 : vector<16xf32>
      %parallel_loop3A_621 = arith.constant 5.000000e-01 : f32
      %parallel_loop3A_622 = vector.broadcast %parallel_loop3A_621 : f32 to vector<16xf32>
      %parallel_loop3A_623 = arith.subf %parallel_loop3A_613, %parallel_loop3A_622 : vector<16xf32>
      %parallel_loop3A_624 = arith.select %parallel_loop3A_616, %parallel_loop3A_620, %parallel_loop3A_623 : vector<16xi1>, vector<16xf32>
      %parallel_loop3A_625 = arith.mulf %parallel_loop3A_340, %parallel_loop3A_624 : vector<16xf32>
      %parallel_loop3A_626 = arith.addf %parallel_loop3A_522, %parallel_loop3A_625 : vector<16xf32>
      %parallel_loop3A_627 = arith.constant 0 : i32
      %parallel_loop3A_628 = arith.index_cast %parallel_loop3A_627 : i32 to index
      %parallel_loop3A_629 = arith.index_cast %parallel_loop3A_310 : i32 to index
      %parallel_loop3A_630 = arith.constant 176 : index
      %parallel_loop3A_631 = tpu.vector_load %arg9[%parallel_loop3A_628, %parallel_loop3A_629, %parallel_loop3A_630] {strides = array<i32>} : memref<2x64x512xf32, #tpu.memory_space<vmem>>, vector<16xf32>,
      %parallel_loop3A_632 = arith.mulf %parallel_loop3A_631, %parallel_loop3A_328 : vector<16xf32>
      %parallel_loop3A_633 = arith.constant 1 : i32
      %parallel_loop3A_634 = arith.index_cast %parallel_loop3A_633 : i32 to index
      %parallel_loop3A_635 = arith.index_cast %parallel_loop3A_310 : i32 to index
      %parallel_loop3A_636 = arith.constant 176 : index
      %parallel_loop3A_637 = tpu.vector_load %arg9[%parallel_loop3A_634, %parallel_loop3A_635, %parallel_loop3A_636] {strides = array<i32>} : memref<2x64x512xf32, #tpu.memory_space<vmem>>, vector<16xf32>,
      %parallel_loop3A_638 = arith.subf %parallel_loop3A_632, %parallel_loop3A_637 : vector<16xf32>
      %parallel_loop3A_639 = math.absf %parallel_loop3A_638 : vector<16xf32>
      %parallel_loop3A_640 = arith.constant 1.000000e+00 : f32
      %parallel_loop3A_641 = vector.broadcast %parallel_loop3A_640 : f32 to vector<16xf32>
      %parallel_loop3A_642 = arith.cmpf olt, %parallel_loop3A_639, %parallel_loop3A_641 : vector<16xf32>
      %parallel_loop3A_643 = arith.constant 5.000000e-01 : f32
      %parallel_loop3A_644 = vector.broadcast %parallel_loop3A_643 : f32 to vector<16xf32>
      %parallel_loop3A_645 = arith.mulf %parallel_loop3A_644, %parallel_loop3A_638 : vector<16xf32>
      %parallel_loop3A_646 = arith.mulf %parallel_loop3A_645, %parallel_loop3A_638 : vector<16xf32>
      %parallel_loop3A_647 = arith.constant 5.000000e-01 : f32
      %parallel_loop3A_648 = vector.broadcast %parallel_loop3A_647 : f32 to vector<16xf32>
      %parallel_loop3A_649 = arith.subf %parallel_loop3A_639, %parallel_loop3A_648 : vector<16xf32>
      %parallel_loop3A_650 = arith.select %parallel_loop3A_642, %parallel_loop3A_646, %parallel_loop3A_649 : vector<16xi1>, vector<16xf32>
      %parallel_loop3A_651 = arith.mulf %parallel_loop3A_340, %parallel_loop3A_650 : vector<16xf32>
      %parallel_loop3A_652 = arith.addf %parallel_loop3A_548, %parallel_loop3A_651 : vector<16xf32>
      %parallel_loop3A_653 = arith.constant 0 : i32
      %parallel_loop3A_654 = arith.index_cast %parallel_loop3A_653 : i32 to index
      %parallel_loop3A_655 = arith.index_cast %parallel_loop3A_310 : i32 to index
      %parallel_loop3A_656 = arith.constant 192 : index
      %parallel_loop3A_657 = tpu.vector_load %arg9[%parallel_loop3A_654, %parallel_loop3A_655, %parallel_loop3A_656] {strides = array<i32>} : memref<2x64x512xf32, #tpu.memory_space<vmem>>, vector<16xf32>,
      %parallel_loop3A_658 = arith.mulf %parallel_loop3A_657, %parallel_loop3A_328 : vector<16xf32>
      %parallel_loop3A_659 = arith.constant 1 : i32
      %parallel_loop3A_660 = arith.index_cast %parallel_loop3A_659 : i32 to index
      %parallel_loop3A_661 = arith.index_cast %parallel_loop3A_310 : i32 to index
      %parallel_loop3A_662 = arith.constant 192 : index
      %parallel_loop3A_663 = tpu.vector_load %arg9[%parallel_loop3A_660, %parallel_loop3A_661, %parallel_loop3A_662] {strides = array<i32>} : memref<2x64x512xf32, #tpu.memory_space<vmem>>, vector<16xf32>,
      %parallel_loop3A_664 = arith.subf %parallel_loop3A_658, %parallel_loop3A_663 : vector<16xf32>
      %parallel_loop3A_665 = math.absf %parallel_loop3A_664 : vector<16xf32>
      %parallel_loop3A_666 = arith.constant 1.000000e+00 : f32
      %parallel_loop3A_667 = vector.broadcast %parallel_loop3A_666 : f32 to vector<16xf32>
      %parallel_loop3A_668 = arith.cmpf olt, %parallel_loop3A_665, %parallel_loop3A_667 : vector<16xf32>
      %parallel_loop3A_669 = arith.constant 5.000000e-01 : f32
      %parallel_loop3A_670 = vector.broadcast %parallel_loop3A_669 : f32 to vector<16xf32>
      %parallel_loop3A_671 = arith.mulf %parallel_loop3A_670, %parallel_loop3A_664 : vector<16xf32>
      %parallel_loop3A_672 = arith.mulf %parallel_loop3A_671, %parallel_loop3A_664 : vector<16xf32>
      %parallel_loop3A_673 = arith.constant 5.000000e-01 : f32
      %parallel_loop3A_674 = vector.broadcast %parallel_loop3A_673 : f32 to vector<16xf32>
      %parallel_loop3A_675 = arith.subf %parallel_loop3A_665, %parallel_loop3A_674 : vector<16xf32>
      %parallel_loop3A_676 = arith.select %parallel_loop3A_668, %parallel_loop3A_672, %parallel_loop3A_675 : vector<16xi1>, vector<16xf32>
      %parallel_loop3A_677 = arith.mulf %parallel_loop3A_340, %parallel_loop3A_676 : vector<16xf32>
      %parallel_loop3A_678 = arith.addf %parallel_loop3A_574, %parallel_loop3A_677 : vector<16xf32>
      %parallel_loop3A_679 = arith.constant 0 : i32
      %parallel_loop3A_680 = arith.index_cast %parallel_loop3A_679 : i32 to index
      %parallel_loop3A_681 = arith.index_cast %parallel_loop3A_310 : i32 to index
      %parallel_loop3A_682 = arith.constant 208 : index
      %parallel_loop3A_683 = tpu.vector_load %arg9[%parallel_loop3A_680, %parallel_loop3A_681, %parallel_loop3A_682] {strides = array<i32>} : memref<2x64x512xf32, #tpu.memory_space<vmem>>, vector<16xf32>,
      %parallel_loop3A_684 = arith.mulf %parallel_loop3A_683, %parallel_loop3A_328 : vector<16xf32>
      %parallel_loop3A_685 = arith.constant 1 : i32
      %parallel_loop3A_686 = arith.index_cast %parallel_loop3A_685 : i32 to index
      %parallel_loop3A_687 = arith.index_cast %parallel_loop3A_310 : i32 to index
      %parallel_loop3A_688 = arith.constant 208 : index
      %parallel_loop3A_689 = tpu.vector_load %arg9[%parallel_loop3A_686, %parallel_loop3A_687, %parallel_loop3A_688] {strides = array<i32>} : memref<2x64x512xf32, #tpu.memory_space<vmem>>, vector<16xf32>,
      %parallel_loop3A_690 = arith.subf %parallel_loop3A_684, %parallel_loop3A_689 : vector<16xf32>
      %parallel_loop3A_691 = math.absf %parallel_loop3A_690 : vector<16xf32>
      %parallel_loop3A_692 = arith.constant 1.000000e+00 : f32
      %parallel_loop3A_693 = vector.broadcast %parallel_loop3A_692 : f32 to vector<16xf32>
      %parallel_loop3A_694 = arith.cmpf olt, %parallel_loop3A_691, %parallel_loop3A_693 : vector<16xf32>
      %parallel_loop3A_695 = arith.constant 5.000000e-01 : f32
      %parallel_loop3A_696 = vector.broadcast %parallel_loop3A_695 : f32 to vector<16xf32>
      %parallel_loop3A_697 = arith.mulf %parallel_loop3A_696, %parallel_loop3A_690 : vector<16xf32>
      %parallel_loop3A_698 = arith.mulf %parallel_loop3A_697, %parallel_loop3A_690 : vector<16xf32>
      %parallel_loop3A_699 = arith.constant 5.000000e-01 : f32
      %parallel_loop3A_700 = vector.broadcast %parallel_loop3A_699 : f32 to vector<16xf32>
      %parallel_loop3A_701 = arith.subf %parallel_loop3A_691, %parallel_loop3A_700 : vector<16xf32>
      %parallel_loop3A_702 = arith.select %parallel_loop3A_694, %parallel_loop3A_698, %parallel_loop3A_701 : vector<16xi1>, vector<16xf32>
      %parallel_loop3A_703 = arith.mulf %parallel_loop3A_340, %parallel_loop3A_702 : vector<16xf32>
      %parallel_loop3A_704 = arith.addf %parallel_loop3A_600, %parallel_loop3A_703 : vector<16xf32>
      %parallel_loop3A_705 = arith.constant 0 : i32
      %parallel_loop3A_706 = arith.index_cast %parallel_loop3A_705 : i32 to index
      %parallel_loop3A_707 = arith.index_cast %parallel_loop3A_310 : i32 to index
      %parallel_loop3A_708 = arith.constant 224 : index
      %parallel_loop3A_709 = tpu.vector_load %arg9[%parallel_loop3A_706, %parallel_loop3A_707, %parallel_loop3A_708] {strides = array<i32>} : memref<2x64x512xf32, #tpu.memory_space<vmem>>, vector<16xf32>,
      %parallel_loop3A_710 = arith.mulf %parallel_loop3A_709, %parallel_loop3A_328 : vector<16xf32>
      %parallel_loop3A_711 = arith.constant 1 : i32
      %parallel_loop3A_712 = arith.index_cast %parallel_loop3A_711 : i32 to index
      %parallel_loop3A_713 = arith.index_cast %parallel_loop3A_310 : i32 to index
      %parallel_loop3A_714 = arith.constant 224 : index
      %parallel_loop3A_715 = tpu.vector_load %arg9[%parallel_loop3A_712, %parallel_loop3A_713, %parallel_loop3A_714] {strides = array<i32>} : memref<2x64x512xf32, #tpu.memory_space<vmem>>, vector<16xf32>,
      %parallel_loop3A_716 = arith.subf %parallel_loop3A_710, %parallel_loop3A_715 : vector<16xf32>
      %parallel_loop3A_717 = math.absf %parallel_loop3A_716 : vector<16xf32>
      %parallel_loop3A_718 = arith.constant 1.000000e+00 : f32
      %parallel_loop3A_719 = vector.broadcast %parallel_loop3A_718 : f32 to vector<16xf32>
      %parallel_loop3A_720 = arith.cmpf olt, %parallel_loop3A_717, %parallel_loop3A_719 : vector<16xf32>
      %parallel_loop3A_721 = arith.constant 5.000000e-01 : f32
      %parallel_loop3A_722 = vector.broadcast %parallel_loop3A_721 : f32 to vector<16xf32>
      %parallel_loop3A_723 = arith.mulf %parallel_loop3A_722, %parallel_loop3A_716 : vector<16xf32>
      %parallel_loop3A_724 = arith.mulf %parallel_loop3A_723, %parallel_loop3A_716 : vector<16xf32>
      %parallel_loop3A_725 = arith.constant 5.000000e-01 : f32
      %parallel_loop3A_726 = vector.broadcast %parallel_loop3A_725 : f32 to vector<16xf32>
      %parallel_loop3A_727 = arith.subf %parallel_loop3A_717, %parallel_loop3A_726 : vector<16xf32>
      %parallel_loop3A_728 = arith.select %parallel_loop3A_720, %parallel_loop3A_724, %parallel_loop3A_727 : vector<16xi1>, vector<16xf32>
      %parallel_loop3A_729 = arith.mulf %parallel_loop3A_340, %parallel_loop3A_728 : vector<16xf32>
      %parallel_loop3A_730 = arith.addf %parallel_loop3A_626, %parallel_loop3A_729 : vector<16xf32>
      %parallel_loop3A_731 = arith.constant 0 : i32
      %parallel_loop3A_732 = arith.index_cast %parallel_loop3A_731 : i32 to index
      %parallel_loop3A_733 = arith.index_cast %parallel_loop3A_310 : i32 to index
      %parallel_loop3A_734 = arith.constant 240 : index
      %parallel_loop3A_735 = tpu.vector_load %arg9[%parallel_loop3A_732, %parallel_loop3A_733, %parallel_loop3A_734] {strides = array<i32>} : memref<2x64x512xf32, #tpu.memory_space<vmem>>, vector<16xf32>,
      %parallel_loop3A_736 = arith.mulf %parallel_loop3A_735, %parallel_loop3A_328 : vector<16xf32>
      %parallel_loop3A_737 = arith.constant 1 : i32
      %parallel_loop3A_738 = arith.index_cast %parallel_loop3A_737 : i32 to index
      %parallel_loop3A_739 = arith.index_cast %parallel_loop3A_310 : i32 to index
      %parallel_loop3A_740 = arith.constant 240 : index
      %parallel_loop3A_741 = tpu.vector_load %arg9[%parallel_loop3A_738, %parallel_loop3A_739, %parallel_loop3A_740] {strides = array<i32>} : memref<2x64x512xf32, #tpu.memory_space<vmem>>, vector<16xf32>,
      %parallel_loop3A_742 = arith.subf %parallel_loop3A_736, %parallel_loop3A_741 : vector<16xf32>
      %parallel_loop3A_743 = math.absf %parallel_loop3A_742 : vector<16xf32>
      %parallel_loop3A_744 = arith.constant 1.000000e+00 : f32
      %parallel_loop3A_745 = vector.broadcast %parallel_loop3A_744 : f32 to vector<16xf32>
      %parallel_loop3A_746 = arith.cmpf olt, %parallel_loop3A_743, %parallel_loop3A_745 : vector<16xf32>
      %parallel_loop3A_747 = arith.constant 5.000000e-01 : f32
      %parallel_loop3A_748 = vector.broadcast %parallel_loop3A_747 : f32 to vector<16xf32>
      %parallel_loop3A_749 = arith.mulf %parallel_loop3A_748, %parallel_loop3A_742 : vector<16xf32>
      %parallel_loop3A_750 = arith.mulf %parallel_loop3A_749, %parallel_loop3A_742 : vector<16xf32>
      %parallel_loop3A_751 = arith.constant 5.000000e-01 : f32
      %parallel_loop3A_752 = vector.broadcast %parallel_loop3A_751 : f32 to vector<16xf32>
      %parallel_loop3A_753 = arith.subf %parallel_loop3A_743, %parallel_loop3A_752 : vector<16xf32>
      %parallel_loop3A_754 = arith.select %parallel_loop3A_746, %parallel_loop3A_750, %parallel_loop3A_753 : vector<16xi1>, vector<16xf32>
      %parallel_loop3A_755 = arith.mulf %parallel_loop3A_340, %parallel_loop3A_754 : vector<16xf32>
      %parallel_loop3A_756 = arith.addf %parallel_loop3A_652, %parallel_loop3A_755 : vector<16xf32>
      %parallel_loop3A_757 = arith.constant 0 : i32
      %parallel_loop3A_758 = arith.index_cast %parallel_loop3A_757 : i32 to index
      %parallel_loop3A_759 = arith.index_cast %parallel_loop3A_310 : i32 to index
      %parallel_loop3A_760 = arith.constant 256 : index
      %parallel_loop3A_761 = tpu.vector_load %arg9[%parallel_loop3A_758, %parallel_loop3A_759, %parallel_loop3A_760] {strides = array<i32>} : memref<2x64x512xf32, #tpu.memory_space<vmem>>, vector<16xf32>,
      %parallel_loop3A_762 = arith.mulf %parallel_loop3A_761, %parallel_loop3A_328 : vector<16xf32>
      %parallel_loop3A_763 = arith.constant 1 : i32
      %parallel_loop3A_764 = arith.index_cast %parallel_loop3A_763 : i32 to index
      %parallel_loop3A_765 = arith.index_cast %parallel_loop3A_310 : i32 to index
      %parallel_loop3A_766 = arith.constant 256 : index
      %parallel_loop3A_767 = tpu.vector_load %arg9[%parallel_loop3A_764, %parallel_loop3A_765, %parallel_loop3A_766] {strides = array<i32>} : memref<2x64x512xf32, #tpu.memory_space<vmem>>, vector<16xf32>,
      %parallel_loop3A_768 = arith.subf %parallel_loop3A_762, %parallel_loop3A_767 : vector<16xf32>
      %parallel_loop3A_769 = math.absf %parallel_loop3A_768 : vector<16xf32>
      %parallel_loop3A_770 = arith.constant 1.000000e+00 : f32
      %parallel_loop3A_771 = vector.broadcast %parallel_loop3A_770 : f32 to vector<16xf32>
      %parallel_loop3A_772 = arith.cmpf olt, %parallel_loop3A_769, %parallel_loop3A_771 : vector<16xf32>
      %parallel_loop3A_773 = arith.constant 5.000000e-01 : f32
      %parallel_loop3A_774 = vector.broadcast %parallel_loop3A_773 : f32 to vector<16xf32>
      %parallel_loop3A_775 = arith.mulf %parallel_loop3A_774, %parallel_loop3A_768 : vector<16xf32>
      %parallel_loop3A_776 = arith.mulf %parallel_loop3A_775, %parallel_loop3A_768 : vector<16xf32>
      %parallel_loop3A_777 = arith.constant 5.000000e-01 : f32
      %parallel_loop3A_778 = vector.broadcast %parallel_loop3A_777 : f32 to vector<16xf32>
      %parallel_loop3A_779 = arith.subf %parallel_loop3A_769, %parallel_loop3A_778 : vector<16xf32>
      %parallel_loop3A_780 = arith.select %parallel_loop3A_772, %parallel_loop3A_776, %parallel_loop3A_779 : vector<16xi1>, vector<16xf32>
      %parallel_loop3A_781 = arith.mulf %parallel_loop3A_340, %parallel_loop3A_780 : vector<16xf32>
      %parallel_loop3A_782 = arith.addf %parallel_loop3A_678, %parallel_loop3A_781 : vector<16xf32>
      %parallel_loop3A_783 = arith.constant 0 : i32
      %parallel_loop3A_784 = arith.index_cast %parallel_loop3A_783 : i32 to index
      %parallel_loop3A_785 = arith.index_cast %parallel_loop3A_310 : i32 to index
      %parallel_loop3A_786 = arith.constant 272 : index
      %parallel_loop3A_787 = tpu.vector_load %arg9[%parallel_loop3A_784, %parallel_loop3A_785, %parallel_loop3A_786] {strides = array<i32>} : memref<2x64x512xf32, #tpu.memory_space<vmem>>, vector<16xf32>,
      %parallel_loop3A_788 = arith.mulf %parallel_loop3A_787, %parallel_loop3A_328 : vector<16xf32>
      %parallel_loop3A_789 = arith.constant 1 : i32
      %parallel_loop3A_790 = arith.index_cast %parallel_loop3A_789 : i32 to index
      %parallel_loop3A_791 = arith.index_cast %parallel_loop3A_310 : i32 to index
      %parallel_loop3A_792 = arith.constant 272 : index
      %parallel_loop3A_793 = tpu.vector_load %arg9[%parallel_loop3A_790, %parallel_loop3A_791, %parallel_loop3A_792] {strides = array<i32>} : memref<2x64x512xf32, #tpu.memory_space<vmem>>, vector<16xf32>,
      %parallel_loop3A_794 = arith.subf %parallel_loop3A_788, %parallel_loop3A_793 : vector<16xf32>
      %parallel_loop3A_795 = math.absf %parallel_loop3A_794 : vector<16xf32>
      %parallel_loop3A_796 = arith.constant 1.000000e+00 : f32
      %parallel_loop3A_797 = vector.broadcast %parallel_loop3A_796 : f32 to vector<16xf32>
      %parallel_loop3A_798 = arith.cmpf olt, %parallel_loop3A_795, %parallel_loop3A_797 : vector<16xf32>
      %parallel_loop3A_799 = arith.constant 5.000000e-01 : f32
      %parallel_loop3A_800 = vector.broadcast %parallel_loop3A_799 : f32 to vector<16xf32>
      %parallel_loop3A_801 = arith.mulf %parallel_loop3A_800, %parallel_loop3A_794 : vector<16xf32>
      %parallel_loop3A_802 = arith.mulf %parallel_loop3A_801, %parallel_loop3A_794 : vector<16xf32>
      %parallel_loop3A_803 = arith.constant 5.000000e-01 : f32
      %parallel_loop3A_804 = vector.broadcast %parallel_loop3A_803 : f32 to vector<16xf32>
      %parallel_loop3A_805 = arith.subf %parallel_loop3A_795, %parallel_loop3A_804 : vector<16xf32>
      %parallel_loop3A_806 = arith.select %parallel_loop3A_798, %parallel_loop3A_802, %parallel_loop3A_805 : vector<16xi1>, vector<16xf32>
      %parallel_loop3A_807 = arith.mulf %parallel_loop3A_340, %parallel_loop3A_806 : vector<16xf32>
      %parallel_loop3A_808 = arith.addf %parallel_loop3A_704, %parallel_loop3A_807 : vector<16xf32>
      %parallel_loop3A_809 = arith.constant 0 : i32
      %parallel_loop3A_810 = arith.index_cast %parallel_loop3A_809 : i32 to index
      %parallel_loop3A_811 = arith.index_cast %parallel_loop3A_310 : i32 to index
      %parallel_loop3A_812 = arith.constant 288 : index
      %parallel_loop3A_813 = tpu.vector_load %arg9[%parallel_loop3A_810, %parallel_loop3A_811, %parallel_loop3A_812] {strides = array<i32>} : memref<2x64x512xf32, #tpu.memory_space<vmem>>, vector<16xf32>,
      %parallel_loop3A_814 = arith.mulf %parallel_loop3A_813, %parallel_loop3A_328 : vector<16xf32>
      %parallel_loop3A_815 = arith.constant 1 : i32
      %parallel_loop3A_816 = arith.index_cast %parallel_loop3A_815 : i32 to index
      %parallel_loop3A_817 = arith.index_cast %parallel_loop3A_310 : i32 to index
      %parallel_loop3A_818 = arith.constant 288 : index
      %parallel_loop3A_819 = tpu.vector_load %arg9[%parallel_loop3A_816, %parallel_loop3A_817, %parallel_loop3A_818] {strides = array<i32>} : memref<2x64x512xf32, #tpu.memory_space<vmem>>, vector<16xf32>,
      %parallel_loop3A_820 = arith.subf %parallel_loop3A_814, %parallel_loop3A_819 : vector<16xf32>
      %parallel_loop3A_821 = math.absf %parallel_loop3A_820 : vector<16xf32>
      %parallel_loop3A_822 = arith.constant 1.000000e+00 : f32
      %parallel_loop3A_823 = vector.broadcast %parallel_loop3A_822 : f32 to vector<16xf32>
      %parallel_loop3A_824 = arith.cmpf olt, %parallel_loop3A_821, %parallel_loop3A_823 : vector<16xf32>
      %parallel_loop3A_825 = arith.constant 5.000000e-01 : f32
      %parallel_loop3A_826 = vector.broadcast %parallel_loop3A_825 : f32 to vector<16xf32>
      %parallel_loop3A_827 = arith.mulf %parallel_loop3A_826, %parallel_loop3A_820 : vector<16xf32>
      %parallel_loop3A_828 = arith.mulf %parallel_loop3A_827, %parallel_loop3A_820 : vector<16xf32>
      %parallel_loop3A_829 = arith.constant 5.000000e-01 : f32
      %parallel_loop3A_830 = vector.broadcast %parallel_loop3A_829 : f32 to vector<16xf32>
      %parallel_loop3A_831 = arith.subf %parallel_loop3A_821, %parallel_loop3A_830 : vector<16xf32>
      %parallel_loop3A_832 = arith.select %parallel_loop3A_824, %parallel_loop3A_828, %parallel_loop3A_831 : vector<16xi1>, vector<16xf32>
      %parallel_loop3A_833 = arith.mulf %parallel_loop3A_340, %parallel_loop3A_832 : vector<16xf32>
      %parallel_loop3A_834 = arith.addf %parallel_loop3A_730, %parallel_loop3A_833 : vector<16xf32>
      %parallel_loop3A_835 = arith.constant 0 : i32
      %parallel_loop3A_836 = arith.index_cast %parallel_loop3A_835 : i32 to index
      %parallel_loop3A_837 = arith.index_cast %parallel_loop3A_310 : i32 to index
      %parallel_loop3A_838 = arith.constant 304 : index
      %parallel_loop3A_839 = tpu.vector_load %arg9[%parallel_loop3A_836, %parallel_loop3A_837, %parallel_loop3A_838] {strides = array<i32>} : memref<2x64x512xf32, #tpu.memory_space<vmem>>, vector<16xf32>,
      %parallel_loop3A_840 = arith.mulf %parallel_loop3A_839, %parallel_loop3A_328 : vector<16xf32>
      %parallel_loop3A_841 = arith.constant 1 : i32
      %parallel_loop3A_842 = arith.index_cast %parallel_loop3A_841 : i32 to index
      %parallel_loop3A_843 = arith.index_cast %parallel_loop3A_310 : i32 to index
      %parallel_loop3A_844 = arith.constant 304 : index
      %parallel_loop3A_845 = tpu.vector_load %arg9[%parallel_loop3A_842, %parallel_loop3A_843, %parallel_loop3A_844] {strides = array<i32>} : memref<2x64x512xf32, #tpu.memory_space<vmem>>, vector<16xf32>,
      %parallel_loop3A_846 = arith.subf %parallel_loop3A_840, %parallel_loop3A_845 : vector<16xf32>
      %parallel_loop3A_847 = math.absf %parallel_loop3A_846 : vector<16xf32>
      %parallel_loop3A_848 = arith.constant 1.000000e+00 : f32
      %parallel_loop3A_849 = vector.broadcast %parallel_loop3A_848 : f32 to vector<16xf32>
      %parallel_loop3A_850 = arith.cmpf olt, %parallel_loop3A_847, %parallel_loop3A_849 : vector<16xf32>
      %parallel_loop3A_851 = arith.constant 5.000000e-01 : f32
      %parallel_loop3A_852 = vector.broadcast %parallel_loop3A_851 : f32 to vector<16xf32>
      %parallel_loop3A_853 = arith.mulf %parallel_loop3A_852, %parallel_loop3A_846 : vector<16xf32>
      %parallel_loop3A_854 = arith.mulf %parallel_loop3A_853, %parallel_loop3A_846 : vector<16xf32>
      %parallel_loop3A_855 = arith.constant 5.000000e-01 : f32
      %parallel_loop3A_856 = vector.broadcast %parallel_loop3A_855 : f32 to vector<16xf32>
      %parallel_loop3A_857 = arith.subf %parallel_loop3A_847, %parallel_loop3A_856 : vector<16xf32>
      %parallel_loop3A_858 = arith.select %parallel_loop3A_850, %parallel_loop3A_854, %parallel_loop3A_857 : vector<16xi1>, vector<16xf32>
      %parallel_loop3A_859 = arith.mulf %parallel_loop3A_340, %parallel_loop3A_858 : vector<16xf32>
      %parallel_loop3A_860 = arith.addf %parallel_loop3A_756, %parallel_loop3A_859 : vector<16xf32>
      %parallel_loop3A_861 = arith.constant 0 : i32
      %parallel_loop3A_862 = arith.index_cast %parallel_loop3A_861 : i32 to index
      %parallel_loop3A_863 = arith.index_cast %parallel_loop3A_310 : i32 to index
      %parallel_loop3A_864 = arith.constant 320 : index
      %parallel_loop3A_865 = tpu.vector_load %arg9[%parallel_loop3A_862, %parallel_loop3A_863, %parallel_loop3A_864] {strides = array<i32>} : memref<2x64x512xf32, #tpu.memory_space<vmem>>, vector<16xf32>,
      %parallel_loop3A_866 = arith.mulf %parallel_loop3A_865, %parallel_loop3A_328 : vector<16xf32>
      %parallel_loop3A_867 = arith.constant 1 : i32
      %parallel_loop3A_868 = arith.index_cast %parallel_loop3A_867 : i32 to index
      %parallel_loop3A_869 = arith.index_cast %parallel_loop3A_310 : i32 to index
      %parallel_loop3A_870 = arith.constant 320 : index
      %parallel_loop3A_871 = tpu.vector_load %arg9[%parallel_loop3A_868, %parallel_loop3A_869, %parallel_loop3A_870] {strides = array<i32>} : memref<2x64x512xf32, #tpu.memory_space<vmem>>, vector<16xf32>,
      %parallel_loop3A_872 = arith.subf %parallel_loop3A_866, %parallel_loop3A_871 : vector<16xf32>
      %parallel_loop3A_873 = math.absf %parallel_loop3A_872 : vector<16xf32>
      %parallel_loop3A_874 = arith.constant 1.000000e+00 : f32
      %parallel_loop3A_875 = vector.broadcast %parallel_loop3A_874 : f32 to vector<16xf32>
      %parallel_loop3A_876 = arith.cmpf olt, %parallel_loop3A_873, %parallel_loop3A_875 : vector<16xf32>
      %parallel_loop3A_877 = arith.constant 5.000000e-01 : f32
      %parallel_loop3A_878 = vector.broadcast %parallel_loop3A_877 : f32 to vector<16xf32>
      %parallel_loop3A_879 = arith.mulf %parallel_loop3A_878, %parallel_loop3A_872 : vector<16xf32>
      %parallel_loop3A_880 = arith.mulf %parallel_loop3A_879, %parallel_loop3A_872 : vector<16xf32>
      %parallel_loop3A_881 = arith.constant 5.000000e-01 : f32
      %parallel_loop3A_882 = vector.broadcast %parallel_loop3A_881 : f32 to vector<16xf32>
      %parallel_loop3A_883 = arith.subf %parallel_loop3A_873, %parallel_loop3A_882 : vector<16xf32>
      %parallel_loop3A_884 = arith.select %parallel_loop3A_876, %parallel_loop3A_880, %parallel_loop3A_883 : vector<16xi1>, vector<16xf32>
      %parallel_loop3A_885 = arith.mulf %parallel_loop3A_340, %parallel_loop3A_884 : vector<16xf32>
      %parallel_loop3A_886 = arith.addf %parallel_loop3A_782, %parallel_loop3A_885 : vector<16xf32>
      %parallel_loop3A_887 = arith.constant 0 : i32
      %parallel_loop3A_888 = arith.index_cast %parallel_loop3A_887 : i32 to index
      %parallel_loop3A_889 = arith.index_cast %parallel_loop3A_310 : i32 to index
      %parallel_loop3A_890 = arith.constant 336 : index
      %parallel_loop3A_891 = tpu.vector_load %arg9[%parallel_loop3A_888, %parallel_loop3A_889, %parallel_loop3A_890] {strides = array<i32>} : memref<2x64x512xf32, #tpu.memory_space<vmem>>, vector<16xf32>,
      %parallel_loop3A_892 = arith.mulf %parallel_loop3A_891, %parallel_loop3A_328 : vector<16xf32>
      %parallel_loop3A_893 = arith.constant 1 : i32
      %parallel_loop3A_894 = arith.index_cast %parallel_loop3A_893 : i32 to index
      %parallel_loop3A_895 = arith.index_cast %parallel_loop3A_310 : i32 to index
      %parallel_loop3A_896 = arith.constant 336 : index
      %parallel_loop3A_897 = tpu.vector_load %arg9[%parallel_loop3A_894, %parallel_loop3A_895, %parallel_loop3A_896] {strides = array<i32>} : memref<2x64x512xf32, #tpu.memory_space<vmem>>, vector<16xf32>,
      %parallel_loop3A_898 = arith.subf %parallel_loop3A_892, %parallel_loop3A_897 : vector<16xf32>
      %parallel_loop3A_899 = math.absf %parallel_loop3A_898 : vector<16xf32>
      %parallel_loop3A_900 = arith.constant 1.000000e+00 : f32
      %parallel_loop3A_901 = vector.broadcast %parallel_loop3A_900 : f32 to vector<16xf32>
      %parallel_loop3A_902 = arith.cmpf olt, %parallel_loop3A_899, %parallel_loop3A_901 : vector<16xf32>
      %parallel_loop3A_903 = arith.constant 5.000000e-01 : f32
      %parallel_loop3A_904 = vector.broadcast %parallel_loop3A_903 : f32 to vector<16xf32>
      %parallel_loop3A_905 = arith.mulf %parallel_loop3A_904, %parallel_loop3A_898 : vector<16xf32>
      %parallel_loop3A_906 = arith.mulf %parallel_loop3A_905, %parallel_loop3A_898 : vector<16xf32>
      %parallel_loop3A_907 = arith.constant 5.000000e-01 : f32
      %parallel_loop3A_908 = vector.broadcast %parallel_loop3A_907 : f32 to vector<16xf32>
      %parallel_loop3A_909 = arith.subf %parallel_loop3A_899, %parallel_loop3A_908 : vector<16xf32>
      %parallel_loop3A_910 = arith.select %parallel_loop3A_902, %parallel_loop3A_906, %parallel_loop3A_909 : vector<16xi1>, vector<16xf32>
      %parallel_loop3A_911 = arith.mulf %parallel_loop3A_340, %parallel_loop3A_910 : vector<16xf32>
      %parallel_loop3A_912 = arith.addf %parallel_loop3A_808, %parallel_loop3A_911 : vector<16xf32>
      %parallel_loop3A_913 = arith.constant 0 : i32
      %parallel_loop3A_914 = arith.index_cast %parallel_loop3A_913 : i32 to index
      %parallel_loop3A_915 = arith.index_cast %parallel_loop3A_310 : i32 to index
      %parallel_loop3A_916 = arith.constant 352 : index
      %parallel_loop3A_917 = tpu.vector_load %arg9[%parallel_loop3A_914, %parallel_loop3A_915, %parallel_loop3A_916] {strides = array<i32>} : memref<2x64x512xf32, #tpu.memory_space<vmem>>, vector<16xf32>,
      %parallel_loop3A_918 = arith.mulf %parallel_loop3A_917, %parallel_loop3A_328 : vector<16xf32>
      %parallel_loop3A_919 = arith.constant 1 : i32
      %parallel_loop3A_920 = arith.index_cast %parallel_loop3A_919 : i32 to index
      %parallel_loop3A_921 = arith.index_cast %parallel_loop3A_310 : i32 to index
      %parallel_loop3A_922 = arith.constant 352 : index
      %parallel_loop3A_923 = tpu.vector_load %arg9[%parallel_loop3A_920, %parallel_loop3A_921, %parallel_loop3A_922] {strides = array<i32>} : memref<2x64x512xf32, #tpu.memory_space<vmem>>, vector<16xf32>,
      %parallel_loop3A_924 = arith.subf %parallel_loop3A_918, %parallel_loop3A_923 : vector<16xf32>
      %parallel_loop3A_925 = math.absf %parallel_loop3A_924 : vector<16xf32>
      %parallel_loop3A_926 = arith.constant 1.000000e+00 : f32
      %parallel_loop3A_927 = vector.broadcast %parallel_loop3A_926 : f32 to vector<16xf32>
      %parallel_loop3A_928 = arith.cmpf olt, %parallel_loop3A_925, %parallel_loop3A_927 : vector<16xf32>
      %parallel_loop3A_929 = arith.constant 5.000000e-01 : f32
      %parallel_loop3A_930 = vector.broadcast %parallel_loop3A_929 : f32 to vector<16xf32>
      %parallel_loop3A_931 = arith.mulf %parallel_loop3A_930, %parallel_loop3A_924 : vector<16xf32>
      %parallel_loop3A_932 = arith.mulf %parallel_loop3A_931, %parallel_loop3A_924 : vector<16xf32>
      %parallel_loop3A_933 = arith.constant 5.000000e-01 : f32
      %parallel_loop3A_934 = vector.broadcast %parallel_loop3A_933 : f32 to vector<16xf32>
      %parallel_loop3A_935 = arith.subf %parallel_loop3A_925, %parallel_loop3A_934 : vector<16xf32>
      %parallel_loop3A_936 = arith.select %parallel_loop3A_928, %parallel_loop3A_932, %parallel_loop3A_935 : vector<16xi1>, vector<16xf32>
      %parallel_loop3A_937 = arith.mulf %parallel_loop3A_340, %parallel_loop3A_936 : vector<16xf32>
      %parallel_loop3A_938 = arith.addf %parallel_loop3A_834, %parallel_loop3A_937 : vector<16xf32>
      %parallel_loop3A_939 = arith.constant 0 : i32
      %parallel_loop3A_940 = arith.index_cast %parallel_loop3A_939 : i32 to index
      %parallel_loop3A_941 = arith.index_cast %parallel_loop3A_310 : i32 to index
      %parallel_loop3A_942 = arith.constant 368 : index
      %parallel_loop3A_943 = tpu.vector_load %arg9[%parallel_loop3A_940, %parallel_loop3A_941, %parallel_loop3A_942] {strides = array<i32>} : memref<2x64x512xf32, #tpu.memory_space<vmem>>, vector<16xf32>,
      %parallel_loop3A_944 = arith.mulf %parallel_loop3A_943, %parallel_loop3A_328 : vector<16xf32>
      %parallel_loop3A_945 = arith.constant 1 : i32
      %parallel_loop3A_946 = arith.index_cast %parallel_loop3A_945 : i32 to index
      %parallel_loop3A_947 = arith.index_cast %parallel_loop3A_310 : i32 to index
      %parallel_loop3A_948 = arith.constant 368 : index
      %parallel_loop3A_949 = tpu.vector_load %arg9[%parallel_loop3A_946, %parallel_loop3A_947, %parallel_loop3A_948] {strides = array<i32>} : memref<2x64x512xf32, #tpu.memory_space<vmem>>, vector<16xf32>,
      %parallel_loop3A_950 = arith.subf %parallel_loop3A_944, %parallel_loop3A_949 : vector<16xf32>
      %parallel_loop3A_951 = math.absf %parallel_loop3A_950 : vector<16xf32>
      %parallel_loop3A_952 = arith.constant 1.000000e+00 : f32
      %parallel_loop3A_953 = vector.broadcast %parallel_loop3A_952 : f32 to vector<16xf32>
      %parallel_loop3A_954 = arith.cmpf olt, %parallel_loop3A_951, %parallel_loop3A_953 : vector<16xf32>
      %parallel_loop3A_955 = arith.constant 5.000000e-01 : f32
      %parallel_loop3A_956 = vector.broadcast %parallel_loop3A_955 : f32 to vector<16xf32>
      %parallel_loop3A_957 = arith.mulf %parallel_loop3A_956, %parallel_loop3A_950 : vector<16xf32>
      %parallel_loop3A_958 = arith.mulf %parallel_loop3A_957, %parallel_loop3A_950 : vector<16xf32>
      %parallel_loop3A_959 = arith.constant 5.000000e-01 : f32
      %parallel_loop3A_960 = vector.broadcast %parallel_loop3A_959 : f32 to vector<16xf32>
      %parallel_loop3A_961 = arith.subf %parallel_loop3A_951, %parallel_loop3A_960 : vector<16xf32>
      %parallel_loop3A_962 = arith.select %parallel_loop3A_954, %parallel_loop3A_958, %parallel_loop3A_961 : vector<16xi1>, vector<16xf32>
      %parallel_loop3A_963 = arith.mulf %parallel_loop3A_340, %parallel_loop3A_962 : vector<16xf32>
      %parallel_loop3A_964 = arith.addf %parallel_loop3A_860, %parallel_loop3A_963 : vector<16xf32>
      %parallel_loop3A_965 = arith.constant 0 : i32
      %parallel_loop3A_966 = arith.index_cast %parallel_loop3A_965 : i32 to index
      %parallel_loop3A_967 = arith.index_cast %parallel_loop3A_310 : i32 to index
      %parallel_loop3A_968 = arith.constant 384 : index
      %parallel_loop3A_969 = tpu.vector_load %arg9[%parallel_loop3A_966, %parallel_loop3A_967, %parallel_loop3A_968] {strides = array<i32>} : memref<2x64x512xf32, #tpu.memory_space<vmem>>, vector<16xf32>,
      %parallel_loop3A_970 = arith.mulf %parallel_loop3A_969, %parallel_loop3A_328 : vector<16xf32>
      %parallel_loop3A_971 = arith.constant 1 : i32
      %parallel_loop3A_972 = arith.index_cast %parallel_loop3A_971 : i32 to index
      %parallel_loop3A_973 = arith.index_cast %parallel_loop3A_310 : i32 to index
      %parallel_loop3A_974 = arith.constant 384 : index
      %parallel_loop3A_975 = tpu.vector_load %arg9[%parallel_loop3A_972, %parallel_loop3A_973, %parallel_loop3A_974] {strides = array<i32>} : memref<2x64x512xf32, #tpu.memory_space<vmem>>, vector<16xf32>,
      %parallel_loop3A_976 = arith.subf %parallel_loop3A_970, %parallel_loop3A_975 : vector<16xf32>
      %parallel_loop3A_977 = math.absf %parallel_loop3A_976 : vector<16xf32>
      %parallel_loop3A_978 = arith.constant 1.000000e+00 : f32
      %parallel_loop3A_979 = vector.broadcast %parallel_loop3A_978 : f32 to vector<16xf32>
      %parallel_loop3A_980 = arith.cmpf olt, %parallel_loop3A_977, %parallel_loop3A_979 : vector<16xf32>
      %parallel_loop3A_981 = arith.constant 5.000000e-01 : f32
      %parallel_loop3A_982 = vector.broadcast %parallel_loop3A_981 : f32 to vector<16xf32>
      %parallel_loop3A_983 = arith.mulf %parallel_loop3A_982, %parallel_loop3A_976 : vector<16xf32>
      %parallel_loop3A_984 = arith.mulf %parallel_loop3A_983, %parallel_loop3A_976 : vector<16xf32>
      %parallel_loop3A_985 = arith.constant 5.000000e-01 : f32
      %parallel_loop3A_986 = vector.broadcast %parallel_loop3A_985 : f32 to vector<16xf32>
      %parallel_loop3A_987 = arith.subf %parallel_loop3A_977, %parallel_loop3A_986 : vector<16xf32>
      %parallel_loop3A_988 = arith.select %parallel_loop3A_980, %parallel_loop3A_984, %parallel_loop3A_987 : vector<16xi1>, vector<16xf32>
      %parallel_loop3A_989 = arith.mulf %parallel_loop3A_340, %parallel_loop3A_988 : vector<16xf32>
      %parallel_loop3A_990 = arith.addf %parallel_loop3A_886, %parallel_loop3A_989 : vector<16xf32>
      %parallel_loop3A_991 = arith.constant 0 : i32
      %parallel_loop3A_992 = arith.index_cast %parallel_loop3A_991 : i32 to index
      %parallel_loop3A_993 = arith.index_cast %parallel_loop3A_310 : i32 to index
      %parallel_loop3A_994 = arith.constant 400 : index
      %parallel_loop3A_995 = tpu.vector_load %arg9[%parallel_loop3A_992, %parallel_loop3A_993, %parallel_loop3A_994] {strides = array<i32>} : memref<2x64x512xf32, #tpu.memory_space<vmem>>, vector<16xf32>,
      %parallel_loop3A_996 = arith.mulf %parallel_loop3A_995, %parallel_loop3A_328 : vector<16xf32>
      %parallel_loop3A_997 = arith.constant 1 : i32
      %parallel_loop3A_998 = arith.index_cast %parallel_loop3A_997 : i32 to index
      %parallel_loop3A_999 = arith.index_cast %parallel_loop3A_310 : i32 to index
      %parallel_loop3A_1000 = arith.constant 400 : index
      %parallel_loop3A_1001 = tpu.vector_load %arg9[%parallel_loop3A_998, %parallel_loop3A_999, %parallel_loop3A_1000] {strides = array<i32>} : memref<2x64x512xf32, #tpu.memory_space<vmem>>, vector<16xf32>,
      %parallel_loop3A_1002 = arith.subf %parallel_loop3A_996, %parallel_loop3A_1001 : vector<16xf32>
      %parallel_loop3A_1003 = math.absf %parallel_loop3A_1002 : vector<16xf32>
      %parallel_loop3A_1004 = arith.constant 1.000000e+00 : f32
      %parallel_loop3A_1005 = vector.broadcast %parallel_loop3A_1004 : f32 to vector<16xf32>
      %parallel_loop3A_1006 = arith.cmpf olt, %parallel_loop3A_1003, %parallel_loop3A_1005 : vector<16xf32>
      %parallel_loop3A_1007 = arith.constant 5.000000e-01 : f32
      %parallel_loop3A_1008 = vector.broadcast %parallel_loop3A_1007 : f32 to vector<16xf32>
      %parallel_loop3A_1009 = arith.mulf %parallel_loop3A_1008, %parallel_loop3A_1002 : vector<16xf32>
      %parallel_loop3A_1010 = arith.mulf %parallel_loop3A_1009, %parallel_loop3A_1002 : vector<16xf32>
      %parallel_loop3A_1011 = arith.constant 5.000000e-01 : f32
      %parallel_loop3A_1012 = vector.broadcast %parallel_loop3A_1011 : f32 to vector<16xf32>
      %parallel_loop3A_1013 = arith.subf %parallel_loop3A_1003, %parallel_loop3A_1012 : vector<16xf32>
      %parallel_loop3A_1014 = arith.select %parallel_loop3A_1006, %parallel_loop3A_1010, %parallel_loop3A_1013 : vector<16xi1>, vector<16xf32>
      %parallel_loop3A_1015 = arith.mulf %parallel_loop3A_340, %parallel_loop3A_1014 : vector<16xf32>
      %parallel_loop3A_1016 = arith.addf %parallel_loop3A_912, %parallel_loop3A_1015 : vector<16xf32>
      %parallel_loop3A_1017 = arith.constant 0 : i32
      %parallel_loop3A_1018 = arith.index_cast %parallel_loop3A_1017 : i32 to index
      %parallel_loop3A_1019 = arith.index_cast %parallel_loop3A_310 : i32 to index
      %parallel_loop3A_1020 = arith.constant 416 : index
      %parallel_loop3A_1021 = tpu.vector_load %arg9[%parallel_loop3A_1018, %parallel_loop3A_1019, %parallel_loop3A_1020] {strides = array<i32>} : memref<2x64x512xf32, #tpu.memory_space<vmem>>, vector<16xf32>,
      %parallel_loop3A_1022 = arith.mulf %parallel_loop3A_1021, %parallel_loop3A_328 : vector<16xf32>
      %parallel_loop3A_1023 = arith.constant 1 : i32
      %parallel_loop3A_1024 = arith.index_cast %parallel_loop3A_1023 : i32 to index
      %parallel_loop3A_1025 = arith.index_cast %parallel_loop3A_310 : i32 to index
      %parallel_loop3A_1026 = arith.constant 416 : index
      %parallel_loop3A_1027 = tpu.vector_load %arg9[%parallel_loop3A_1024, %parallel_loop3A_1025, %parallel_loop3A_1026] {strides = array<i32>} : memref<2x64x512xf32, #tpu.memory_space<vmem>>, vector<16xf32>,
      %parallel_loop3A_1028 = arith.subf %parallel_loop3A_1022, %parallel_loop3A_1027 : vector<16xf32>
      %parallel_loop3A_1029 = math.absf %parallel_loop3A_1028 : vector<16xf32>
      %parallel_loop3A_1030 = arith.constant 1.000000e+00 : f32
      %parallel_loop3A_1031 = vector.broadcast %parallel_loop3A_1030 : f32 to vector<16xf32>
      %parallel_loop3A_1032 = arith.cmpf olt, %parallel_loop3A_1029, %parallel_loop3A_1031 : vector<16xf32>
      %parallel_loop3A_1033 = arith.constant 5.000000e-01 : f32
      %parallel_loop3A_1034 = vector.broadcast %parallel_loop3A_1033 : f32 to vector<16xf32>
      %parallel_loop3A_1035 = arith.mulf %parallel_loop3A_1034, %parallel_loop3A_1028 : vector<16xf32>
      %parallel_loop3A_1036 = arith.mulf %parallel_loop3A_1035, %parallel_loop3A_1028 : vector<16xf32>
      %parallel_loop3A_1037 = arith.constant 5.000000e-01 : f32
      %parallel_loop3A_1038 = vector.broadcast %parallel_loop3A_1037 : f32 to vector<16xf32>
      %parallel_loop3A_1039 = arith.subf %parallel_loop3A_1029, %parallel_loop3A_1038 : vector<16xf32>
      %parallel_loop3A_1040 = arith.select %parallel_loop3A_1032, %parallel_loop3A_1036, %parallel_loop3A_1039 : vector<16xi1>, vector<16xf32>
      %parallel_loop3A_1041 = arith.mulf %parallel_loop3A_340, %parallel_loop3A_1040 : vector<16xf32>
      %parallel_loop3A_1042 = arith.addf %parallel_loop3A_938, %parallel_loop3A_1041 : vector<16xf32>
      %parallel_loop3A_1043 = arith.constant 0 : i32
      %parallel_loop3A_1044 = arith.index_cast %parallel_loop3A_1043 : i32 to index
      %parallel_loop3A_1045 = arith.index_cast %parallel_loop3A_310 : i32 to index
      %parallel_loop3A_1046 = arith.constant 432 : index
      %parallel_loop3A_1047 = tpu.vector_load %arg9[%parallel_loop3A_1044, %parallel_loop3A_1045, %parallel_loop3A_1046] {strides = array<i32>} : memref<2x64x512xf32, #tpu.memory_space<vmem>>, vector<16xf32>,
      %parallel_loop3A_1048 = arith.mulf %parallel_loop3A_1047, %parallel_loop3A_328 : vector<16xf32>
      %parallel_loop3A_1049 = arith.constant 1 : i32
      %parallel_loop3A_1050 = arith.index_cast %parallel_loop3A_1049 : i32 to index
      %parallel_loop3A_1051 = arith.index_cast %parallel_loop3A_310 : i32 to index
      %parallel_loop3A_1052 = arith.constant 432 : index
      %parallel_loop3A_1053 = tpu.vector_load %arg9[%parallel_loop3A_1050, %parallel_loop3A_1051, %parallel_loop3A_1052] {strides = array<i32>} : memref<2x64x512xf32, #tpu.memory_space<vmem>>, vector<16xf32>,
      %parallel_loop3A_1054 = arith.subf %parallel_loop3A_1048, %parallel_loop3A_1053 : vector<16xf32>
      %parallel_loop3A_1055 = math.absf %parallel_loop3A_1054 : vector<16xf32>
      %parallel_loop3A_1056 = arith.constant 1.000000e+00 : f32
      %parallel_loop3A_1057 = vector.broadcast %parallel_loop3A_1056 : f32 to vector<16xf32>
      %parallel_loop3A_1058 = arith.cmpf olt, %parallel_loop3A_1055, %parallel_loop3A_1057 : vector<16xf32>
      %parallel_loop3A_1059 = arith.constant 5.000000e-01 : f32
      %parallel_loop3A_1060 = vector.broadcast %parallel_loop3A_1059 : f32 to vector<16xf32>
      %parallel_loop3A_1061 = arith.mulf %parallel_loop3A_1060, %parallel_loop3A_1054 : vector<16xf32>
      %parallel_loop3A_1062 = arith.mulf %parallel_loop3A_1061, %parallel_loop3A_1054 : vector<16xf32>
      %parallel_loop3A_1063 = arith.constant 5.000000e-01 : f32
      %parallel_loop3A_1064 = vector.broadcast %parallel_loop3A_1063 : f32 to vector<16xf32>
      %parallel_loop3A_1065 = arith.subf %parallel_loop3A_1055, %parallel_loop3A_1064 : vector<16xf32>
      %parallel_loop3A_1066 = arith.select %parallel_loop3A_1058, %parallel_loop3A_1062, %parallel_loop3A_1065 : vector<16xi1>, vector<16xf32>
      %parallel_loop3A_1067 = arith.mulf %parallel_loop3A_340, %parallel_loop3A_1066 : vector<16xf32>
      %parallel_loop3A_1068 = arith.addf %parallel_loop3A_964, %parallel_loop3A_1067 : vector<16xf32>
      %parallel_loop3A_1069 = arith.constant 0 : i32
      %parallel_loop3A_1070 = arith.index_cast %parallel_loop3A_1069 : i32 to index
      %parallel_loop3A_1071 = arith.index_cast %parallel_loop3A_310 : i32 to index
      %parallel_loop3A_1072 = arith.constant 448 : index
      %parallel_loop3A_1073 = tpu.vector_load %arg9[%parallel_loop3A_1070, %parallel_loop3A_1071, %parallel_loop3A_1072] {strides = array<i32>} : memref<2x64x512xf32, #tpu.memory_space<vmem>>, vector<16xf32>,
      %parallel_loop3A_1074 = arith.mulf %parallel_loop3A_1073, %parallel_loop3A_328 : vector<16xf32>
      %parallel_loop3A_1075 = arith.constant 1 : i32
      %parallel_loop3A_1076 = arith.index_cast %parallel_loop3A_1075 : i32 to index
      %parallel_loop3A_1077 = arith.index_cast %parallel_loop3A_310 : i32 to index
      %parallel_loop3A_1078 = arith.constant 448 : index
      %parallel_loop3A_1079 = tpu.vector_load %arg9[%parallel_loop3A_1076, %parallel_loop3A_1077, %parallel_loop3A_1078] {strides = array<i32>} : memref<2x64x512xf32, #tpu.memory_space<vmem>>, vector<16xf32>,
      %parallel_loop3A_1080 = arith.subf %parallel_loop3A_1074, %parallel_loop3A_1079 : vector<16xf32>
      %parallel_loop3A_1081 = math.absf %parallel_loop3A_1080 : vector<16xf32>
      %parallel_loop3A_1082 = arith.constant 1.000000e+00 : f32
      %parallel_loop3A_1083 = vector.broadcast %parallel_loop3A_1082 : f32 to vector<16xf32>
      %parallel_loop3A_1084 = arith.cmpf olt, %parallel_loop3A_1081, %parallel_loop3A_1083 : vector<16xf32>
      %parallel_loop3A_1085 = arith.constant 5.000000e-01 : f32
      %parallel_loop3A_1086 = vector.broadcast %parallel_loop3A_1085 : f32 to vector<16xf32>
      %parallel_loop3A_1087 = arith.mulf %parallel_loop3A_1086, %parallel_loop3A_1080 : vector<16xf32>
      %parallel_loop3A_1088 = arith.mulf %parallel_loop3A_1087, %parallel_loop3A_1080 : vector<16xf32>
      %parallel_loop3A_1089 = arith.constant 5.000000e-01 : f32
      %parallel_loop3A_1090 = vector.broadcast %parallel_loop3A_1089 : f32 to vector<16xf32>
      %parallel_loop3A_1091 = arith.subf %parallel_loop3A_1081, %parallel_loop3A_1090 : vector<16xf32>
      %parallel_loop3A_1092 = arith.select %parallel_loop3A_1084, %parallel_loop3A_1088, %parallel_loop3A_1091 : vector<16xi1>, vector<16xf32>
      %parallel_loop3A_1093 = arith.mulf %parallel_loop3A_340, %parallel_loop3A_1092 : vector<16xf32>
      %parallel_loop3A_1094 = arith.addf %parallel_loop3A_990, %parallel_loop3A_1093 : vector<16xf32>
      %parallel_loop3A_1095 = arith.constant 0 : i32
      %parallel_loop3A_1096 = arith.index_cast %parallel_loop3A_1095 : i32 to index
      %parallel_loop3A_1097 = arith.index_cast %parallel_loop3A_310 : i32 to index
      %parallel_loop3A_1098 = arith.constant 464 : index
      %parallel_loop3A_1099 = tpu.vector_load %arg9[%parallel_loop3A_1096, %parallel_loop3A_1097, %parallel_loop3A_1098] {strides = array<i32>} : memref<2x64x512xf32, #tpu.memory_space<vmem>>, vector<16xf32>,
      %parallel_loop3A_1100 = arith.mulf %parallel_loop3A_1099, %parallel_loop3A_328 : vector<16xf32>
      %parallel_loop3A_1101 = arith.constant 1 : i32
      %parallel_loop3A_1102 = arith.index_cast %parallel_loop3A_1101 : i32 to index
      %parallel_loop3A_1103 = arith.index_cast %parallel_loop3A_310 : i32 to index
      %parallel_loop3A_1104 = arith.constant 464 : index
      %parallel_loop3A_1105 = tpu.vector_load %arg9[%parallel_loop3A_1102, %parallel_loop3A_1103, %parallel_loop3A_1104] {strides = array<i32>} : memref<2x64x512xf32, #tpu.memory_space<vmem>>, vector<16xf32>,
      %parallel_loop3A_1106 = arith.subf %parallel_loop3A_1100, %parallel_loop3A_1105 : vector<16xf32>
      %parallel_loop3A_1107 = math.absf %parallel_loop3A_1106 : vector<16xf32>
      %parallel_loop3A_1108 = arith.constant 1.000000e+00 : f32
      %parallel_loop3A_1109 = vector.broadcast %parallel_loop3A_1108 : f32 to vector<16xf32>
      %parallel_loop3A_1110 = arith.cmpf olt, %parallel_loop3A_1107, %parallel_loop3A_1109 : vector<16xf32>
      %parallel_loop3A_1111 = arith.constant 5.000000e-01 : f32
      %parallel_loop3A_1112 = vector.broadcast %parallel_loop3A_1111 : f32 to vector<16xf32>
      %parallel_loop3A_1113 = arith.mulf %parallel_loop3A_1112, %parallel_loop3A_1106 : vector<16xf32>
      %parallel_loop3A_1114 = arith.mulf %parallel_loop3A_1113, %parallel_loop3A_1106 : vector<16xf32>
      %parallel_loop3A_1115 = arith.constant 5.000000e-01 : f32
      %parallel_loop3A_1116 = vector.broadcast %parallel_loop3A_1115 : f32 to vector<16xf32>
      %parallel_loop3A_1117 = arith.subf %parallel_loop3A_1107, %parallel_loop3A_1116 : vector<16xf32>
      %parallel_loop3A_1118 = arith.select %parallel_loop3A_1110, %parallel_loop3A_1114, %parallel_loop3A_1117 : vector<16xi1>, vector<16xf32>
      %parallel_loop3A_1119 = arith.mulf %parallel_loop3A_340, %parallel_loop3A_1118 : vector<16xf32>
      %parallel_loop3A_1120 = arith.addf %parallel_loop3A_1016, %parallel_loop3A_1119 : vector<16xf32>
      %parallel_loop3A_1121 = arith.constant 0 : i32
      %parallel_loop3A_1122 = arith.index_cast %parallel_loop3A_1121 : i32 to index
      %parallel_loop3A_1123 = arith.index_cast %parallel_loop3A_310 : i32 to index
      %parallel_loop3A_1124 = arith.constant 480 : index
      %parallel_loop3A_1125 = tpu.vector_load %arg9[%parallel_loop3A_1122, %parallel_loop3A_1123, %parallel_loop3A_1124] {strides = array<i32>} : memref<2x64x512xf32, #tpu.memory_space<vmem>>, vector<16xf32>,
      %parallel_loop3A_1126 = arith.mulf %parallel_loop3A_1125, %parallel_loop3A_328 : vector<16xf32>
      %parallel_loop3A_1127 = arith.constant 1 : i32
      %parallel_loop3A_1128 = arith.index_cast %parallel_loop3A_1127 : i32 to index
      %parallel_loop3A_1129 = arith.index_cast %parallel_loop3A_310 : i32 to index
      %parallel_loop3A_1130 = arith.constant 480 : index
      %parallel_loop3A_1131 = tpu.vector_load %arg9[%parallel_loop3A_1128, %parallel_loop3A_1129, %parallel_loop3A_1130] {strides = array<i32>} : memref<2x64x512xf32, #tpu.memory_space<vmem>>, vector<16xf32>,
      %parallel_loop3A_1132 = arith.subf %parallel_loop3A_1126, %parallel_loop3A_1131 : vector<16xf32>
      %parallel_loop3A_1133 = math.absf %parallel_loop3A_1132 : vector<16xf32>
      %parallel_loop3A_1134 = arith.constant 1.000000e+00 : f32
      %parallel_loop3A_1135 = vector.broadcast %parallel_loop3A_1134 : f32 to vector<16xf32>
      %parallel_loop3A_1136 = arith.cmpf olt, %parallel_loop3A_1133, %parallel_loop3A_1135 : vector<16xf32>
      %parallel_loop3A_1137 = arith.constant 5.000000e-01 : f32
      %parallel_loop3A_1138 = vector.broadcast %parallel_loop3A_1137 : f32 to vector<16xf32>
      %parallel_loop3A_1139 = arith.mulf %parallel_loop3A_1138, %parallel_loop3A_1132 : vector<16xf32>
      %parallel_loop3A_1140 = arith.mulf %parallel_loop3A_1139, %parallel_loop3A_1132 : vector<16xf32>
      %parallel_loop3A_1141 = arith.constant 5.000000e-01 : f32
      %parallel_loop3A_1142 = vector.broadcast %parallel_loop3A_1141 : f32 to vector<16xf32>
      %parallel_loop3A_1143 = arith.subf %parallel_loop3A_1133, %parallel_loop3A_1142 : vector<16xf32>
      %parallel_loop3A_1144 = arith.select %parallel_loop3A_1136, %parallel_loop3A_1140, %parallel_loop3A_1143 : vector<16xi1>, vector<16xf32>
      %parallel_loop3A_1145 = arith.mulf %parallel_loop3A_340, %parallel_loop3A_1144 : vector<16xf32>
      %parallel_loop3A_1146 = arith.addf %parallel_loop3A_1042, %parallel_loop3A_1145 : vector<16xf32>
      %parallel_loop3A_1147 = arith.constant 0 : i32
      %parallel_loop3A_1148 = arith.index_cast %parallel_loop3A_1147 : i32 to index
      %parallel_loop3A_1149 = arith.index_cast %parallel_loop3A_310 : i32 to index
      %parallel_loop3A_1150 = arith.constant 496 : index
      %parallel_loop3A_1151 = tpu.vector_load %arg9[%parallel_loop3A_1148, %parallel_loop3A_1149, %parallel_loop3A_1150] {strides = array<i32>} : memref<2x64x512xf32, #tpu.memory_space<vmem>>, vector<16xf32>,
      %parallel_loop3A_1152 = arith.mulf %parallel_loop3A_1151, %parallel_loop3A_328 : vector<16xf32>
      %parallel_loop3A_1153 = arith.constant 1 : i32
      %parallel_loop3A_1154 = arith.index_cast %parallel_loop3A_1153 : i32 to index
      %parallel_loop3A_1155 = arith.index_cast %parallel_loop3A_310 : i32 to index
      %parallel_loop3A_1156 = arith.constant 496 : index
      %parallel_loop3A_1157 = tpu.vector_load %arg9[%parallel_loop3A_1154, %parallel_loop3A_1155, %parallel_loop3A_1156] {strides = array<i32>} : memref<2x64x512xf32, #tpu.memory_space<vmem>>, vector<16xf32>,
      %parallel_loop3A_1158 = arith.subf %parallel_loop3A_1152, %parallel_loop3A_1157 : vector<16xf32>
      %parallel_loop3A_1159 = math.absf %parallel_loop3A_1158 : vector<16xf32>
      %parallel_loop3A_1160 = arith.constant 1.000000e+00 : f32
      %parallel_loop3A_1161 = vector.broadcast %parallel_loop3A_1160 : f32 to vector<16xf32>
      %parallel_loop3A_1162 = arith.cmpf olt, %parallel_loop3A_1159, %parallel_loop3A_1161 : vector<16xf32>
      %parallel_loop3A_1163 = arith.constant 5.000000e-01 : f32
      %parallel_loop3A_1164 = vector.broadcast %parallel_loop3A_1163 : f32 to vector<16xf32>
      %parallel_loop3A_1165 = arith.mulf %parallel_loop3A_1164, %parallel_loop3A_1158 : vector<16xf32>
      %parallel_loop3A_1166 = arith.mulf %parallel_loop3A_1165, %parallel_loop3A_1158 : vector<16xf32>
      %parallel_loop3A_1167 = arith.constant 5.000000e-01 : f32
      %parallel_loop3A_1168 = vector.broadcast %parallel_loop3A_1167 : f32 to vector<16xf32>
      %parallel_loop3A_1169 = arith.subf %parallel_loop3A_1159, %parallel_loop3A_1168 : vector<16xf32>
      %parallel_loop3A_1170 = arith.select %parallel_loop3A_1162, %parallel_loop3A_1166, %parallel_loop3A_1169 : vector<16xi1>, vector<16xf32>
      %parallel_loop3A_1171 = arith.mulf %parallel_loop3A_340, %parallel_loop3A_1170 : vector<16xf32>
      %parallel_loop3A_1172 = arith.addf %parallel_loop3A_1068, %parallel_loop3A_1171 : vector<16xf32>
      scf.yield %parallel_loop3A_1094, %parallel_loop3A_1120, %parallel_loop3A_1146, %parallel_loop3A_1172 : vector<16xf32>, vector<16xf32>, vector<16xf32>, vector<16xf32>
    } {sc.loop_unroll_factor = 1 : i64, sc.parallel_access}
    %add3A_306 = arith.addf %parallel_loop3A_305#0, %parallel_loop3A_305#1 : vector<16xf32>
    %add3A_307 = arith.addf %parallel_loop3A_305#2, %parallel_loop3A_305#3 : vector<16xf32>
    %add3A_308 = arith.addf %add3A_306, %add3A_307 : vector<16xf32>
    %swap3A = arith.constant 0 : index
    %swap3A_309 = tpu.vector_load %arg12[%swap3A] {strides = array<i32>} : memref<16xf32, #tpu.memory_space<vmem>>, vector<16xf32>,
    tpu.vector_store %arg12[%swap3A], %add3A_308 {strides = array<i32>} : memref<16xf32, #tpu.memory_space<vmem>>, vector<16xf32>,
    "tpu.region"() ({
      %run_scoped3A_310 = tpu.sem_alloc : memref<!tpu.dma_semaphore, #tpu.memory_space<semaphore_mem>>
      %dma_start3A_311 = arith.constant 0 : i32
      %dma_start3A_312 = tpu.memref_slice %arg6[%add3A, %dma_start3A_311] : memref<32x16xf32, #tpu.memory_space<hbm>> -> memref<1x16xf32, #tpu.memory_space<hbm>>
      %dma_start3A_313 = tpu.memref_squeeze %dma_start3A_312 : memref<1x16xf32, #tpu.memory_space<hbm>> -> memref<16xf32, #tpu.memory_space<hbm>>
      %dma_start3A_314 = arith.constant 0 : i32
      %dma_start3A_315 = tpu.memref_slice %arg6[%add3A, %dma_start3A_314] : memref<32x16xf32, #tpu.memory_space<hbm>> -> memref<1x16xf32, #tpu.memory_space<hbm>>
      %dma_start3A_316 = tpu.memref_squeeze %dma_start3A_315 : memref<1x16xf32, #tpu.memory_space<hbm>> -> memref<16xf32, #tpu.memory_space<hbm>>
      tpu.enqueue_dma source(%arg12 : memref<16xf32, #tpu.memory_space<vmem>>) target(%dma_start3A_316 : memref<16xf32, #tpu.memory_space<hbm>>) target_semaphore(%run_scoped3A_310 : memref<!tpu.dma_semaphore, #tpu.memory_space<semaphore_mem>>)
      %dma_wait3A_317 = arith.constant 0 : i32
      %dma_wait3A_318 = tpu.memref_slice %arg6[%add3A, %dma_wait3A_317] : memref<32x16xf32, #tpu.memory_space<hbm>> -> memref<1x16xf32, #tpu.memory_space<hbm>>
      %dma_wait3A_319 = tpu.memref_squeeze %dma_wait3A_318 : memref<1x16xf32, #tpu.memory_space<hbm>> -> memref<16xf32, #tpu.memory_space<hbm>>
      %dma_wait3A_320 = arith.constant 0 : i32
      %dma_wait3A_321 = tpu.memref_slice %arg6[%add3A, %dma_wait3A_320] : memref<32x16xf32, #tpu.memory_space<hbm>> -> memref<1x16xf32, #tpu.memory_space<hbm>>
      %dma_wait3A_322 = tpu.memref_squeeze %dma_wait3A_321 : memref<1x16xf32, #tpu.memory_space<hbm>> -> memref<16xf32, #tpu.memory_space<hbm>>
      tpu.wait_dma2 semaphore(%run_scoped3A_310 : memref<!tpu.dma_semaphore, #tpu.memory_space<semaphore_mem>>) src(%arg12 : memref<16xf32, #tpu.memory_space<vmem>>) dst(%dma_wait3A_322 : memref<16xf32, #tpu.memory_space<hbm>>)
      tpu.yield
    }) : () -> ()
    return
  }
}

module attributes {stable_mosaic.version = 14 : i64} {
  func.func @_tc_reduce_body(%arg0: memref<32x16xf32, #tpu.memory_space<vmem>>, %arg1: memref<1x1xf32, #tpu.memory_space<vmem>>) attributes {dimension_semantics = [], scalar_prefetch = 0 : i64, scratch_operands = 0 : i64, tpu.core_type = #tpu.core_type<tc>} {
    %get3A = arith.constant 0 : index
    %get3A_0 = arith.constant 0 : index
    %get3A_1 = vector.load %arg0[%get3A, %get3A_0] : memref<32x16xf32, #tpu.memory_space<vmem>>, vector<32x16xf32>
    %reduce_sum3A = vector.shape_cast %get3A_1 : vector<32x16xf32> to vector<1x32x16xf32>
    %reduce_sum3A_2 = arith.constant dense<0.000000e+00> : vector<1xf32>
    %reduce_sum3A_3 = vector.multi_reduction <add>, %reduce_sum3A, %reduce_sum3A_2 [1, 2] : vector<1x32x16xf32> to vector<1xf32>
    %reduce_sum3A_4 = vector.shape_cast %reduce_sum3A_3 : vector<1xf32> to vector<1x1x1xf32>
    %reduce_sum3A_5 = vector.extract %reduce_sum3A_4[0, 0, 0] : f32 from vector<1x1x1xf32>
    %reshape3A = vector.broadcast %reduce_sum3A_5 : f32 to vector<1x1xf32>
    %mul3A = arith.constant 4.76837158E-7 : f32
    %mul3A_6 = vector.broadcast %mul3A : f32 to vector<1x1xf32>
    %mul3A_7 = arith.mulf %reshape3A, %mul3A_6 : vector<1x1xf32>
    %swap3A = arith.constant 0 : index
    %swap3A_8 = arith.constant 0 : index
    %swap3A_9 = vector.load %arg1[%swap3A, %swap3A_8] : memref<1x1xf32, #tpu.memory_space<vmem>>, vector<1x1xf32>
    tpu.vector_store %arg1[%swap3A, %swap3A_8], %mul3A_7 {strides = array<i32>} : memref<1x1xf32, #tpu.memory_space<vmem>>, vector<1x1xf32>,
    return
  }
}

</mosaic_0001>

<sc_bundles>
// kernel: kernel.4.cloned.1.call-start
scs
__scs_entry_jumppad:
0x0: {  	(pc) =	sbr.rel $0x88, $3  }
0x1: {  	(tag) =	ssettag $0x0;
	lr =	simm.s32 $0x1  }
0x2: {  	[smem:$0x3F9D] =	sst lr;
	_ =	strace $0xD0000000  }
0x3: {  	_ = 	snop  }
0x4: {  	_ = 	snop  }
0x5: {  	_ = 	snop  }
0x6: {  	_ = 	snop  }
0x7: {  	_ = 	snop  }
__scs_overlays_trampoline_lowered:
0x8: {  	[smem:$0x3FAC] =	sst s0  }
0x9: {  	[smem:$0x3FAD] =	sst s1  }
0xa: {  	[smem:$0x3FAE] =	sst s2  }
0xb: {  	[smem:$0x3FAF] =	sst s3  }
0xc: {  	[smem:$0x3FB0] =	sst s4  }
0xd: {  	[smem:$0x3FB1] =	sst s5  }
0xe: {  	[smem:$0x3FB2] =	sst s6  }
0xf: {  	[smem:$0x3FB3] =	sst s7  }
0x10: {  	[smem:$0x3FB4] =	sst s8  }
0x11: {  	[smem:$0x3FB5] =	sst s9;
	s0 =	simm.s32 @!p0 $0x0  }
0x12: {  	s1 =	sld [smem:$0x3F9B];
	s0 =	simm.s32 @p0 $0x1  }
0x13: {  	[smem:$0x3FB6] =	sst s0;
	s0 =	simm.s32 @!p1 $0x0  }
0x14: {  	s2 =	sld [smem:$0x3F9A];
	s0 =	simm.s32 @p1 $0x1  }
0x15: {  	[smem:$0x3FB7] =	sst s0;
	s0 =	simm.s32 @!p2 $0x0  }
0x16: {  	s3 =	sld [smem:$0x3FDB];
	s0 =	simm.s32 @p2 $0x1  }
0x17: {  	s4 =	simm.s32 $0x1BF5;
	[smem:$0x3FB9] =	sst s0  }
0x18: {  	s0 =	sld [smem:$0x3F9C];
	_ =	swait.ge [sflag:s4], $0x0  }
0x19: {  	s7 =	sld [smem:$0x3F9D]  }
0x1a: {  	s8 =	sadd.s32 $0xFFFFE003, lr  }
0x1b: {  	s9 =	sadd.s32 $0xFFFFFEF7, lr;
	s5 =	simm.s32 $0xFFFFFFFF;
	p2 =	slt.u32 s8, $0xFFFFF086  }
0x1c: {  	p1 =	slt.u32 s9, $0xF7A;
	s5 =	simm.s32 @!p2 $0x0  }
0x1d: {  	s5 =	simm.s32 @p1 $0x1;
	p0 =	seq.s32 s7, s2  }
0x1e: {  	s7 =	smul.u32 @!p0 $0xF7A, s2;
	p2 =	seq.s32 @!p0 s5, $0x0  }
0x1f: {  	s9 =	smul.u32 $0xF7A, s1;
	s8 =	simm.s32 @!p0 $0x1BF5;
	p2 =	por !p2, p0  }
0x20: {  	[sflag:s8] =	ssyncset.s32 @!p0 $0xFFFFF086;
	s6 =	sadd.s32 @!p0 s3, s7;
	s7 =	simm.s32 @!p0 $0x108  }
0x21: {  	s3 =	sadd.s32 s3, s9;
	s6 =	sadd.s32 @!p0 $0x88, s6;
	s7 =	simm.s32 @p2 $0x1082  }
0x22: {  	[simem:s7], [sflag:s8] =	dma.local @!p0 [hbm:s6], $0xF7A  }
0x23: {  	s9 =	sor.u32 $0xD0000000, s2;
	s6 =	simm.s32 $0x108;
	_ =	swait.ge @!p0 [sflag:s8], $0x0  }
0x24: {  	s3 =	sadd.s32 $0x88, s3;
	s6 =	simm.s32 @!p1 $0x1082;
	[sflag:s4] =	ssyncset.s32 $0xFFFFF086  }
0x25: {  	[simem:s6], [sflag:s4] =	dma.local [hbm:s3], $0xF7A  }
0x26: {  	[smem:$0x3F9D] =	sst s1;
	(tag) =	ssettag s2;
	_ =	strace s9  }
0x27: {  	s1 =	sld [smem:$0x3FAD]  }
0x28: {  	s2 =	sld [smem:$0x3FAE]  }
0x29: {  	s4 =	sld [smem:$0x3FB0]  }
0x2a: {  	p0 =	seq.s32 s5, $0x0;
	s5 =	sld [smem:$0x3FB1]  }
0x2b: {  	s6 =	sld [smem:$0x3FB2]  }
0x2c: {  	s7 =	sld [smem:$0x3FB3]  }
0x2d: {  	s3 =	simm.s32 $0x108;
	s8 =	sld [smem:$0x3FB4]  }
0x2e: {  	s3 =	simm.s32 @!p0 $0x1082;
	s9 =	sld [smem:$0x3FB5]  }
0x2f: {  	lr =	sadd.s32 s0, s3;
	s0 =	sld [smem:$0x3FAC]  }
0x30: {  	s3 =	sld [smem:$0x3FAF]  }
0x31: {  	[smem:$0x3FB8] =	sst s10  }
0x32: {  	s10 =	sld [smem:$0x3FB6];
	_ =	sdelay $0x3  }
0x33: {  	p0 =	seq.s32 s10, $0x1;
	s10 =	sld [smem:$0x3FB8];
	_ =	sdelay $0x3  }
0x34: {  	[smem:$0x3FB8] =	sst s10  }
0x35: {  	s10 =	sld [smem:$0x3FB7];
	_ =	sdelay $0x3  }
0x36: {  	p1 =	seq.s32 s10, $0x1;
	s10 =	sld [smem:$0x3FB8];
	_ =	sdelay $0x3  }
0x37: {  	[smem:$0x3FB8] =	sst s10  }
0x38: {  	s10 =	sld [smem:$0x3FB9]  }
0x39: {  	_ = 	snop;
	(pc) =	sbr.ind lr, $3  }
0x3a: {  	_ = 	snop  }
0x3b: {  	_ = 	snop  }
0x3c: {  	p2 =	seq.s32 s10, $0x1;
	s10 =	sld [smem:$0x3FB8]  }
0x3d: {  	_ =	shalt  }
0x3e: {  	_ =	shalt  }
0x3f: {  	_ =	shalt  }
0x40: {  	_ =	shalt  }
0x41: {  	_ =	shalt  }
0x42: {  	_ =	shalt  }
0x43: {  	_ =	shalt  }
0x44: {  	_ =	shalt  }
0x45: {  	_ =	shalt  }
0x46: {  	_ =	shalt  }
0x47: {  	_ =	shalt  }
0x48: {  	_ =	shalt  }
0x49: {  	_ =	shalt  }
0x4a: {  	_ =	shalt  }
0x4b: {  	_ =	shalt  }
0x4c: {  	_ =	shalt  }
0x4d: {  	_ =	shalt  }
0x4e: {  	_ =	shalt  }
0x4f: {  	_ =	shalt  }
0x50: {  	_ =	shalt  }
0x51: {  	_ =	shalt  }
0x52: {  	_ =	shalt  }
0x53: {  	_ =	shalt  }
0x54: {  	_ =	shalt  }
0x55: {  	_ =	shalt  }
0x56: {  	_ =	shalt  }
0x57: {  	_ =	shalt  }
0x58: {  	_ =	shalt  }
0x59: {  	_ =	shalt  }
0x5a: {  	_ =	shalt  }
0x5b: {  	_ =	shalt  }
0x5c: {  	_ =	shalt  }
0x5d: {  	_ =	shalt  }
0x5e: {  	_ =	shalt  }
0x5f: {  	_ =	shalt  }
0x60: {  	_ =	shalt  }
0x61: {  	_ =	shalt  }
0x62: {  	_ =	shalt  }
0x63: {  	_ =	shalt  }
0x64: {  	_ =	shalt  }
0x65: {  	_ =	shalt  }
0x66: {  	_ =	shalt  }
0x67: {  	_ =	shalt  }
0x68: {  	_ =	shalt  }
0x69: {  	_ =	shalt  }
0x6a: {  	_ =	shalt  }
0x6b: {  	_ =	shalt  }
0x6c: {  	_ =	shalt  }
0x6d: {  	_ =	shalt  }
0x6e: {  	_ =	shalt  }
0x6f: {  	_ =	shalt  }
0x70: {  	_ =	shalt  }
0x71: {  	_ =	shalt  }
0x72: {  	_ =	shalt  }
0x73: {  	_ =	shalt  }
0x74: {  	_ =	shalt  }
0x75: {  	_ =	shalt  }
0x76: {  	_ =	shalt  }
0x77: {  	_ =	shalt  }
0x78: {  	_ =	shalt  }
0x79: {  	_ =	shalt  }
0x7a: {  	_ =	shalt  }
0x7b: {  	_ =	shalt  }
0x7c: {  	_ =	shalt  }
0x7d: {  	_ =	shalt  }
0x7e: {  	_ =	shalt  }
0x7f: {  	_ =	shalt  }
0x80: {  	_ =	shalt  }
0x81: {  	_ =	shalt  }
0x82: {  	_ =	shalt  }
0x83: {  	_ =	shalt  }
0x84: {  	_ =	shalt  }
0x85: {  	_ =	shalt  }
0x86: {  	_ =	shalt  }
0x87: {  	_ =	shalt  }
.Lfunc_end0:
.L_simem_size_0:
called_computation_lowered:
.L_overlay_start_0:
0x88: {  	s2 =	sld [smem:$0x3FD9]  }
0x89: {  	s3 =	sld [smem:$0x3FFE];
	_ =	sdelay $0x1  }
0x8a: {  	s1 =	srdreg.scid  }
0x8b: {  	s0 =	sand.u32 $0x1, s1  }
0x8c: {  	s17 =	sshll.u32 s0, $0xA;
	s2 =	sadd.s32 s3, s2  }
0x8d: {  	s2 =	sadd.s32 s2, s17  }
0x8e: {  	[smem:$0x3FC4] =	sst s2  }
0x8f: {  	_ = 	snop  }
0x90: {  	s2 =	sld [smem:$0x3FC7];
	(tm) =	ssettm $0x1  }
0x91: {  	s18 =	sld [smem:$0x3FFB];
	_ =	sdelay $0x3  }
0x92: {  	_ =	strace s18  }
0x93: {  	s3 =	sld [smem:$0x3FFC];
	_ =	sdelay $0x3  }
0x94: {  	_ =	strace s3  }
0x95: {  	s3 =	sld [smem:$0x3FFD];
	_ =	sdelay $0x3  }
0x96: {  	_ =	strace s3  }
0x97: {  	_ =	strace $0x8FFFFFFF  }
0x98: {  	s19 =	sld [smem:$0x3FDB];
	_ =	sdelay $0x1  }
0x99: {  	s4 =	simm.s32 $_scs_section_size  }
0x9a: {  	s5 =	simm.s32 $_size__tile_overlayer_lowered;
	s6 =	simm.s32 $_tile_overlayer_lowered  }
0x9b: {  	s22 =	simm.s32 $0x1BFF;
	s21 =	sshll.u32 s6, $0x1;
	s3 =	sadd.s32 s4, s19  }
0x9c: {  	s7 =	simm.s32 $0x0;
	s20 =	sshll.u32 s5, $0x1;
	s5 =	sadd.s32 s21, s3  }
0x9d: {  	[timem:s7], [sflag:s22] =	dma.local [hbm:s5], s20  }
0x9e: {  	_ =	swait.ge [sflag:s22], s20  }
0x9f: {  	s4 =	ssub.s32 $0x0, s20;
	[sflag:s22] =	ssyncset.done $0x0  }
0xa0: {  	[sflag:s22] =	ssyncadd.s32 s4;
	_ =	sdelay $0x1  }
0xa1: {  	s23 =	simm.s32 $0x1B8B  }
0xa2: {  	_ =	swait.ge [sflag:s23], $0x1  }
0xa3: {  	[sflag:s23] =	ssyncset.done $0x0  }
0xa4: {  	s25 =	simm.s32 $0x1B8E;
	s24 =	sld [smem:$0x3FFE];
	[sflag:s23] =	ssyncadd.s32 $0xFFFFFFFF  }
0xa5: {  	s26 =	simm.s32 $execute0_lowered;
	[smem:$0x3FD2] =	sst s25  }
0xa6: {  	s5 =	sshll.u32 s26, $0x1;
	_ =	strace $0x80000046;
	[dreg:$0x1] =	wrdreg $0xFFFFFFFF  }
0xa7: {  	s28 =	simm.s32 $_size_execute0_lowered;
	s3 =	sadd.s32 s3, s5;
	[dreg:$0x0] =	wrdreg $0x0  }
0xa8: {  	s5 =	sshll.u32 s28, $0x1;
	[dreg:$0x2] =	wrdreg s3  }
0xa9: {  	[dreg:$0x3] =	wrdreg s5  }
0xaa: {  	[dreg:$0x4] =	wrdreg $0xC0  }
0xab: {  	_ =	task [dreg:s7], $0x5FFFF  }
0xac: {  	[dreg:$0x1] =	wrdreg $0xFFFFFFFF  }
0xad: {  	[dreg:$0x0] =	wrdreg $0x60  }
0xae: {  	[dreg:$0x2] =	wrdreg s24  }
0xaf: {  	[dreg:$0x3] =	wrdreg s2  }
0xb0: {  	[dreg:$0x4] =	wrdreg $0x119100  }
0xb1: {  	[dreg:$0x5] =	wrdreg $0x9  }
0xb2: {  	_ =	task.clear_ibuf [dreg:s7], $0x6FFFF;
	_ =	strace $0x90000046  }
0xb3: {  	s29 =	simm.s32 $0x9;
	_ =	strace $0x80000048  }
0xb4: {  	_ =	swait.ge [sflag:s29], $0x1  }
0xb5: {  	[sflag:s29] =	ssyncadd.s32 $0xFFFFFFFF  }
0xb6: {  	_ =	strace $0x90000048  }
0xb7: {  	_ =	sfence  }
0xb8: {  	s30 =	sld [smem:$0x0];
	_ =	sdelay $0x2  }
0xb9: {  	s31 =	sshll.u32 s1, $0xD;
	s1 =	sshrl.u32 s1, $0x2  }
0xba: {  	s3 =	sand.u32 $0x4000, s31;
	s1 =	sadd.s32 s1, s30  }
0xbb: {  	s0 =	sor.u32 s3, s0;
	s1 =	sshll.u32 s1, $0x11  }
0xbc: {  	s0 =	sor.u32 s1, s0  }
0xbd: {  	s0 =	sadd.s32 $0x8F2B, s0  }
0xbe: {  	[sflag:s0] =	ssyncadd.remote.s32 $0x1  }
0xbf: {  	_ =	sfence.sel $0xFFFF  }
0xc0: {  	[dreg:$0x0] =	wrdreg $0xFFFFFFFF;
	(pc) =	sbr.abs _section_cstart, $3  }
0xc1: {  	[dreg:$0x1] =	wrdreg $0xFFFFFFFF  }
0xc2: {  	_ =	task.clear_ibuf [dreg:s7], $0x2FFFF;
	_ =	strace $0x9FFFFFFF  }
0xc3: {  	(tm) =	ssettm $0x7FFFFFFF  }
tec
execute0_lowered:
.L_overlay_start_1:
0x0: {  	(tag) =	ssettag $0x1  }
0x1: {  	s0 =	rddreg [dreg:$0x0]  }
0x2: {  	s3 =	rddreg [dreg:$0x2];
	s4 =	simm.s32 $0x0;
	s11 =	stileid.u32  }
0x3: {  	s1 =	srdreg.scid;
	s17 =	simm.s32 $0x1100;
	s18 =	simm.s32 $0x9100  }
0x4: {  	s19 =	simm.s32 $0x7;
	s20 =	simm.s32 $0x1;
	s21 =	simm.s32 $0x11100  }
0x5: {  	s28 =	simm.s32 $0x5;
	s30 =	simm.s32 $0x6;
	[smem:$0x7FF] =	sst s4  }
0x6: {  	s2 =	sshll.u32 s11, $0x6;
	s1 =	sand.u32 $0x1, s1;
	s22 =	sshll.u32 s11, $0xE  }
0x7: {  	s23 =	sshll.u32 s11, $0xF;
	s14 =	sshll.u32 s11, $0x8;
	s11 =	sshll.u32 s11, $0x2  }
0x8: {  	_ =	strace $0x80000047;
	s5 =	smin.u32 s2, $0x3A8;
	s6 =	ssub.s32 $0x2, s1  }
0x9: {  	s8 =	sshll.u32 s1, $0x1;
	p0 =	seq.s32 s1, $0x0;
	s7 =	sshll.u32 s5, $0x6  }
0xa: {  	s9 =	sshrl.u32 s6, $0x1;
	s8 =	sadd.s32 s8, s0;
	s24 =	sshll.u32 s5, $0x9  }
0xb: {  	s29 =	sadd.s32 $0x11500, s5;
	s31 =	ssub.s32 s5, s2;
	s2 =	simm.s32 $0x0  }
0xc: {  	s7 =	sadd.s32 s7, s0;
	s10 =	ssub.s32 s6, s9;
	s6 =	sadd.s32 s23, s3  }
0xd: {  	s9 =	simm.s32 $0x10600;
	s8 =	sadd.s32 s11, s8;
	s23 =	simm.s32 $0x40  }
0xe: {  	[dreg:$0x4] =	wrdreg s6;
	s9 =	simm.s32 @!p0 $0x50600;
	s6 =	sadd.s32 s24, s3  }
0xf: {  	s25 =	sadd.s32 $0xC00, s7;
	s26 =	sadd.s32 $0x90600, s8;
	[dreg:$0x5] =	wrdreg s6  }
0x10: {  	v12 =	vmov s14;
	s10 =	smax.u32 s10, $0x1;
	s0 =	sadd.s32 s9, s0;
	[dreg:$0x6] =	wrdreg s25  }
0x11: {  	[dreg:$0x7] =	wrdreg s26;
	s26 =	sadd.s32 $0x11100, s5;
	s25 =	simm.s32 $0x4  }
0x12: {  	s9 =	sadd.s32 s0, s22;
	s22 =	simm.s32 $0x3;
	s0 =	simm.s32 $0x2  }
0x13: {  	v0 =	vimm.f32 $0.0e+00;
	v45 =	vimm.s32 $0x0;
	[tilespmem:$0x1FFF0] =	vst v12;
	s11 =	sadd.s32 $0x1000, s9;
	s12 =	sadd.s32 $0x2000, s9;
	s13 =	sadd.s32 $0x3000, s9  }
.LBB2_1:
0x14: {  	s1 =	rddreg [dreg:$0x1]  }
0x15: {  	[tilespmem:s4], [sflag:$0x1] =	stream.linear.gather [hbm4b:s1+s4], $0x1000, $0x38;
	[tilespmem:$0x19910] =	vst v63  }
0x16: {  	s14 =	simm.s32 $0x11120  }
0x17: {  	[tilespmem:s17], [sflag:$0x3] =	stream.linear.gather [hbm4b:s9+s4], $0x8000, $0x38;
	[tilespmem:$0x19910] =	vst v63  }
0x18: {  	[tilespmem:s14+$0xFFFFFFE0] =	vst v0  }
0x19: {  	[tilespmem:s14+$0x10] =	vst v0  }
0x1a: {  	s1 =	simm.s32 $0x0;
	[tilespmem:s14+$0x0] =	vst v0  }
.LBB2_2:
0x1b: {  	s1 =	sadd.s32 $0x4, s1  }
0x1c: {  	[tilespmem:s14+$0xFFFFFFF0] =	vst v0;
	s14 =	sadd.s32 $0x40, s14;
	p0 =	slt.u32 s1, $0x3C  }
.Ltmp0:
0x1d: {  	[tilespmem:s14+$0xFFFFFFE0] =	vst v0;
	(pc) =	sbr.rel @p0 .LBB2_2-.Ltmp0, $3  }
0x1e: {  	_ =	sdelay $0x1  }
0x1f: {  	[tilespmem:s14+$0x10] =	vst v0  }
0x20: {  	[tilespmem:s14+$0x0] =	vst v0  }
0x21: {  	s1 =	simm.s32 $0x0  }
0x22: {  	s5 =	sand.u32 $0x1F800, s1  }
0x23: {  	s15 =	sand.u32 $0x1C0, s1;
	s5 =	sshrl.u32 s5, $0x2  }
0x24: {  	[tilespmem:s14+$0xFFFFFFF0] =	vst v0;
	s14 =	simm.s32 $0x0;
	s16 =	simm.s32 $0x0;
	s15 =	sor.u32 s15, s5  }
.LBB2_4:
0x25: {  	s14 =	sadd.s32 $0x4, s14  }
0x26: {  	[tilespmem:s15+$0x9130] =	vst v0;
	s1 =	sadd.s32 $0x40, s1;
	s16 =	sadd.s32 $0x100, s16;
	p0 =	slt.u32 s14, $0x7FC  }
.Ltmp1:
0x27: {  	[tilespmem:s15+$0x9120] =	vst v0;
	(pc) =	sbr.rel @p0 .LBB2_4-.Ltmp1, $4  }
0x28: {  	[tilespmem:s15+$0x9100] =	vst v0  }
0x29: {  	s5 =	sand.u32 $0x1F800, s16;
	[tilespmem:s15+$0x9110] =	vst v0  }
0x2a: {  	s5 =	sshrl.u32 s5, $0x2;
	s15 =	sand.u32 $0x1C0, s1  }
0x2b: {  	s15 =	sor.u32 s15, s5  }
0x2c: {  	[tilespmem:s15+$0x9130] =	vst v0  }
0x2d: {  	[tilespmem:s15+$0x9120] =	vst v0  }
0x2e: {  	[tilespmem:s15+$0x9100] =	vst v0  }
0x2f: {  	[tilespmem:s15+$0x9110] =	vst v0  }
0x30: {  	s1 =	rddreg [dreg:$0x4]  }
0x31: {  	[spmem:s1] =	stream.linear.scatter [tilespmem:s18], [sflag:$0x7], $0x8000, $0x38;
	[tilespmem:$0x19910] =	vst v63  }
0x32: {  	_ =	swait.ge [sflag:s19], $0x8000  }
0x33: {  	[sflag:s19] =	ssyncset.done $0x0  }
0x34: {  	[sflag:s19] =	ssyncadd.s32 $0xFFFF8000  }
0x35: {  	_ =	swait.ge [sflag:s20], $0x1000  }
0x36: {  	[sflag:s20] =	ssyncset.done $0x0  }
0x37: {  	s1 =	simm.s32 $0x10;
	[sflag:s20] =	ssyncadd.s32 $0xFFFFF000  }
0x38: {  	v1 =	vld [tilespmem:s1+$0x0]  }
0x39: {  	v0 =	vld [tilespmem:s1+$0xFFFFFFF0];
	_ =	sdelay $0x3  }
0x3a: {  	(xrf1) =	vunique.msk.u32 $0xffff, v1  }
0x3b: {  	(xrf1) =	vunique.msk.u32 $0xffff, v0;
	_ =	sdelay $0x3  }
0x3c: {  	s5 =	simm.s32 $0x30  }
0x3d: {  	v3 =	vld [tilespmem:s5+$0x0];
	_ =	sdelay $0x1  }
0x3e: {  	s24 =	simm.s32 $0x50;
	v2 =	vld [tilespmem:s5+$0xFFFFFFF0]  }
0x3f: {  	v5 =	vld [tilespmem:s24+$0x0]  }
0x40: {  	v4 =	vld [tilespmem:s24+$0xFFFFFFF0]  }
0x41: {  	(xrf1) =	vunique.msk.u32 $0xffff, v3;
	_ =	sdelay $0x1  }
0x42: {  	(xrf1) =	vunique.msk.u32 $0xffff, v2  }
0x43: {  	_, v7, vm0 =	vpop (xrf1);
	(xrf1) =	vunique.msk.u32 $0xffff, v5  }
0x44: {  	_, v6, vm1 =	vpop (xrf1);
	(xrf1) =	vunique.msk.u32 $0xffff, v4;
	_ =	sdelay $0x5  }
0x45: {  	s14 =	simm.s32 $0x2;
	s15 =	simm.s32 $0x4;
	s16 =	simm.s32 $0x70;
	v7 =	vcvt.s32.f32 v7;
	v6 =	vcvt.s32.f32 v6  }
.LBB2_6:
0x46: {  	v8 =	vld [tilespmem:s16+$0x0];
	s15 =	sadd.s32 $0x2, s15  }
0x47: {  	p0 =	slt.u32 s15, $0xFE;
	[tilespmem:v1+s21+$0x0] =	vst.idx.add.f32.msk vm0, v7;
	v1 =	vmov v3;
	v3 =	vmov v5  }
0x48: {  	v9 =	vld [tilespmem:s16+$0xFFFFFFF0]  }
.Ltmp2:
0x49: {  	_, v7, vm0 =	vpop (xrf1);
	[tilespmem:v0+s21+$0x0] =	vst.idx.add.f32.msk vm1, v6;
	v0 =	vmov v2;
	v2 =	vmov v4;
	(pc) =	sbr.rel @p0 .LBB2_6-.Ltmp2, $4  }
0x4a: {  	_ = 	snop  }
0x4b: {  	(xrf1) =	vunique.msk.u32 $0xffff, v8;
	_, v4, vm1 =	vpop (xrf1);
	v5 =	vmov v8  }
0x4c: {  	v6 =	vcvt.s32.f32 v4  }
0x4d: {  	s16 =	sadd.s32 $0x20, s16;
	v7 =	vcvt.s32.f32 v7;
	(xrf1) =	vunique.msk.u32 $0xffff, v9;
	v4 =	vmov v9  }
0x4e: {  	_ =	sdelay $0x9  }
0x4f: {  	_, v8, vm2 =	vpop (xrf1)  }
0x50: {  	_, v9, vm3 =	vpop (xrf1)  }
0x51: {  	_, v10, vm4 =	vpop (xrf1)  }
0x52: {  	_, v11, vm5 =	vpop (xrf1)  }
0x53: {  	[tilespmem:v1+s21+$0x0] =	vst.idx.add.f32.msk vm0, v7;
	v1 =	vcvt.s32.f32 v8  }
0x54: {  	[tilespmem:v0+s21+$0x0] =	vst.idx.add.f32.msk vm1, v6;
	v0 =	vcvt.s32.f32 v9  }
0x55: {  	[tilespmem:v3+s21+$0x0] =	vst.idx.add.f32.msk vm2, v1;
	v1 =	vcvt.s32.f32 v10  }
0x56: {  	[tilespmem:v2+s21+$0x0] =	vst.idx.add.f32.msk vm3, v0;
	v0 =	vcvt.s32.f32 v11  }
0x57: {  	[tilespmem:v5+s21+$0x0] =	vst.idx.add.f32.msk vm4, v1  }
0x58: {  	s5 =	simm.s32 $0x0;
	s16 =	simm.s32 $0x0;
	[tilespmem:v4+s21+$0x0] =	vst.idx.add.f32.msk vm5, v0  }
0x59: {  	s5 =	sand.u32 $0x300, s5;
	v0 =	vld.idx.msk [tilespmem:v12+s16+$0x0 ss:$0x1], $0xffff  }
0x5a: {  	s24 =	simm.s32 $0x0;
	s15 =	simm.s32 $0x80;
	s5 =	sshrl.u32 s5, $0x2;
	v1 =	vld.idx.msk [tilespmem:v12+s16+$0x10 ss:$0x1], $0xffff  }
0x5b: {  	s8 =	sand.u32 $0x30, s1;
	s6 =	sand.u32 $0x20, s24;
	s7 =	sor.u32 $0x1000, s5  }
0x5c: {  	s24 =	simm.s32 $0x20;
	s5 =	sor.u32 s6, s7;
	s16 =	sor.u32 s8, s7  }
.LBB2_8:
0x5d: {  	s14 =	sadd.s32 $0x2, s14  }
0x5e: {  	[tilespmem:s5+$0x0] =	vst v0;
	v0 =	vld.idx.msk [tilespmem:v12+s24+$0x0 ss:$0x1], $0xffff;
	s1 =	sadd.s32 $0x20, s1;
	p0 =	slt.u32 s14, $0xE  }
.Ltmp3:
0x5f: {  	[tilespmem:s16+$0x0] =	vst v1;
	v1 =	vld.idx.msk [tilespmem:v12+s24+$0x10 ss:$0x1], $0xffff;
	(pc) =	sbr.rel @p0 .LBB2_8-.Ltmp3, $4  }
0x60: {  	s5 =	sand.u32 $0x300, s15  }
0x61: {  	s15 =	sadd.s32 $0x80, s15;
	s6 =	sadd.s32 $0xFFFFFFF0, s1;
	s5 =	sshrl.u32 s5, $0x2  }
0x62: {  	s8 =	sand.u32 $0x30, s1;
	s6 =	sand.u32 $0x20, s6;
	s7 =	sor.u32 $0x1000, s5  }
0x63: {  	s24 =	sshra.s32 s15, $0x2;
	s5 =	sor.u32 s6, s7;
	s16 =	sor.u32 s8, s7  }
0x64: {  	_ =	sdelay $0x3  }
0x65: {  	v2 =	vld.idx.msk [tilespmem:v12+s24+$0x0 ss:$0x1], $0xffff  }
0x66: {  	s1 =	sadd.s32 $0x20, s1;
	v3 =	vld.idx.msk [tilespmem:v12+s24+$0x10 ss:$0x1], $0xffff;
	s6 =	sand.u32 $0x300, s15  }
0x67: {  	s7 =	sadd.s32 $0xFFFFFFF0, s1;
	s6 =	sshrl.u32 s6, $0x2  }
0x68: {  	[tilespmem:s5+$0x0] =	vst v0;
	s15 =	sand.u32 $0x20, s7;
	s6 =	sor.u32 $0x1000, s6  }
0x69: {  	[tilespmem:s16+$0x0] =	vst v1;
	s1 =	sand.u32 $0x30, s1;
	s5 =	sor.u32 s15, s6  }
0x6a: {  	s1 =	sor.u32 s1, s6;
	[tilespmem:s5+$0x0] =	vst v2  }
0x6b: {  	[tilespmem:s1+$0x0] =	vst v3  }
0x6c: {  	[bflag:$0x0] =	sbarrier.arrive $0xFFFF  }
0x6d: {  	_ =	swait.ge [sflag:s22], $0x8000  }
0x6e: {  	[sflag:s22] =	ssyncset.done $0x0  }
0x6f: {  	s24 =	simm.s32 $0x1000;
	[sflag:s22] =	ssyncadd.s32 $0xFFFF8000  }
0x70: {  	[spmem:s3] =	stream.indirect.scatter.add.f32 [tilespmem:s17], [sflag:$0x5], $0x200, s24, s23, $0xb8;
	[tilespmem:$0x19910] =	vst v63  }
0x71: {  	_ = 	snop  }
0x72: {  	[tilespmem:s18], [sflag:$0x4] =	stream.linear.gather [hbm4b:s11+s4], $0x8000, $0x38;
	[tilespmem:$0x19910] =	vst v63  }
0x73: {  	_ =	swait.ge [sflag:s25], $0x8000  }
0x74: {  	[sflag:s25] =	ssyncset.done $0x0  }
0x75: {  	s5 =	simm.s32 $0x1040;
	[sflag:s25] =	ssyncadd.s32 $0xFFFF8000  }
0x76: {  	[spmem:s3] =	stream.indirect.scatter.add.f32 [tilespmem:s18], [sflag:$0x6], $0x200, s5, s23, $0xb8;
	[tilespmem:$0x19910] =	vst v63  }
0x77: {  	_ =	swait.ge [sflag:s28], $0x8000  }
0x78: {  	[sflag:s28] =	ssyncset.done $0x0  }
0x79: {  	[sflag:s28] =	ssyncadd.s32 $0xFFFF8000  }
0x7a: {  	[tilespmem:s17], [sflag:$0x3] =	stream.linear.gather [hbm4b:s12+s4], $0x8000, $0x38;
	[tilespmem:$0x19910] =	vst v63  }
0x7b: {  	_ =	swait.ge [sflag:s22], $0x8000  }
0x7c: {  	[sflag:s22] =	ssyncset.done $0x0  }
0x7d: {  	s6 =	simm.s32 $0x1080;
	[sflag:s22] =	ssyncadd.s32 $0xFFFF8000  }
0x7e: {  	[spmem:s3] =	stream.indirect.scatter.add.f32 [tilespmem:s17], [sflag:$0x5], $0x200, s6, s23, $0xb8;
	[tilespmem:$0x19910] =	vst v63  }
0x7f: {  	_ =	swait.ge [sflag:s30], $0x8000  }
0x80: {  	[sflag:s30] =	ssyncset.done $0x0  }
0x81: {  	[sflag:s30] =	ssyncadd.s32 $0xFFFF8000  }
0x82: {  	[tilespmem:s18], [sflag:$0x4] =	stream.linear.gather [hbm4b:s13+s4], $0x8000, $0x38;
	[tilespmem:$0x19910] =	vst v63  }
0x83: {  	_ =	swait.ge [sflag:s25], $0x8000  }
0x84: {  	[sflag:s25] =	ssyncset.done $0x0  }
0x85: {  	s7 =	simm.s32 $0x10C0;
	[sflag:s25] =	ssyncadd.s32 $0xFFFF8000  }
0x86: {  	[spmem:s3] =	stream.indirect.scatter.add.f32 [tilespmem:s18], [sflag:$0x6], $0x200, s7, s23, $0xb8;
	[tilespmem:$0x19910] =	vst v63  }
0x87: {  	_ =	swait.ge [sflag:s28], $0x8000  }
0x88: {  	[sflag:s28] =	ssyncset.done $0x0  }
0x89: {  	[sflag:s28] =	ssyncadd.s32 $0xFFFF8000  }
0x8a: {  	_ =	swait.ge [sflag:s30], $0x8000  }
0x8b: {  	[sflag:s30] =	ssyncset.done $0x0  }
0x8c: {  	[sflag:s30] =	ssyncadd.s32 $0xFFFF8000  }
0x8d: {  	[bflag:$0x0] =	sbarrier.arrive $0xFFFF  }
0x8e: {  	s8 =	rddreg [dreg:$0x5]  }
0x8f: {  	[tilespmem:s17], [sflag:$0x7] =	stream.linear.gather [spmem:s8], $0x8000, $0x38;
	[tilespmem:$0x19910] =	vst v63  }
0x90: {  	_ =	swait.ge [sflag:s19], $0x8000  }
0x91: {  	[sflag:s19] =	ssyncset.done $0x0  }
0x92: {  	s15 =	simm.s32 $0x11120;
	s14 =	rddreg [dreg:$0x6];
	[sflag:s19] =	ssyncadd.s32 $0xFFFF8000  }
0x93: {  	[tilespmem:s18], [sflag:$0x2] =	stream.linear.gather [hbm4b:s14+s4], $0x8000, $0x38;
	[tilespmem:$0x19910] =	vst v63  }
0x94: {  	v0 =	vld [tilespmem:s15+$0x10]  }
0x95: {  	v1 =	vld [tilespmem:s15+$0x0];
	_ =	sdelay $0x2  }
0x96: {  	v2 =	vld [tilespmem:s15+$0xFFFFFFF0]  }
0x97: {  	s16 =	simm.s32 $0x11160;
	v3 =	vld [tilespmem:s15+$0xFFFFFFE0];
	v0 =	vmax.f32 v0, $1.000000000e+00  }
0x98: {  	v1 =	vmax.f32 v1, $1.000000000e+00;
	(erf) = vrcp.f32 v0;
	v0 =	vld [tilespmem:s16+$0x10]  }
0x99: {  	(erf) = vrcp.f32 v1;
	v1 =	vld [tilespmem:s16+$0x0]  }
0x9a: {  	v4 =	vld [tilespmem:s16+$0xFFFFFFF0]  }
0x9b: {  	v5 =	vld [tilespmem:s16+$0xFFFFFFE0];
	v2 =	vmax.f32 v2, $1.000000000e+00  }
0x9c: {  	v3 =	vmax.f32 v3, $1.000000000e+00;
	(erf) = vrcp.f32 v2  }
0x9d: {  	s24 =	simm.s32 $0x111A0;
	(erf) = vrcp.f32 v3;
	v0 =	vmax.f32 v0, $1.000000000e+00  }
0x9e: {  	v6 =	vld [tilespmem:s24+$0x10];
	v1 =	vmax.f32 v1, $1.000000000e+00;
	(erf) = vrcp.f32 v0  }
0x9f: {  	v2 =	vmax.f32 v4, $1.000000000e+00;
	(erf) = vrcp.f32 v1  }
0xa0: {  	v3 =	vmax.f32 v5, $1.000000000e+00;
	v0 =	vld [tilespmem:s24+$0xFFFFFFF0];
	(erf) = vrcp.f32 v2  }
0xa1: {  	v1 =	vld [tilespmem:s24+$0x0];
	v4 =	vpop (erf);
	(erf) = vrcp.f32 v3  }
0xa2: {  	s1 =	simm.s32 $0x11520;
	v2 =	vld [tilespmem:s24+$0xFFFFFFE0]  }
0xa3: {  	s14 =	simm.s32 $0x11520;
	s15 =	simm.s32 $0x8;
	s16 =	simm.s32 $0x111E0;
	v3 =	vmax.f32 v6, $1.000000000e+00;
	[tilespmem:s1+$0x10] =	vst v4;
	v4 =	vpop (erf)  }
.LBB2_10:
0xa4: {  	s15 =	sadd.s32 $0x4, s15  }
0xa5: {  	v5 =	vld [tilespmem:s16+$0x10];
	[tilespmem:s1+$0x0] =	vst v4;
	s14 =	sadd.s32 $0x40, s14;
	v4 =	vpop (erf);
	p0 =	slt.u32 s15, $0x3C  }
.Ltmp4:
0xa6: {  	v6 =	vmax.f32 v0, $1.000000000e+00;
	v0 =	vld [tilespmem:s16+$0xFFFFFFF0];
	v7 =	vmax.f32 v1, $1.000000000e+00;
	(erf) = vrcp.f32 v3;
	[tilespmem:s1+$0xFFFFFFF0] =	vst v4;
	v3 =	vpop (erf);
	(pc) =	sbr.rel @p0 .LBB2_10-.Ltmp4, $4  }
0xa7: {  	v1 =	vld [tilespmem:s16+$0x0];
	v8 =	vmax.f32 v2, $1.000000000e+00;
	(erf) = vrcp.f32 v7;
	[tilespmem:s1+$0xFFFFFFE0] =	vst v3;
	s1 =	smov.u32 s14  }
0xa8: {  	v2 =	vld [tilespmem:s16+$0xFFFFFFE0];
	(erf) = vrcp.f32 v6  }
0xa9: {  	(erf) = vrcp.f32 v8;
	v4 =	vpop (erf)  }
0xaa: {  	s16 =	sadd.s32 $0x40, s16;
	v3 =	vmax.f32 v5, $1.000000000e+00;
	[tilespmem:s14+$0x10] =	vst v4;
	v4 =	vpop (erf)  }
0xab: {  	_ = 	snop  }
0xac: {  	(erf) = vrcp.f32 v3;
	v0 =	vmax.f32 v0, $1.000000000e+00;
	v1 =	vmax.f32 v1, $1.000000000e+00  }
0xad: {  	(erf) = vrcp.f32 v1;
	v1 =	vmax.f32 v2, $1.000000000e+00  }
0xae: {  	(erf) = vrcp.f32 v0  }
0xaf: {  	[tilespmem:s1+$0x0] =	vst v4;
	v0 =	vpop (erf);
	(erf) = vrcp.f32 v1  }
0xb0: {  	[tilespmem:s1+$0xFFFFFFF0] =	vst v0;
	v1 =	vpop (erf)  }
0xb1: {  	s5 =	sadd.s32 $0x40, s14;
	[tilespmem:s1+$0xFFFFFFE0] =	vst v1;
	v0 =	vpop (erf)  }
0xb2: {  	[tilespmem:s5+$0x10] =	vst v0;
	v0 =	vpop (erf)  }
0xb3: {  	[tilespmem:s5+$0x0] =	vst v0;
	v0 =	vpop (erf)  }
0xb4: {  	[tilespmem:s5+$0xFFFFFFF0] =	vst v0;
	v0 =	vpop (erf)  }
0xb5: {  	s16 =	sadd.s32 $0x40, s5;
	[tilespmem:s5+$0xFFFFFFE0] =	vst v0;
	v0 =	vpop (erf)  }
0xb6: {  	[tilespmem:s16+$0x10] =	vst v0;
	v0 =	vpop (erf)  }
0xb7: {  	[tilespmem:s16+$0x0] =	vst v0;
	v0 =	vpop (erf)  }
0xb8: {  	[tilespmem:s16+$0xFFFFFFF0] =	vst v0;
	v0 =	vpop (erf)  }
0xb9: {  	[tilespmem:s16+$0xFFFFFFE0] =	vst v0  }
0xba: {  	_ =	swait.ge [sflag:s0], $0x8000  }
0xbb: {  	[sflag:s0] =	ssyncset.done $0x0  }
0xbc: {  	s24 =	simm.s32 $0x0;
	[sflag:s0] =	ssyncadd.s32 $0xFFFF8000  }
0xbd: {  	v0 =	vld [tilespmem:s24+$0x92C0]  }
0xbe: {  	v1 =	vld [tilespmem:s24+$0x92D0]  }
0xbf: {  	v2 =	vld [tilespmem:s24+$0x92E0]  }
0xc0: {  	v3 =	vld [tilespmem:s24+$0x92F0]  }
0xc1: {  	v4 =	vld [tilespmem:s24+$0x9280]  }
0xc2: {  	v5 =	vld [tilespmem:s24+$0x9290]  }
0xc3: {  	v6 =	vld [tilespmem:s24+$0x92A0]  }
0xc4: {  	v7 =	vld [tilespmem:s24+$0x92B0]  }
0xc5: {  	v8 =	vld [tilespmem:s24+$0x12C0]  }
0xc6: {  	v9 =	vld [tilespmem:s24+$0x12D0]  }
0xc7: {  	v10 =	vld [tilespmem:s24+$0x12E0]  }
0xc8: {  	v11 =	vld [tilespmem:s24+$0x12F0]  }
0xc9: {  	v12 =	vld [tilespmem:s24+$0x9240]  }
0xca: {  	v13 =	vld [tilespmem:s24+$0x9250]  }
0xcb: {  	v14 =	vld [tilespmem:s24+$0x9260]  }
0xcc: {  	v15 =	vld [tilespmem:s24+$0x9270]  }
0xcd: {  	v16 =	vld [tilespmem:s24+$0x1280]  }
0xce: {  	v17 =	vld [tilespmem:s24+$0x1290]  }
0xcf: {  	v18 =	vld [tilespmem:s24+$0x12A0]  }
0xd0: {  	v19 =	vld [tilespmem:s24+$0x12B0]  }
0xd1: {  	v20 =	vld [tilespmem:s24+$0x9200]  }
0xd2: {  	v21 =	vld [tilespmem:s24+$0x9210]  }
0xd3: {  	v22 =	vld [tilespmem:s24+$0x9220]  }
0xd4: {  	v23 =	vld [tilespmem:s24+$0x9230]  }
0xd5: {  	v24 =	vld [tilespmem:s24+$0x1240]  }
0xd6: {  	v25 =	vld [tilespmem:s24+$0x1250]  }
0xd7: {  	v26 =	vld [tilespmem:s24+$0x1260]  }
0xd8: {  	v27 =	vld [tilespmem:s24+$0x1270]  }
0xd9: {  	v28 =	vld [tilespmem:s24+$0x91C0]  }
0xda: {  	v29 =	vld [tilespmem:s24+$0x91D0]  }
0xdb: {  	v30 =	vld [tilespmem:s24+$0x91E0]  }
0xdc: {  	v31 =	vld [tilespmem:s24+$0x91F0]  }
0xdd: {  	v32 =	vld [tilespmem:s24+$0x1200]  }
0xde: {  	v33 =	vld [tilespmem:s24+$0x1210]  }
0xdf: {  	v34 =	vld [tilespmem:s24+$0x1220]  }
0xe0: {  	v35 =	vld [tilespmem:s24+$0x1230]  }
0xe1: {  	v36 =	vld [tilespmem:s26+$0x0]  }
0xe2: {  	v37 =	vld [tilespmem:s24+$0x9180]  }
0xe3: {  	v38 =	vld [tilespmem:s24+$0x9190]  }
0xe4: {  	v39 =	vld [tilespmem:s29+$0x0]  }
0xe5: {  	v40 =	vld [tilespmem:s24+$0x91A0]  }
0xe6: {  	v41 =	vld [tilespmem:s24+$0x91B0]  }
0xe7: {  	v42 =	vld [tilespmem:s24+$0x11C0]  }
0xe8: {  	v43 =	vld [tilespmem:s24+$0x11D0]  }
0xe9: {  	v44 =	vld [tilespmem:s24+$0x11E0]  }
0xea: {  	v63 =	vld [tilespmem:s24+$0x11F0];
	v39 =	vperm.xlane v39, v45  }
0xeb: {  	v46 =	vld [tilespmem:s24+$0x9140]  }
0xec: {  	v47 =	vld [tilespmem:s24+$0x9150];
	v36 =	vperm.xlane v36, v45;
	v8 =	vmul.f32 v8, v39  }
0xed: {  	v48 =	vld [tilespmem:s24+$0x9160];
	v9 =	vmul.f32 v9, v39;
	v10 =	vmul.f32 v10, v39  }
0xee: {  	v49 =	vld [tilespmem:s24+$0x9170];
	v11 =	vmul.f32 v11, v39;
	v16 =	vmul.f32 v16, v39  }
0xef: {  	v50 =	vld [tilespmem:s24+$0x1180];
	v17 =	vmul.f32 v17, v39;
	v18 =	vmul.f32 v18, v39  }
0xf0: {  	v51 =	vld [tilespmem:s24+$0x1190];
	v19 =	vmul.f32 v19, v39;
	v24 =	vmul.f32 v24, v39  }
0xf1: {  	v52 =	vld [tilespmem:s24+$0x11A0];
	v25 =	vmul.f32 v25, v39;
	v26 =	vmul.f32 v26, v39  }
0xf2: {  	v53 =	vld [tilespmem:s24+$0x11B0];
	v27 =	vmul.f32 v27, v39;
	v32 =	vmul.f32 v32, v39  }
0xf3: {  	v54 =	vld [tilespmem:s24+$0x9100];
	v33 =	vmul.f32 v33, v39;
	v8 =	vsub.f32 v8, v0;
	v9 =	vsub.f32 v9, v1  }
0xf4: {  	v34 =	vmul.f32 v34, v39;
	v0 =	vld [tilespmem:s24+$0x1140];
	v10 =	vsub.f32 v10, v2;
	v11 =	vsub.f32 v11, v3  }
0xf5: {  	v35 =	vmul.f32 v35, v39;
	v16 =	vsub.f32 v16, v4;
	v6 =	vsub.f32 v18, v6;
	v18 =	vld [tilespmem:s24+$0x1170]  }
0xf6: {  	v55 =	vld [tilespmem:s24+$0x9110];
	v42 =	vmul.f32 v42, v39;
	v5 =	vsub.f32 v17, v5;
	v7 =	vsub.f32 v19, v7  }
0xf7: {  	v1 =	vmul.f32 v63, v39;
	v12 =	vsub.f32 v24, v12;
	v14 =	vsub.f32 v26, v14;
	v26 =	vld [tilespmem:s24+$0x1110]  }
0xf8: {  	v2 =	vld [tilespmem:s24+$0x1150];
	v3 =	vmul.f32 v50, v39;
	v13 =	vsub.f32 v25, v13;
	v15 =	vsub.f32 v27, v15  }
0xf9: {  	v25 =	vmul.f32 v53, v39;
	v27 =	vsub.f32 v32, v20;
	v32 =	vsub.f32 v33, v21;
	v20 =	vld [tilespmem:s24+$0x1120]  }
0xfa: {  	v23 =	vsub.f32 v35, v23;
	v21 =	vld [tilespmem:s24+$0x1130];
	v0 =	vmul.f32 v0, v39;
	v18 =	vmul.f32 v18, v39  }
0xfb: {  	v17 =	vmul.f32 v51, v39;
	v53 =	vld [tilespmem:s24+$0x9120];
	v35 =	vsub.f32 v3, v37;
	v25 =	vsub.f32 v25, v41  }
0xfc: {  	v4 =	vld [tilespmem:s24+$0x1160];
	v3 =	vmul.f32 v26, v39;
	v41 =	vsub.f32 v0, v46;
	v0 =	vsub.f32 v18, v49  }
0xfd: {  	v19 =	vmul.f32 v52, v39;
	v22 =	vsub.f32 v34, v22;
	v34 =	vsub.f32 v1, v31;
	v31 =	vld [tilespmem:s24+$0x9130]  }
0xfe: {  	v24 =	vld [tilespmem:s24+$0x1100];
	v38 =	vsub.f32 v17, v38;
	v17 =	vmul.f32 v20, v39;
	[tilespmem:$0x1FCF0] =	vst v0;
	v0 =	vsub.f32 v3, v55  }
0xff: {  	v43 =	vmul.f32 v43, v39;
	v44 =	vmul.f32 v44, v39;
	v28 =	vsub.f32 v42, v28  }
0x100: {  	v56 =	vsub.f32 v19, v40;
	v19 =	vmul.f32 v21, v39;
	[tilespmem:$0x1FD00] =	vst v0;
	v0 =	vsub.f32 v17, v53  }
0x101: {  	v29 =	vsub.f32 v43, v29;
	v33 =	vand.u32 $0x7FFFFFFF, v10;
	v37 =	vmul.f32 $5.000000000e-01, v12  }
0x102: {  	v51 =	vmul.f32 $5.000000000e-01, v13;
	v52 =	vmul.f32 $5.000000000e-01, v14;
	[tilespmem:$0x1FD30] =	vst v0;
	v0 =	vsub.f32 v19, v31  }
0x103: {  	v57 =	vmul.f32 $5.000000000e-01, v32;
	v58 =	vmul.f32 $5.000000000e-01, v22;
	v59 =	vand.u32 $0x7FFFFFFF, v14  }
0x104: {  	v61 =	vmul.f32 $5.000000000e-01, v28;
	v63 =	vmul.f32 $5.000000000e-01, v29;
	[tilespmem:$0x1FEC0] =	vst v0;
	v0 =	vand.u32 $0x7FFFFFFF, v11  }
0x105: {  	v2 =	vmul.f32 v2, v39;
	v4 =	vmul.f32 v4, v39;
	[tilespmem:$0x1FD50] =	vst v0;
	v0 =	vand.u32 $0x7FFFFFFF, v16  }
0x106: {  	v24 =	vmul.f32 v24, v39;
	v20 =	vmul.f32 $5.000000000e-01, v11;
	[tilespmem:$0x1FD70] =	vst v0;
	v0 =	vand.u32 $0x7FFFFFFF, v5  }
0x107: {  	v21 =	vmul.f32 $5.000000000e-01, v16;
	v17 =	vmul.f32 $5.000000000e-01, v8;
	[tilespmem:$0x1FD80] =	vst v0;
	v0 =	vand.u32 $0x7FFFFFFF, v6  }
0x108: {  	v26 =	vmul.f32 $5.000000000e-01, v5;
	v18 =	vmul.f32 $5.000000000e-01, v9;
	[tilespmem:$0x1FDA0] =	vst v0;
	v0 =	vand.u32 $0x7FFFFFFF, v13  }
0x109: {  	p0 =	sgt.s32 s31, $0xFFFFFFFF;
	v24 =	vsub.f32 v24, v54;
	v54 =	vmul.f32 $5.000000000e-01, v15;
	[tilespmem:$0x1FDE0] =	vst v0;
	v0 =	vmul.f32 v17, v8  }
0x10a: {  	v40 =	vmul.f32 v20, v11;
	v3 =	vpsel !p0, $0x0, v36;
	v36 =	vmul.f32 $5.000000000e-01, v7  }
0x10b: {  	v20 =	vmul.f32 v37, v12;
	v55 =	vmul.f32 $5.000000000e-01, v27;
	[tilespmem:$0x1FD10] =	vst v0;
	v0 =	vand.u32 $0x7FFFFFFF, v27  }
0x10c: {  	v50 =	vand.u32 $0x7FFFFFFF, v15;
	v45 =	vmul.f32 v36, v7;
	[tilespmem:$0x1FE20] =	vst v0;
	v0 =	vmul.f32 v18, v9  }
0x10d: {  	v46 =	vand.u32 $0x7FFFFFFF, v7;
	v7 =	vmul.f32 $5.000000000e-01, v38;
	v19 =	vmul.f32 $5.000000000e-01, v10  }
0x10e: {  	v11 =	vmul.f32 v51, v13;
	v16 =	vmul.f32 v21, v16;
	[tilespmem:$0x1FD20] =	vst v0;
	v0 =	vand.u32 $0x7FFFFFFF, v32  }
0x10f: {  	v62 =	vand.u32 $0x7FFFFFFF, v38;
	v21 =	vmul.f32 v52, v14;
	[tilespmem:$0x1FE40] =	vst v0;
	v0 =	vmul.f32 v19, v10  }
0x110: {  	v42 =	vsub.f32 v2, v47;
	v14 =	vmul.f32 v54, v15;
	v15 =	vmul.f32 v58, v22  }
0x111: {  	v13 =	vmul.f32 $5.000000000e-01, v25;
	v18 =	vmul.f32 v57, v32;
	[tilespmem:$0x1FCE0] =	vst v0;
	v0 =	vand.u32 $0x7FFFFFFF, v22  }
0x112: {  	v2 =	vand.u32 $0x7FFFFFFF, v28;
	v10 =	vmul.f32 v26, v5;
	[tilespmem:$0x1FE60] =	vst v0;
	v0 =	vmul.f32 $5.000000000e-01, v34  }
0x113: {  	[tilespmem:$0x1FE90] =	vst v2;
	v2 =	vand.u32 $0x7FFFFFFF, v29;
	v22 =	vmul.f32 v63, v29;
	v29 =	vmul.f32 v7, v38;
	v38 =	vld [tilespmem:$0x1FD00]  }
0x114: {  	v37 =	vmul.f32 v0, v34;
	v0 =	vmul.f32 $5.000000000e-01, v42  }
0x115: {  	v39 =	vsub.f32 v4, v48;
	v26 =	vmul.f32 v55, v27;
	v27 =	vmul.f32 v61, v28  }
0x116: {  	v4 =	vand.u32 $0x7FFFFFFF, v56;
	v32 =	vld [tilespmem:$0x1FCF0];
	v28 =	vmul.f32 v0, v42;
	v0 =	vmul.f32 $5.000000000e-01, v24  }
0x117: {  	[tilespmem:$0x1FF60] =	vst v4;
	v4 =	vand.u32 $0x7FFFFFFF, v25;
	v31 =	vmul.f32 $5.000000000e-01, v6  }
0x118: {  	v36 =	vmul.f32 v13, v25;
	v25 =	vmul.f32 v0, v24;
	v0 =	vand.u32 $0x7FFFFFFF, v38  }
0x119: {  	v17 =	vmul.f32 v31, v6;
	v6 =	vmul.f32 $5.000000000e-01, v35;
	[tilespmem:$0x1FFC0] =	vst v0;
	v0 =	vld [tilespmem:$0x1FD10]  }
0x11a: {  	v30 =	vsub.f32 v44, v30  }
0x11b: {  	v44 =	vand.u32 $0x7FFFFFFF, v8;
	v31 =	vmul.f32 v6, v35;
	v6 =	vand.u32 $0x7FFFFFFF, v32  }
0x11c: {  	[tilespmem:$0x1FED0] =	vst v6;
	v6 =	vadd.f32 $-5.000000000e-01, v44  }
0x11d: {  	vm0 =	vlt.f32 v44, $1.000000000e+00  }
0x11e: {  	v13 =	vimm.s32 $0x0;
	v8 =	vsel vm0, v0, v6;
	vm0 =	vlt.f32 v33, $1.000000000e+00  }
0x11f: {  	v13 =	vsel vm0, $0xFFFFFFFF, v13  }
0x120: {  	v1 =	vmul.f32 $5.000000000e-01, v30;
	[tilespmem:$0x1FD40] =	vst v13;
	v13 =	vld [tilespmem:$0x1FD50]  }
0x121: {  	v43 =	vand.u32 $0x7FFFFFFF, v9;
	v60 =	vmul.f32 $5.000000000e-01, v23  }
0x122: {  	v9 =	vand.u32 $0x7FFFFFFF, v30;
	v30 =	vmul.f32 v1, v30;
	v1 =	vmul.f32 $5.000000000e-01, v41;
	_ =	sdelay $0x1  }
0x123: {  	v53 =	vand.u32 $0x7FFFFFFF, v23;
	v19 =	vmul.f32 v60, v23;
	v23 =	vmul.f32 v1, v41  }
0x124: {  	v1 =	vand.u32 $0x7FFFFFFF, v24;
	v24 =	vimm.s32 $0x0;
	vm0 =	vlt.f32 v13, $1.000000000e+00  }
0x125: {  	v24 =	vsel vm0, $0xFFFFFFFF, v24  }
0x126: {  	[tilespmem:$0x1FD60] =	vst v24;
	v24 =	vld [tilespmem:$0x1FD80]  }
0x127: {  	v54 =	vld [tilespmem:$0x1FDA0];
	_ =	sdelay $0x2  }
0x128: {  	v47 =	vand.u32 $0x7FFFFFFF, v39;
	v51 =	vimm.s32 $0x0;
	[tilespmem:$0x1FFB0] =	vst v1;
	v1 =	vmul.f32 $5.000000000e-01, v39  }
0x129: {  	v5 =	vand.u32 $0x7FFFFFFF, v34;
	v55 =	vimm.s32 $0x0;
	vm0 =	vlt.f32 v24, $1.000000000e+00  }
0x12a: {  	v34 =	vmul.f32 v1, v39;
	v39 =	vsel vm0, $0xFFFFFFFF, v51;
	vm0 =	vlt.f32 v54, $1.000000000e+00  }
0x12b: {  	v52 =	vand.u32 $0x7FFFFFFF, v42;
	v42 =	vsel vm0, $0xFFFFFFFF, v55  }
0x12c: {  	vm0 =	vlt.f32 v46, $1.000000000e+00;
	[tilespmem:$0x1FDB0] =	vst v42;
	v42 =	vadd.f32 $-5.000000000e-01, v24;
	v24 =	vimm.s32 $0x0  }
0x12d: {  	v48 =	vand.u32 $0x7FFFFFFF, v12;
	v24 =	vsel vm0, $0xFFFFFFFF, v24  }
0x12e: {  	vm0 =	vlt.f32 v48, $1.000000000e+00;
	[tilespmem:$0x1FDC0] =	vst v24;
	v24 =	vimm.s32 $0x0  }
0x12f: {  	v24 =	vsel vm0, $0xFFFFFFFF, v24  }
0x130: {  	[tilespmem:$0x1FDD0] =	vst v24;
	v24 =	vld [tilespmem:$0x1FDE0];
	_ =	sdelay $0x1  }
0x131: {  	v12 =	vmul.f32 $5.000000000e-01, v56;
	_ =	sdelay $0x1  }
0x132: {  	[tilespmem:$0x1FEA0] =	vst v2;
	v2 =	vand.u32 $0x7FFFFFFF, v35;
	v35 =	vmul.f32 v12, v56;
	v56 =	vimm.s32 $0x0  }
0x133: {  	v57 =	vimm.s32 $0x0;
	v44 =	vadd.f32 $-5.000000000e-01, v48;
	vm0 =	vlt.f32 v24, $1.000000000e+00  }
0x134: {  	[tilespmem:$0x1FD90] =	vst v39;
	v48 =	vadd.f32 $-5.000000000e-01, v24;
	v39 =	vsel vm0, $0xFFFFFFFF, v56;
	vm0 =	vlt.f32 v59, $1.000000000e+00  }
0x135: {  	v24 =	vimm.s32 $0x0;
	[tilespmem:$0x1FDF0] =	vst v39;
	v39 =	vsel vm0, $0xFFFFFFFF, v57;
	vm0 =	vlt.f32 v50, $1.000000000e+00  }
0x136: {  	v24 =	vsel vm0, $0xFFFFFFFF, v24  }
0x137: {  	[tilespmem:$0x1FE10] =	vst v24;
	v24 =	vld [tilespmem:$0x1FE20];
	_ =	sdelay $0x2  }
0x138: {  	v49 =	vadd.f32 $-5.000000000e-01, v59;
	v59 =	vld [tilespmem:$0x1FE40]  }
0x139: {  	vm1 =	vlt.f32 v43, $1.000000000e+00;
	v7 =	vadd.f32 $-5.000000000e-01, v43  }
0x13a: {  	v43 =	vadd.f32 $-5.000000000e-01, v54;
	vm0 =	vlt.f32 v24, $1.000000000e+00;
	v54 =	vadd.f32 $-5.000000000e-01, v24;
	v24 =	vld [tilespmem:$0x1FE60];
	_ =	sdelay $0x1  }
0x13b: {  	v58 =	vimm.s32 $0x0  }
0x13c: {  	v60 =	vimm.s32 $0x0;
	[tilespmem:$0x1FE00] =	vst v39;
	v39 =	vsel vm0, $0xFFFFFFFF, v58;
	vm0 =	vlt.f32 v59, $1.000000000e+00  }
0x13d: {  	v51 =	vsel vm0, $0xFFFFFFFF, v60  }
0x13e: {  	v61 =	vimm.s32 $0x0;
	[tilespmem:$0x1FE50] =	vst v51;
	vm0 =	vlt.f32 v24, $1.000000000e+00;
	v51 =	vadd.f32 $-5.000000000e-01, v24  }
0x13f: {  	[tilespmem:$0x1FE30] =	vst v39;
	v24 =	vimm.s32 $0x0;
	v39 =	vsel vm0, $0xFFFFFFFF, v61;
	vm0 =	vlt.f32 v53, $1.000000000e+00  }
0x140: {  	v24 =	vsel vm0, $0xFFFFFFFF, v24  }
0x141: {  	[tilespmem:$0x1FE80] =	vst v24;
	v24 =	vld [tilespmem:$0x1FE90];
	_ =	sdelay $0x2  }
0x142: {  	v6 =	vld [tilespmem:$0x1FD20]  }
0x143: {  	v1 =	vmul.f32 $5.000000000e-01, v32;
	v0 =	vmul.f32 $5.000000000e-01, v38  }
0x144: {  	vm0 =	vlt.f32 v24, $1.000000000e+00  }
0x145: {  	v60 =	vadd.f32 $-5.000000000e-01, v24;
	v24 =	vmul.f32 v1, v32;
	v32 =	vmul.f32 v0, v38;
	v0 =	vld [tilespmem:$0x1FF60];
	_ =	sdelay $0x1  }
0x146: {  	[tilespmem:$0x1FF70] =	vst v4;
	v12 =	vsel vm1, v6, v7;
	v7 =	vld [tilespmem:$0x1FD30]  }
0x147: {  	[tilespmem:$0x1FE70] =	vst v39;
	v39 =	vld [tilespmem:$0x1FEA0]  }
0x148: {  	[tilespmem:$0x1FF40] =	vst v2;
	v55 =	vadd.f32 $-5.000000000e-01, v59;
	v59 =	vadd.f32 $-5.000000000e-01, v2;
	v2 =	vld [tilespmem:$0x1FEC0]  }
0x149: {  	[tilespmem:$0x1FF50] =	vst v62;
	v61 =	vadd.f32 $-5.000000000e-01, v62;
	v62 =	vadd.f32 $-5.000000000e-01, v0;
	v0 =	vld [tilespmem:$0x1FF70];
	_ =	sdelay $0x1  }
0x14a: {  	v4 =	vand.u32 $0x7FFFFFFF, v41  }
0x14b: {  	[tilespmem:$0x1FF80] =	vst v4;
	v63 =	vimm.s32 $0x0;
	vm1 =	vlt.f32 v39, $1.000000000e+00  }
0x14c: {  	[tilespmem:$0x1FF20] =	vst v9;
	v56 =	vsel vm1, $0xFFFFFFFF, v63  }
0x14d: {  	v38 =	vand.u32 $0x7FFFFFFF, v7;
	[tilespmem:$0x1FEB0] =	vst v56;
	v63 =	vadd.f32 $-5.000000000e-01, v0;
	v0 =	vadd.f32 $-5.000000000e-01, v4;
	v4 =	vmovc v2  }
0x14e: {  	v57 =	vadd.f32 $-5.000000000e-01, v9;
	v56 =	vadd.f32 $-5.000000000e-01, v39;
	[tilespmem:$0x1FFD0] =	vst v38;
	v9 =	vand.u32 $0x7FFFFFFF, v4  }
0x14f: {  	v39 =	vadd.f32 $-5.000000000e-01, v38;
	[tilespmem:$0x1FFE0] =	vst v9;
	v38 =	vadd.f32 $-5.000000000e-01, v9;
	v9 =	vimm.f32 $0.0e+00  }
0x150: {  	[tilespmem:$0x1FEF0] =	vst v9;
	v9 =	vimm.f32 $0.0e+00  }
0x151: {  	[tilespmem:$0x1FF00] =	vst v9;
	v9 =	vimm.f32 $0.0e+00  }
0x152: {  	[tilespmem:$0x1FF10] =	vst v9;
	v9 =	vld [tilespmem:$0x1FF20];
	_ =	sdelay $0x3  }
0x153: {  	[tilespmem:$0x1FF30] =	vst v5  }
0x154: {  	vm1 =	vlt.f32 v9, $1.000000000e+00;
	v9 =	vld [tilespmem:$0x1FF30];
	_ =	sdelay $0x4  }
0x155: {  	vm4 =	vlt.f32 v9, $1.000000000e+00;
	v9 =	vld [tilespmem:$0x1FF40];
	_ =	sdelay $0x4  }
0x156: {  	vm2 =	vlt.f32 v9, $1.000000000e+00;
	v9 =	vld [tilespmem:$0x1FF50];
	_ =	sdelay $0x4  }
0x157: {  	vm7 =	vlt.f32 v9, $1.000000000e+00;
	v9 =	vld [tilespmem:$0x1FF60];
	_ =	sdelay $0x4  }
0x158: {  	vm8 =	vlt.f32 v9, $1.000000000e+00;
	v9 =	vld [tilespmem:$0x1FF70];
	_ =	sdelay $0x4  }
0x159: {  	vm9 =	vlt.f32 v9, $1.000000000e+00;
	v9 =	vld [tilespmem:$0x1FF80];
	_ =	sdelay $0x3  }
0x15a: {  	[tilespmem:$0x1FF90] =	vst v52  }
0x15b: {  	vm6 =	vlt.f32 v9, $1.000000000e+00;
	v9 =	vld [tilespmem:$0x1FF90];
	_ =	sdelay $0x3  }
0x15c: {  	[tilespmem:$0x1FFA0] =	vst v47  }
0x15d: {  	vm5 =	vlt.f32 v9, $1.000000000e+00;
	v9 =	vld [tilespmem:$0x1FFA0];
	_ =	sdelay $0x4  }
0x15e: {  	vm3 =	vlt.f32 v9, $1.000000000e+00;
	v9 =	vld [tilespmem:$0x1FFB0];
	_ =	sdelay $0x4  }
0x15f: {  	vm11 =	vlt.f32 v9, $1.000000000e+00;
	v9 =	vld [tilespmem:$0x1FFC0];
	_ =	sdelay $0x3  }
0x160: {  	v6 =	vmul.f32 $5.000000000e-01, v7  }
0x161: {  	v41 =	vadd.f32 $-5.000000000e-01, v13;
	v58 =	vadd.f32 $-5.000000000e-01, v5;
	vm13 =	vlt.f32 v9, $1.000000000e+00;
	v9 =	vld [tilespmem:$0x1FFD0]  }
0x162: {  	v13 =	vld [tilespmem:$0x1FD70];
	v5 =	vmul.f32 v6, v7;
	v6 =	vimm.f32 $0.0e+00;
	v1 =	vmul.f32 $5.000000000e-01, v2  }
0x163: {  	[tilespmem:$0x1FEE0] =	vst v6;
	v6 =	vld [tilespmem:$0x1FFC0]  }
0x164: {  	v7 =	vmul.f32 v1, v2;
	v2 =	vadd.f32 $-5.000000000e-01, v47;
	v47 =	vld [tilespmem:$0x1FED0]  }
0x165: {  	v4 =	vld [tilespmem:$0x1FFB0]  }
0x166: {  	vm12 =	vlt.f32 v9, $1.000000000e+00;
	v9 =	vld [tilespmem:$0x1FFE0]  }
0x167: {  	v33 =	vadd.f32 $-5.000000000e-01, v33;
	vm14 =	vlt.f32 v13, $1.000000000e+00;
	v13 =	vadd.f32 $-5.000000000e-01, v13  }
0x168: {  	v46 =	vadd.f32 $-5.000000000e-01, v46;
	v50 =	vadd.f32 $-5.000000000e-01, v50  }
0x169: {  	v53 =	vadd.f32 $-5.000000000e-01, v53;
	v6 =	vadd.f32 $-5.000000000e-01, v6  }
0x16a: {  	s15 =	smov.u32 s26;
	v1 =	vadd.f32 $-5.000000000e-01, v52;
	v52 =	vadd.f32 $-5.000000000e-01, v47  }
0x16b: {  	s14 =	smov.u32 s29;
	s16 =	smov.u32 s31;
	s24 =	simm.s32 $0x800;
	vm15 =	vlt.f32 v47, $1.000000000e+00;
	v4 =	vadd.f32 $-5.000000000e-01, v4;
	vm10 =	vlt.f32 v9, $1.000000000e+00  }
.LBB2_12:
0x16c: {  	v9 =	vld [tilespmem:$0x1FD40];
	_ =	sdelay $0x4  }
0x16d: {  	s1 =	sshra.s32 s24, $0x2;
	v47 =	vsel vm14, v16, v13;
	vm14 =	vnez.u8 v9;
	v9 =	vld [tilespmem:$0x1FCE0]  }
0x16e: {  	v13 =	vld [tilespmem:s1+$0x92C0];
	_ =	sdelay $0x3  }
0x16f: {  	v16 =	vsel vm14, v9, v33;
	v9 =	vld [tilespmem:$0x1FD60]  }
0x170: {  	[tilespmem:$0x1FA30] =	vst v13;
	v13 =	vld [tilespmem:$0x1FD90];
	_ =	sdelay $0x3  }
0x171: {  	vm14 =	vnez.u8 v9  }
0x172: {  	v9 =	vsel vm14, v40, v41;
	vm14 =	vnez.u8 v13  }
0x173: {  	v41 =	vsel vm14, v10, v42;
	v10 =	vld [tilespmem:$0x1FDB0];
	_ =	sdelay $0x1  }
0x174: {  	v29 =	vsel vm7, v29, v61;
	v61 =	vmul.f32 v8, v3;
	v8 =	vld [tilespmem:$0x1FEE0];
	_ =	sdelay $0x1  }
0x175: {  	v4 =	vsel vm11, v25, v4  }
0x176: {  	v4 =	vmul.f32 v4, v3;
	vm14 =	vnez.u8 v10;
	v10 =	vld [tilespmem:$0x1FDC0];
	_ =	sdelay $0x1  }
0x177: {  	v4 =	vadd.f32 v4, v8;
	v8 =	vld [tilespmem:$0x1FEF0];
	_ =	sdelay $0x1  }
0x178: {  	v6 =	vsel vm13, v32, v6  }
0x179: {  	v6 =	vmul.f32 v6, v3;
	v42 =	vsel vm14, v17, v43;
	vm14 =	vnez.u8 v10;
	v10 =	vld [tilespmem:s1+$0x92D0];
	_ =	sdelay $0x1  }
0x17a: {  	v6 =	vadd.f32 v6, v8;
	v8 =	vld [tilespmem:$0x1FF00];
	_ =	sdelay $0x1  }
0x17b: {  	v0 =	vsel vm6, v23, v0;
	v5 =	vsel vm12, v5, v39;
	v23 =	vld [tilespmem:s1+$0x9270]  }
0x17c: {  	v5 =	vmul.f32 v5, v3;
	[tilespmem:$0x1FA40] =	vst v10;
	v10 =	vld [tilespmem:$0x1FDD0]  }
0x17d: {  	v24 =	vsel vm15, v24, v52;
	v52 =	vld [tilespmem:s1+$0x1280]  }
0x17e: {  	v5 =	vadd.f32 v5, v8;
	v8 =	vld [tilespmem:$0x1FF10]  }
0x17f: {  	v30 =	vsel vm1, v30, v57;
	v1 =	vsel vm5, v28, v1;
	v13 =	vld [tilespmem:$0x1FE70]  }
0x180: {  	v2 =	vsel vm3, v34, v2;
	v7 =	vsel vm10, v7, v38;
	v1 =	vmul.f32 v1, v3;
	v57 =	vld [tilespmem:s1+$0x9110]  }
0x181: {  	v7 =	vmul.f32 v7, v3;
	v40 =	vsel vm14, v45, v46;
	vm14 =	vnez.u8 v10;
	v10 =	vld [tilespmem:$0x1FDF0]  }
0x182: {  	v2 =	vmul.f32 v2, v3;
	v33 =	vld [tilespmem:s1+$0x9180]  }
0x183: {  	v24 =	vmul.f32 v24, v3;
	v1 =	vadd.f32 v1, v6;
	v6 =	vld [tilespmem:s1+$0x12A0];
	v7 =	vadd.f32 v7, v8  }
0x184: {  	v27 =	vsel vm0, v27, v60;
	vm0 =	vnez.u8 v13;
	v13 =	vld [tilespmem:$0x1FE80]  }
0x185: {  	v2 =	vadd.f32 v2, v5;
	v5 =	vadd.f32 v24, v7;
	v24 =	vld [tilespmem:s1+$0x9200]  }
0x186: {  	v20 =	vsel vm14, v20, v44;
	vm14 =	vnez.u8 v10;
	v10 =	vld [tilespmem:$0x1FE00]  }
0x187: {  	v60 =	vsel vm9, v36, v63;
	v43 =	vsel vm14, v11, v48;
	v11 =	vld [tilespmem:$0x1FE30]  }
0x188: {  	v7 =	vmul.f32 v60, v3;
	v60 =	vld [tilespmem:s1+$0x1180]  }
0x189: {  	v17 =	vld [tilespmem:s1+$0x92A0]  }
0x18a: {  	v28 =	vmul.f32 v20, v3;
	v20 =	vld [tilespmem:s1+$0x12F0]  }
0x18b: {  	vm14 =	vnez.u8 v10;
	v10 =	vld [tilespmem:s1+$0x92E0]  }
0x18c: {  	v44 =	vsel vm14, v21, v49;
	vm14 =	vnez.u8 v11;
	v11 =	vld [tilespmem:$0x1FE50]  }
0x18d: {  	v21 =	vsel vm14, v26, v54;
	v54 =	vsel vm0, v15, v51;
	vm0 =	vnez.u8 v13;
	v13 =	vld [tilespmem:$0x1FEB0]  }
0x18e: {  	v15 =	vld [tilespmem:s1+$0x9290]  }
0x18f: {  	v26 =	vld [tilespmem:s1+$0x12D0]  }
0x190: {  	v63 =	vmul.f32 v21, v3;
	v21 =	vld [tilespmem:s1+$0x9250]  }
0x191: {  	vm14 =	vnez.u8 v11;
	v11 =	vld [tilespmem:$0x1FE10]  }
0x192: {  	v45 =	vsel vm14, v18, v55;
	v18 =	vld [tilespmem:s1+$0x92B0]  }
0x193: {  	v55 =	vsel vm0, v19, v53;
	vm0 =	vnez.u8 v13;
	v13 =	vld [tilespmem:s1+$0x12E0]  }
0x194: {  	v53 =	vld [tilespmem:s1+$0x1290];
	v19 =	vsel vm0, v22, v56  }
0x195: {  	v22 =	vsel vm2, v31, v59;
	v31 =	vsel vm8, v35, v62;
	v62 =	vmul.f32 v12, v3;
	v12 =	vld [tilespmem:s1+$0x12C0]  }
0x196: {  	s14 =	sadd.s32 $0x1, s14;
	v0 =	vmul.f32 v0, v3;
	v35 =	vld [tilespmem:s1+$0x91C0]  }
0x197: {  	v25 =	vmul.f32 v27, v3;
	v29 =	vmul.f32 v29, v3;
	v59 =	vld [tilespmem:s14+$0x0]  }
0x198: {  	v0 =	vadd.f32 v0, v4;
	v27 =	vmul.f32 v19, v3;
	v51 =	vmul.f32 v22, v3;
	v19 =	vld [tilespmem:s1+$0x9240]  }
0x199: {  	v22 =	vld [tilespmem:s1+$0x9260];
	v4 =	vmul.f32 v31, v3  }
0x19a: {  	v37 =	vsel vm4, v37, v58;
	v1 =	vadd.f32 v29, v1;
	v31 =	vld [tilespmem:s1+$0x12B0];
	v32 =	vadd.f32 v51, v0  }
0x19b: {  	v29 =	vmul.f32 v30, v3;
	vm14 =	vnez.u8 v11;
	v11 =	vld [tilespmem:s1+$0x92F0];
	v2 =	vadd.f32 v4, v2  }
0x19c: {  	v4 =	vadd.f32 v7, v5;
	v5 =	vmul.f32 v37, v3;
	v0 =	vld [tilespmem:s1+$0x9210];
	v7 =	vadd.f32 v25, v32  }
0x19d: {  	v37 =	vld [tilespmem:s1+$0x11E0];
	v25 =	vadd.f32 v27, v1;
	v27 =	vmul.f32 v54, v3;
	v29 =	vadd.f32 v29, v2  }
0x19e: {  	v46 =	vsel vm14, v14, v50;
	v14 =	vld [tilespmem:s1+$0x9280]  }
0x19f: {  	v30 =	vmul.f32 v44, v3;
	v1 =	vld [tilespmem:s1+$0x9220];
	v7 =	vadd.f32 v63, v7;
	v27 =	vadd.f32 v27, v29  }
0x1a0: {  	v2 =	vld [tilespmem:s1+$0x9230]  }
0x1a1: {  	v54 =	vld [tilespmem:s1+$0x1240];
	v7 =	vadd.f32 v28, v7;
	v28 =	vmul.f32 v42, v3;
	v27 =	vadd.f32 v30, v27  }
0x1a2: {  	v4 =	vadd.f32 v5, v4;
	v5 =	vmul.f32 v55, v3;
	v55 =	vld [tilespmem:s1+$0x1260]  }
0x1a3: {  	v16 =	vmul.f32 v16, v3;
	v45 =	vmul.f32 v45, v3;
	v29 =	vld [tilespmem:s1+$0x1250];
	v27 =	vadd.f32 v28, v27  }
0x1a4: {  	s15 =	sadd.s32 $0x1, s15;
	v4 =	vadd.f32 v5, v4;
	v5 =	vmul.f32 v46, v3;
	v63 =	vld [tilespmem:s1+$0x11B0]  }
0x1a5: {  	v43 =	vmul.f32 v43, v3;
	v25 =	vadd.f32 v45, v25;
	v28 =	vld [tilespmem:s15+$0x0];
	v8 =	vadd.f32 v16, v27  }
0x1a6: {  	v4 =	vadd.f32 v5, v4;
	v5 =	vmul.f32 v40, v3;
	v30 =	vld [tilespmem:s1+$0x1270]  }
0x1a7: {  	v47 =	vmul.f32 v47, v3;
	v25 =	vadd.f32 v43, v25;
	v43 =	vld [tilespmem:s1+$0x11D0];
	[tilespmem:$0x1FF00] =	vst v8;
	v8 =	vimm.s32 $0x0  }
0x1a8: {  	v41 =	vmul.f32 v41, v3;
	v4 =	vadd.f32 v5, v4;
	v5 =	vld [tilespmem:s1+$0x91D0];
	v44 =	vperm.xlane v59, v8  }
0x1a9: {  	v3 =	vmul.f32 v9, v3;
	v7 =	vadd.f32 v47, v7;
	v16 =	vld [tilespmem:s1+$0x1210]  }
0x1aa: {  	v25 =	vadd.f32 v41, v25;
	v58 =	vperm.xlane v28, v8;
	v8 =	vld [tilespmem:$0x1FA30];
	v12 =	vmul.f32 v12, v44  }
0x1ab: {  	v3 =	vadd.f32 v3, v4;
	v4 =	vld [tilespmem:s1+$0x1200];
	v26 =	vmul.f32 v26, v44;
	v13 =	vmul.f32 v13, v44  }
0x1ac: {  	v7 =	vadd.f32 v61, v7;
	v27 =	vld [tilespmem:s1+$0x1230];
	v20 =	vmul.f32 v20, v44;
	v38 =	vmul.f32 v52, v44  }
0x1ad: {  	v61 =	vld [tilespmem:s1+$0x1190];
	v39 =	vmul.f32 v53, v44;
	v31 =	vmul.f32 v31, v44  }
0x1ae: {  	[tilespmem:$0x1FEE0] =	vst v7;
	v7 =	vadd.f32 v62, v25;
	v25 =	vld [tilespmem:s1+$0x1220];
	v29 =	vmul.f32 v29, v44;
	v53 =	vmul.f32 v16, v44  }
0x1af: {  	v34 =	vmul.f32 v55, v44;
	v9 =	vsub.f32 v20, v11;
	v45 =	vsub.f32 v12, v8;
	v8 =	vld [tilespmem:$0x1FA40]  }
0x1b0: {  	v43 =	vmul.f32 v43, v44;
	v11 =	vsub.f32 v31, v18;
	v18 =	vsub.f32 v53, v0;
	v0 =	vld [tilespmem:s1+$0x1120]  }
0x1b1: {  	v6 =	vmul.f32 v6, v44;
	v16 =	vsub.f32 v38, v14;
	v38 =	vld [tilespmem:s1+$0x1160];
	v14 =	vsub.f32 v29, v21  }
0x1b2: {  	v32 =	vmul.f32 v54, v44;
	v21 =	vsub.f32 v34, v22;
	v22 =	vsub.f32 v43, v5;
	v5 =	vld [tilespmem:s1+$0x9120]  }
0x1b3: {  	v62 =	vld [tilespmem:s1+$0x11A0];
	v4 =	vmul.f32 v4, v44;
	v55 =	vmul.f32 v27, v44  }
0x1b4: {  	v37 =	vmul.f32 v37, v44;
	v50 =	vmul.f32 v60, v44;
	v8 =	vsub.f32 v26, v8;
	v26 =	vld [tilespmem:s1+$0x1140]  }
0x1b5: {  	v27 =	vld [tilespmem:s1+$0x1150];
	v59 =	vmul.f32 v61, v44;
	v10 =	vsub.f32 v13, v10;
	v0 =	vmul.f32 v0, v44  }
0x1b6: {  	v42 =	vld [tilespmem:s1+$0x11C0];
	v61 =	vmul.f32 v63, v44;
	v20 =	vsub.f32 v32, v19;
	v19 =	vsub.f32 v55, v2  }
0x1b7: {  	[tilespmem:$0x1FEF0] =	vst v7;
	v7 =	vld [tilespmem:s1+$0x91E0];
	v2 =	vmul.f32 v38, v44;
	v38 =	vsub.f32 v0, v5;
	v0 =	vmul.f32 $5.000000000e-01, v45  }
0x1b8: {  	v28 =	vld [tilespmem:s1+$0x11F0];
	v25 =	vmul.f32 v25, v44;
	v60 =	vmul.f32 v62, v44  }
0x1b9: {  	v62 =	vld [tilespmem:s1+$0x1110];
	[tilespmem:$0x1FA50] =	vst v0;
	v0 =	vmul.f32 $5.000000000e-01, v10;
	v63 =	vmul.f32 v26, v44  }
0x1ba: {  	v26 =	vsub.f32 v4, v24;
	v4 =	vmul.f32 v27, v44;
	v27 =	vsub.f32 v25, v1;
	v1 =	vld [tilespmem:s1+$0x1130]  }
0x1bb: {  	v40 =	vld [tilespmem:s1+$0x91A0];
	v30 =	vmul.f32 v30, v44;
	v42 =	vmul.f32 v42, v44  }
0x1bc: {  	v17 =	vsub.f32 v6, v17;
	v31 =	vsub.f32 v37, v7;
	v7 =	vld [tilespmem:s1+$0x9130];
	[tilespmem:$0x1FA80] =	vst v0;
	v0 =	vmul.f32 $5.000000000e-01, v16  }
0x1bd: {  	v28 =	vmul.f32 v28, v44;
	v12 =	vsub.f32 v39, v15  }
0x1be: {  	v15 =	vsub.f32 v30, v23;
	v30 =	vsub.f32 v42, v35;
	[tilespmem:$0x1FA90] =	vst v0;
	v0 =	vmul.f32 $5.000000000e-01, v17  }
0x1bf: {  	[tilespmem:$0x1FF10] =	vst v3;
	v3 =	vld [tilespmem:s1+$0x91F0];
	v37 =	vsub.f32 v50, v33;
	v43 =	vmul.f32 v62, v44;
	v1 =	vmul.f32 v1, v44  }
0x1c0: {  	v41 =	vld [tilespmem:s1+$0x91B0];
	v35 =	vsub.f32 v60, v40;
	v42 =	vand.u32 $0x7FFFFFFF, v10;
	[tilespmem:$0x1FAE0] =	vst v0;
	v0 =	vmul.f32 $5.000000000e-01, v11  }
0x1c1: {  	v6 =	vld [tilespmem:s1+$0x1170];
	[tilespmem:$0x1FAB0] =	vst v9;
	v32 =	vsub.f32 v43, v57;
	v13 =	vsub.f32 v1, v7;
	v1 =	vmul.f32 $5.000000000e-01, v8  }
0x1c2: {  	v50 =	vand.u32 $0x7FFFFFFF, v20;
	v51 =	vand.u32 $0x7FFFFFFF, v14;
	[tilespmem:$0x1FB00] =	vst v0;
	v0 =	vmul.f32 $5.000000000e-01, v20  }
0x1c3: {  	v43 =	vand.u32 $0x7FFFFFFF, v9;
	[tilespmem:$0x1FA60] =	vst v1;
	v1 =	vmul.f32 $5.000000000e-01, v9;
	v9 =	vmul.f32 $5.000000000e-01, v32  }
0x1c4: {  	v29 =	vld [tilespmem:s1+$0x1100];
	v53 =	vand.u32 $0x7FFFFFFF, v21;
	v23 =	vsub.f32 v28, v3;
	v40 =	vand.u32 $0x7FFFFFFF, v45;
	[tilespmem:$0x1FAF0] =	vst v0  }
0x1c5: {  	v36 =	vld [tilespmem:s1+$0x9190];
	v54 =	vand.u32 $0x7FFFFFFF, v15;
	vm0 =	vlt.f32 v40, $1.000000000e+00;
	[tilespmem:$0x1FC40] =	vst v9;
	v9 =	vmul.f32 $5.000000000e-01, v38  }
0x1c6: {  	v48 =	vld [tilespmem:s1+$0x9160];
	v6 =	vmul.f32 v6, v44;
	v25 =	vsub.f32 v61, v41;
	v0 =	vmul.f32 $5.000000000e-01, v14;
	[tilespmem:$0x1FC70] =	vst v13  }
0x1c7: {  	v56 =	vld [tilespmem:s1+$0x9100];
	v60 =	vmul.f32 $5.000000000e-01, v13;
	[tilespmem:$0x1FC50] =	vst v9;
	v9 =	vand.u32 $0x7FFFFFFF, v13;
	v13 =	vimm.s32 $0x0  }
0x1c8: {  	v41 =	vand.u32 $0x7FFFFFFF, v8;
	[tilespmem:$0x1FB10] =	vst v0;
	v0 =	vmul.f32 $5.000000000e-01, v21;
	v13 =	vsel vm0, $0xFFFFFFFF, v13  }
0x1c9: {  	v49 =	vld [tilespmem:s1+$0x9170];
	v3 =	vmul.f32 v29, v44;
	vm0 =	vlt.f32 v41, $1.000000000e+00;
	[tilespmem:$0x1FC80] =	vst v13;
	v13 =	vimm.s32 $0x0  }
0x1ca: {  	s16 =	sadd.s32 $0x1, s16;
	v29 =	vsub.f32 v59, v36;
	[tilespmem:$0x1FB20] =	vst v0;
	v0 =	vmul.f32 $5.000000000e-01, v15;
	v13 =	vsel vm0, $0xFFFFFFFF, v13  }
0x1cb: {  	p1 =	sgt.s32 s16, $0xFFFFFFFF;
	v59 =	vand.u32 $0x7FFFFFFF, v30;
	v34 =	vsub.f32 v2, v48;
	[tilespmem:$0x1FCA0] =	vst v13;
	v13 =	vadd.f32 $-5.000000000e-01, v40  }
0x1cc: {  	v46 =	vld [tilespmem:s1+$0x9140];
	v39 =	vsub.f32 v3, v56;
	v3 =	vpsel !p1, $0x0, v58;
	[tilespmem:$0x1FB30] =	vst v0;
	v0 =	vmul.f32 $5.000000000e-01, v18  }
0x1cd: {  	v48 =	vand.u32 $0x7FFFFFFF, v17;
	v56 =	vand.u32 $0x7FFFFFFF, v18;
	[tilespmem:$0x1FC90] =	vst v13;
	v13 =	vadd.f32 $-5.000000000e-01, v41  }
0x1ce: {  	v58 =	vand.u32 $0x7FFFFFFF, v19;
	v24 =	vsub.f32 v6, v49;
	[tilespmem:$0x1FB40] =	vst v0;
	v0 =	vmul.f32 $5.000000000e-01, v27  }
0x1cf: {  	v49 =	vand.u32 $0x7FFFFFFF, v11;
	vm0 =	vlt.f32 v42, $1.000000000e+00;
	[tilespmem:$0x1FCB0] =	vst v13;
	v13 =	vimm.s32 $0x0  }
0x1d0: {  	v61 =	vand.u32 $0x7FFFFFFF, v22;
	[tilespmem:$0x1FB50] =	vst v0;
	v0 =	vmul.f32 $5.000000000e-01, v19;
	v13 =	vsel vm0, $0xFFFFFFFF, v13  }
0x1d1: {  	vm1 =	vlt.f32 v61, $1.000000000e+00;
	v36 =	vsub.f32 v63, v46;
	[tilespmem:$0x1FD40] =	vst v13;
	v13 =	vadd.f32 $-5.000000000e-01, v42  }
0x1d2: {  	v46 =	vand.u32 $0x7FFFFFFF, v12;
	v55 =	vand.u32 $0x7FFFFFFF, v26;
	[tilespmem:$0x1FB70] =	vst v0;
	v0 =	vmul.f32 $5.000000000e-01, v30  }
0x1d3: {  	v57 =	vand.u32 $0x7FFFFFFF, v27;
	vm0 =	vlt.f32 v43, $1.000000000e+00;
	[tilespmem:$0x1FCD0] =	vst v13;
	v13 =	vimm.s32 $0x0  }
0x1d4: {  	v44 =	vand.u32 $0x7FFFFFFF, v16;
	[tilespmem:$0x1FB60] =	vst v0;
	v0 =	vmul.f32 $5.000000000e-01, v22;
	v13 =	vsel vm0, $0xFFFFFFFF, v13  }
0x1d5: {  	vm15 =	vlt.f32 v44, $1.000000000e+00;
	vm0 =	vlt.f32 v46, $1.000000000e+00;
	[tilespmem:$0x1FD60] =	vst v13;
	v13 =	vimm.s32 $0x0  }
0x1d6: {  	v41 =	vadd.f32 $-5.000000000e-01, v43;
	[tilespmem:$0x1FB80] =	vst v0;
	v0 =	vmul.f32 $5.000000000e-01, v31;
	v13 =	vsel vm0, $0xFFFFFFFF, v13  }
0x1d7: {  	v43 =	vadd.f32 $-5.000000000e-01, v48;
	vm0 =	vlt.f32 v48, $1.000000000e+00;
	[tilespmem:$0x1FD90] =	vst v13;
	v13 =	vimm.s32 $0x0  }
0x1d8: {  	v42 =	vadd.f32 $-5.000000000e-01, v46;
	[tilespmem:$0x1FB90] =	vst v0;
	v0 =	vand.u32 $0x7FFFFFFF, v37;
	v13 =	vsel vm0, $0xFFFFFFFF, v13  }
0x1d9: {  	vm0 =	vlt.f32 v49, $1.000000000e+00;
	[tilespmem:$0x1FDB0] =	vst v13;
	v13 =	vadd.f32 $-5.000000000e-01, v44;
	v44 =	vimm.s32 $0x0  }
0x1da: {  	v46 =	vimm.s32 $0x0;
	v48 =	vimm.s32 $0x0;
	v40 =	vsel vm0, $0xFFFFFFFF, v44  }
0x1db: {  	vm0 =	vlt.f32 v50, $1.000000000e+00;
	v44 =	vadd.f32 $-5.000000000e-01, v50;
	v50 =	vimm.s32 $0x0  }
0x1dc: {  	[tilespmem:$0x1FDC0] =	vst v40;
	v40 =	vsel vm0, $0xFFFFFFFF, v46;
	v46 =	vadd.f32 $-5.000000000e-01, v49;
	vm0 =	vlt.f32 v51, $1.000000000e+00  }
0x1dd: {  	v49 =	vimm.s32 $0x0;
	[tilespmem:$0x1FDD0] =	vst v40;
	v40 =	vsel vm0, $0xFFFFFFFF, v48;
	vm0 =	vlt.f32 v53, $1.000000000e+00  }
0x1de: {  	v48 =	vadd.f32 $-5.000000000e-01, v51;
	v51 =	vimm.s32 $0x0;
	[tilespmem:$0x1FDF0] =	vst v40;
	v40 =	vsel vm0, $0xFFFFFFFF, v49  }
0x1df: {  	v49 =	vadd.f32 $-5.000000000e-01, v53;
	vm0 =	vlt.f32 v54, $1.000000000e+00;
	v53 =	vimm.s32 $0x0  }
0x1e0: {  	[tilespmem:$0x1FE00] =	vst v40;
	v40 =	vsel vm0, $0xFFFFFFFF, v50;
	vm0 =	vlt.f32 v55, $1.000000000e+00;
	v50 =	vadd.f32 $-5.000000000e-01, v54  }
0x1e1: {  	v54 =	vadd.f32 $-5.000000000e-01, v55;
	v55 =	vadd.f32 $-5.000000000e-01, v56;
	[tilespmem:$0x1FE10] =	vst v40;
	v40 =	vsel vm0, $0xFFFFFFFF, v51  }
0x1e2: {  	[tilespmem:$0x1FC60] =	vst v60;
	vm0 =	vlt.f32 v56, $1.000000000e+00;
	v56 =	vimm.s32 $0x0;
	v51 =	vadd.f32 $-5.000000000e-01, v57  }
0x1e3: {  	[tilespmem:$0x1FE30] =	vst v40;
	v40 =	vsel vm0, $0xFFFFFFFF, v53;
	vm0 =	vlt.f32 v57, $1.000000000e+00;
	v57 =	vimm.s32 $0x0  }
0x1e4: {  	v47 =	vld [tilespmem:s1+$0x9150];
	v53 =	vadd.f32 $-5.000000000e-01, v58;
	[tilespmem:$0x1FE50] =	vst v40;
	v40 =	vsel vm0, $0xFFFFFFFF, v56;
	vm0 =	vlt.f32 v58, $1.000000000e+00  }
0x1e5: {  	v58 =	vimm.s32 $0x0;
	[tilespmem:$0x1FE70] =	vst v40;
	v40 =	vsel vm0, $0xFFFFFFFF, v57;
	vm0 =	vlt.f32 v59, $1.000000000e+00  }
0x1e6: {  	v60 =	vimm.s32 $0x0;
	vm2 =	vlt.f32 v0, $1.000000000e+00;
	[tilespmem:$0x1FE80] =	vst v40;
	v40 =	vsel vm0, $0xFFFFFFFF, v58  }
0x1e7: {  	[tilespmem:$0x1FCC0] =	vst v40;
	v40 =	vsel vm1, $0xFFFFFFFF, v60;
	v60 =	vadd.f32 $-5.000000000e-01, v59;
	v59 =	vadd.f32 $-5.000000000e-01, v0;
	v0 =	vld [tilespmem:$0x1FA50]  }
0x1e8: {  	[tilespmem:$0x1FAA0] =	vst v1;
	v1 =	vmul.f32 $5.000000000e-01, v12  }
0x1e9: {  	v62 =	vand.u32 $0x7FFFFFFF, v31;
	[tilespmem:$0x1FA70] =	vst v8;
	v28 =	vsub.f32 v4, v47;
	v47 =	vand.u32 $0x7FFFFFFF, v35  }
0x1ea: {  	vm8 =	vlt.f32 v47, $1.000000000e+00;
	[tilespmem:$0x1FAC0] =	vst v1;
	v1 =	vand.u32 $0x7FFFFFFF, v29;
	v56 =	vadd.f32 $-5.000000000e-01, v61  }
0x1eb: {  	vm7 =	vlt.f32 v1, $1.000000000e+00;
	v61 =	vadd.f32 $-5.000000000e-01, v1;
	v1 =	vld [tilespmem:$0x1FA70];
	v57 =	vadd.f32 $-5.000000000e-01, v62  }
0x1ec: {  	vm1 =	vlt.f32 v62, $1.000000000e+00;
	v62 =	vadd.f32 $-5.000000000e-01, v47;
	v47 =	vmul.f32 v0, v45;
	v0 =	vld [tilespmem:$0x1FA60];
	_ =	sdelay $0x2  }
0x1ed: {  	v63 =	vand.u32 $0x7FFFFFFF, v23;
	v33 =	vand.u32 $0x7FFFFFFF, v25  }
0x1ee: {  	vm4 =	vlt.f32 v63, $1.000000000e+00;
	vm9 =	vlt.f32 v33, $1.000000000e+00  }
0x1ef: {  	v58 =	vadd.f32 $-5.000000000e-01, v63;
	v63 =	vadd.f32 $-5.000000000e-01, v33;
	v33 =	vmul.f32 v0, v1;
	v0 =	vld [tilespmem:$0x1FA80];
	_ =	sdelay $0x4  }
0x1f0: {  	v0 =	vmul.f32 v0, v10;
	_ =	sdelay $0x1  }
0x1f1: {  	[tilespmem:$0x1FCE0] =	vst v0;
	v0 =	vld [tilespmem:$0x1FA90];
	_ =	sdelay $0x3  }
0x1f2: {  	v1 =	vld [tilespmem:$0x1FAB0]  }
0x1f3: {  	v16 =	vmul.f32 v0, v16;
	v0 =	vld [tilespmem:$0x1FAA0];
	_ =	sdelay $0x3  }
0x1f4: {  	[tilespmem:$0x1FAD0] =	vst v12  }
0x1f5: {  	[tilespmem:$0x1FEB0] =	vst v40;
	v40 =	vmul.f32 v0, v1;
	v0 =	vld [tilespmem:$0x1FAC0]  }
0x1f6: {  	v1 =	vld [tilespmem:$0x1FAD0];
	_ =	sdelay $0x2  }
0x1f7: {  	v2 =	vmul.f32 $5.000000000e-01, v23;
	_ =	sdelay $0x1  }
0x1f8: {  	[tilespmem:$0x1FBB0] =	vst v2;
	v2 =	vmul.f32 $5.000000000e-01, v37;
	v10 =	vmul.f32 v0, v1;
	v1 =	vld [tilespmem:$0x1FAF0];
	_ =	sdelay $0x1  }
0x1f9: {  	[tilespmem:$0x1FBA0] =	vst v2;
	v2 =	vmul.f32 $5.000000000e-01, v29;
	_ =	sdelay $0x1  }
0x1fa: {  	[tilespmem:$0x1FBC0] =	vst v2;
	v2 =	vmul.f32 $5.000000000e-01, v35;
	v0 =	vld [tilespmem:$0x1FAE0]  }
0x1fb: {  	v20 =	vmul.f32 v1, v20;
	v1 =	vld [tilespmem:$0x1FB00]  }
0x1fc: {  	[tilespmem:$0x1FBD0] =	vst v2;
	v2 =	vmul.f32 $5.000000000e-01, v25;
	_ =	sdelay $0x1  }
0x1fd: {  	v4 =	vand.u32 $0x7FFFFFFF, v28;
	[tilespmem:$0x1FBF0] =	vst v2;
	v2 =	vand.u32 $0x7FFFFFFF, v36  }
0x1fe: {  	vm6 =	vlt.f32 v2, $1.000000000e+00;
	v17 =	vmul.f32 v0, v17;
	v0 =	vadd.f32 $-5.000000000e-01, v2;
	v2 =	vld [tilespmem:$0x1FB10]  }
0x1ff: {  	vm5 =	vlt.f32 v4, $1.000000000e+00;
	v45 =	vmul.f32 v1, v11;
	v1 =	vadd.f32 $-5.000000000e-01, v4;
	v4 =	vld [tilespmem:$0x1FB30];
	_ =	sdelay $0x4  }
0x200: {  	v11 =	vmul.f32 v2, v14;
	v14 =	vmul.f32 v4, v15;
	v4 =	vld [tilespmem:$0x1FB40];
	_ =	sdelay $0x4  }
0x201: {  	v18 =	vmul.f32 v4, v18;
	v4 =	vld [tilespmem:$0x1FB50];
	_ =	sdelay $0x4  }
0x202: {  	v15 =	vmul.f32 v4, v27;
	v4 =	vld [tilespmem:$0x1FB60];
	_ =	sdelay $0x4  }
0x203: {  	v27 =	vmul.f32 v4, v30;
	v4 =	vld [tilespmem:$0x1FB70];
	_ =	sdelay $0x4  }
0x204: {  	v19 =	vmul.f32 v4, v19;
	v4 =	vld [tilespmem:$0x1FB80];
	_ =	sdelay $0x4  }
0x205: {  	v22 =	vmul.f32 v4, v22;
	v4 =	vld [tilespmem:$0x1FB90];
	_ =	sdelay $0x3  }
0x206: {  	v2 =	vld [tilespmem:$0x1FB20]  }
0x207: {  	v30 =	vmul.f32 v4, v31;
	v4 =	vld [tilespmem:$0x1FBA0]  }
0x208: {  	v6 =	vmul.f32 $5.000000000e-01, v36;
	_ =	sdelay $0x1  }
0x209: {  	v5 =	vand.u32 $0x7FFFFFFF, v34;
	[tilespmem:$0x1FBE0] =	vst v6  }
0x20a: {  	vm3 =	vlt.f32 v5, $1.000000000e+00;
	v21 =	vmul.f32 v2, v21;
	v2 =	vadd.f32 $-5.000000000e-01, v5;
	v5 =	vld [tilespmem:$0x1FBE0]  }
0x20b: {  	v31 =	vmul.f32 v4, v37;
	v4 =	vld [tilespmem:$0x1FBB0];
	_ =	sdelay $0x4  }
0x20c: {  	v37 =	vmul.f32 v4, v23;
	v23 =	vmul.f32 v5, v36;
	v5 =	vld [tilespmem:$0x1FBF0];
	_ =	sdelay $0x1  }
0x20d: {  	v6 =	vmul.f32 $5.000000000e-01, v28;
	_ =	sdelay $0x1  }
0x20e: {  	[tilespmem:$0x1FC00] =	vst v6  }
0x20f: {  	v36 =	vmul.f32 v5, v25;
	v5 =	vld [tilespmem:$0x1FC00];
	_ =	sdelay $0x1  }
0x210: {  	v8 =	vmul.f32 $5.000000000e-01, v34;
	_ =	sdelay $0x1  }
0x211: {  	[tilespmem:$0x1FC10] =	vst v8  }
0x212: {  	v8 =	vmul.f32 $5.000000000e-01, v24;
	v28 =	vmul.f32 v5, v28;
	v5 =	vld [tilespmem:$0x1FC10];
	_ =	sdelay $0x1  }
0x213: {  	[tilespmem:$0x1FC30] =	vst v8;
	v8 =	vmul.f32 $5.000000000e-01, v39  }
0x214: {  	v4 =	vld [tilespmem:$0x1FBC0]  }
0x215: {  	[tilespmem:$0x1FC20] =	vst v8  }
0x216: {  	v34 =	vmul.f32 v5, v34;
	v5 =	vld [tilespmem:$0x1FC20];
	_ =	sdelay $0x2  }
0x217: {  	v29 =	vmul.f32 v4, v29;
	v4 =	vld [tilespmem:$0x1FBD0];
	_ =	sdelay $0x1  }
0x218: {  	v25 =	vmul.f32 v5, v39;
	v5 =	vld [tilespmem:$0x1FC30]  }
0x219: {  	v7 =	vand.u32 $0x7FFFFFFF, v39  }
0x21a: {  	vm11 =	vlt.f32 v7, $1.000000000e+00  }
0x21b: {  	v8 =	vand.u32 $0x7FFFFFFF, v38;
	v35 =	vmul.f32 v4, v35;
	v4 =	vadd.f32 $-5.000000000e-01, v7;
	v7 =	vld [tilespmem:$0x1FC60]  }
0x21c: {  	vm12 =	vlt.f32 v8, $1.000000000e+00;
	v39 =	vadd.f32 $-5.000000000e-01, v8;
	v8 =	vld [tilespmem:$0x1FC70]  }
0x21d: {  	v6 =	vand.u32 $0x7FFFFFFF, v24;
	v24 =	vmul.f32 v5, v24;
	v5 =	vld [tilespmem:$0x1FC40];
	_ =	sdelay $0x3  }
0x21e: {  	v7 =	vmul.f32 v7, v8;
	v8 =	vld [tilespmem:$0x1FC80]  }
0x21f: {  	v12 =	vand.u32 $0x7FFFFFFF, v32;
	v32 =	vmul.f32 v5, v32;
	v5 =	vld [tilespmem:$0x1FC50];
	_ =	sdelay $0x3  }
0x220: {  	vm14 =	vnez.u8 v8;
	v8 =	vld [tilespmem:$0x1FC90]  }
0x221: {  	vm10 =	vlt.f32 v9, $1.000000000e+00;
	v5 =	vmul.f32 v5, v38;
	v38 =	vadd.f32 $-5.000000000e-01, v9;
	v9 =	vld [tilespmem:$0x1FCA0];
	_ =	sdelay $0x4  }
0x222: {  	v8 =	vsel vm14, v47, v8;
	vm14 =	vmmov vm15;
	vm15 =	vnez.u8 v9;
	v9 =	vld [tilespmem:$0x1FCB0];
	_ =	sdelay $0x1  }
0x223: {  	v52 =	vmul.f32 $5.000000000e-01, v26;
	_ =	sdelay $0x1  }
0x224: {  	v26 =	vmul.f32 v52, v26;
	v52 =	vadd.f32 $-5.000000000e-01, v6;
	vm13 =	vlt.f32 v12, $1.000000000e+00  }
0x225: {  	p0 =	sne.s32 s24, $0x1F800;
	vm0 =	vlt.f32 v6, $1.000000000e+00;
	v6 =	vadd.f32 $-5.000000000e-01, v12;
	v12 =	vsel vm15, v33, v9;
	v9 =	vld [tilespmem:$0x1FCC0]  }
.Ltmp5:
0x226: {  	_ = 	snop;
	(pc) =	sbr.rel @p0 .LBB2_12-.Ltmp5, $2  }
0x227: {  	_ =	sdelay $0x2  }
0x228: {  	s24 =	sadd.s32 $0x800, s24;
	vm15 =	vmmov vm0;
	v33 =	vld [tilespmem:$0x1FCD0];
	vm0 =	vnez.u8 v9  }
0x229: {  	v9 =	vsel vm14, v16, v13;
	v13 =	vld [tilespmem:$0x1FD40];
	_ =	sdelay $0x4  }
0x22a: {  	vm14 =	vnez.u8 v13;
	v13 =	vld [tilespmem:$0x1FCE0];
	_ =	sdelay $0x4  }
0x22b: {  	v13 =	vsel vm14, v13, v33;
	v33 =	vld [tilespmem:$0x1FD60];
	_ =	sdelay $0x4  }
0x22c: {  	vm14 =	vnez.u8 v33  }
0x22d: {  	v16 =	vsel vm14, v40, v41;
	v41 =	vld [tilespmem:$0x1FD90];
	_ =	sdelay $0x4  }
0x22e: {  	vm14 =	vnez.u8 v41  }
0x22f: {  	v10 =	vsel vm14, v10, v42;
	v42 =	vld [tilespmem:$0x1FDB0];
	_ =	sdelay $0x4  }
0x230: {  	vm14 =	vnez.u8 v42  }
0x231: {  	v17 =	vsel vm14, v17, v43;
	v43 =	vld [tilespmem:$0x1FDC0];
	_ =	sdelay $0x2  }
0x232: {  	v27 =	vsel vm0, v27, v60;
	v30 =	vsel vm1, v30, v57  }
0x233: {  	v37 =	vsel vm4, v37, v58;
	v31 =	vsel vm2, v31, v59;
	v29 =	vsel vm7, v29, v61  }
0x234: {  	v47 =	vld [tilespmem:$0x1FDD0];
	v35 =	vsel vm8, v35, v62;
	v36 =	vsel vm9, v36, v63;
	vm14 =	vnez.u8 v43  }
0x235: {  	v0 =	vsel vm6, v23, v0;
	v1 =	vsel vm5, v28, v1;
	v33 =	vsel vm14, v45, v46;
	v45 =	vld [tilespmem:$0x1FDF0]  }
0x236: {  	v2 =	vsel vm3, v34, v2;
	v4 =	vsel vm11, v25, v4;
	v6 =	vsel vm13, v32, v6;
	v34 =	vld [tilespmem:$0x1FEE0]  }
0x237: {  	v5 =	vsel vm12, v5, v39;
	v7 =	vsel vm10, v7, v38;
	v38 =	vld [tilespmem:$0x1FEF0];
	v61 =	vmul.f32 v8, v3  }
0x238: {  	v32 =	vsel vm15, v24, v52;
	v39 =	vld [tilespmem:$0x1FF00];
	v62 =	vmul.f32 v12, v3;
	v4 =	vmul.f32 v4, v3  }
0x239: {  	v6 =	vmul.f32 v6, v3;
	v5 =	vmul.f32 v5, v3;
	vm14 =	vnez.u8 v47;
	v46 =	vld [tilespmem:$0x1FE00]  }
0x23a: {  	v7 =	vmul.f32 v7, v3;
	v47 =	vld [tilespmem:$0x1FE30];
	v20 =	vsel vm14, v20, v44;
	vm14 =	vnez.u8 v45  }
0x23b: {  	v0 =	vmul.f32 v0, v3;
	v1 =	vmul.f32 v1, v3;
	v11 =	vsel vm14, v11, v48;
	v48 =	vld [tilespmem:$0x1FE50]  }
0x23c: {  	v2 =	vmul.f32 v2, v3;
	v4 =	vadd.f32 v4, v34;
	v6 =	vadd.f32 v6, v38;
	v40 =	vld [tilespmem:$0x1FF10]  }
0x23d: {  	v23 =	vmul.f32 v32, v3;
	v57 =	vmul.f32 v9, v3;
	v5 =	vadd.f32 v5, v39  }
0x23e: {  	v0 =	vadd.f32 v0, v4;
	v1 =	vadd.f32 v1, v6;
	vm14 =	vnez.u8 v46  }
0x23f: {  	v2 =	vadd.f32 v2, v5;
	v21 =	vsel vm14, v21, v49;
	vm14 =	vnez.u8 v47;
	v49 =	vld [tilespmem:$0x1FE10]  }
0x240: {  	v41 =	vmul.f32 v31, v3;
	v26 =	vsel vm14, v26, v54;
	v54 =	vld [tilespmem:$0x1FE70];
	vm14 =	vnez.u8 v48  }
0x241: {  	v7 =	vadd.f32 v7, v40;
	v43 =	vmul.f32 v29, v3;
	v18 =	vsel vm14, v18, v55;
	v55 =	vld [tilespmem:$0x1FE80]  }
0x242: {  	v60 =	vld [tilespmem:$0x1FEB0];
	v0 =	vadd.f32 v41, v0;
	v58 =	vmul.f32 v10, v3;
	v44 =	vmul.f32 v35, v3  }
0x243: {  	v42 =	vadd.f32 v23, v7;
	v1 =	vadd.f32 v43, v1;
	v45 =	vmul.f32 v36, v3  }
0x244: {  	v2 =	vadd.f32 v44, v2;
	v46 =	vmul.f32 v27, v3;
	vm14 =	vnez.u8 v49  }
0x245: {  	v47 =	vadd.f32 v45, v42;
	v14 =	vsel vm14, v14, v50;
	vm14 =	vnez.u8 v54  }
0x246: {  	v0 =	vadd.f32 v46, v0;
	v15 =	vsel vm14, v15, v51;
	vm14 =	vnez.u8 v55  }
0x247: {  	v48 =	vmul.f32 v30, v3;
	v19 =	vsel vm14, v19, v53;
	vm14 =	vnez.u8 v60  }
0x248: {  	v49 =	vmul.f32 v37, v3;
	v50 =	vmul.f32 v26, v3;
	v22 =	vsel vm14, v22, v56  }
0x249: {  	v2 =	vadd.f32 v48, v2;
	v54 =	vmul.f32 v11, v3;
	v22 =	vmul.f32 v22, v3  }
0x24a: {  	v51 =	vmul.f32 v18, v3;
	v4 =	vadd.f32 v49, v47;
	v52 =	vmul.f32 v15, v3  }
0x24b: {  	v0 =	vadd.f32 v50, v0;
	v15 =	vmul.f32 v19, v3;
	v1 =	vadd.f32 v22, v1  }
0x24c: {  	v2 =	vadd.f32 v52, v2;
	v55 =	vmul.f32 v21, v3;
	v53 =	vmul.f32 v20, v3  }
0x24d: {  	v56 =	vmul.f32 v14, v3;
	v4 =	vadd.f32 v15, v4;
	v1 =	vadd.f32 v51, v1  }
0x24e: {  	v59 =	vmul.f32 v17, v3;
	v2 =	vadd.f32 v55, v2;
	v0 =	vadd.f32 v53, v0  }
0x24f: {  	v60 =	vmul.f32 v33, v3;
	v4 =	vadd.f32 v56, v4;
	v1 =	vadd.f32 v54, v1  }
0x250: {  	v63 =	vmul.f32 v13, v3;
	v2 =	vadd.f32 v59, v2;
	v0 =	vadd.f32 v57, v0  }
0x251: {  	v3 =	vmul.f32 v16, v3;
	v4 =	vadd.f32 v60, v4;
	v1 =	vadd.f32 v58, v1  }
0x252: {  	v2 =	vadd.f32 v63, v2;
	v0 =	vadd.f32 v61, v0  }
0x253: {  	v3 =	vadd.f32 v3, v4;
	v1 =	vadd.f32 v62, v1;
	_ =	sdelay $0x1  }
0x254: {  	v0 =	vadd.f32 v1, v0;
	v1 =	vadd.f32 v3, v2;
	_ =	sdelay $0x1  }
0x255: {  	v0 =	vadd.f32 v1, v0;
	_ =	sdelay $0x1  }
0x256: {  	s1 =	rddreg [dreg:$0x7];
	s5 =	simm.s32 $0x11900;
	[tilespmem:$0x11900] =	vst v0  }
0x257: {  	[hbm4b:s1+s4] =	stream.linear.scatter [tilespmem:s5], [sflag:$0x7], $0x10, $0x38;
	[tilespmem:$0x19910] =	vst v63  }
0x258: {  	_ =	swait.ge [sflag:s19], $0x10  }
0x259: {  	s2 =	sadd.s32 $0x1, s2;
	v12 =	vld [tilespmem:$0x1FFF0]  }
0x25a: {  	p0 =	sne.s32 s2, s10  }
.Ltmp6:
0x25b: {  	_ = 	snop;
	(pc) =	sbr.rel @p0 .LBB2_1-.Ltmp6, $3  }
0x25c: {  	_ =	sdelay $0x1  }
0x25d: {  	[sflag:s19] =	ssyncset.done $0x0  }
0x25e: {  	v45 =	vimm.s32 $0x0;
	v0 =	vimm.f32 $0.0e+00;
	[sflag:s19] =	ssyncadd.s32 $0xFFFFFFF0  }
0x25f: {  	_ =	sfence.sel $0x180000  }
0x260: {  	[bflag:$0x0] =	sbarrier.arrive $0xFFFF  }
0x261: {  	_ =	strace $0x90000047  }
0x262: {  	s0 =	stileid.u32;
	[bflag:$0x2] =	sbarrier.arrive $0xFFFF  }
0x263: {  	p0 =	sne.s32 s0, $0x0;
	s0 =	rddreg [dreg:$0x3]  }
0x264: {  	s0 =	sadd.s32 @!p0 $0x100000, s0  }
0x265: {  	[sflag:s0] =	ssyncadd.tile.s32 @!p0 $0x1;
	_ =	shalt  }
.Lfunc_end2:
_tile_overlayer_lowered:
.L_overlay_start_2:
0x266: {  	(tag) =	ssettag $0x2  }
0x267: {  	s0 =	rddreg [dreg:$0x0];
	s2 =	stileid.u32  }
0x268: {  	s1 =	rddreg [dreg:$0x1];
	p0 =	sne.s32 s2, $0x0  }
0x269: {  	s3 =	rddreg [dreg:$0x2];
	[bflag:$0x3] =	sbarrier.arrive $0xFFFF;
	s2 =	simm.s32 @!p0 $0x1C07  }
0x26a: {  	[timem:s3], [sflag:s2] =	dma.local @!p0 [hbm:s0], s1  }
0x26b: {  	s0 =	simm.s32 @!p0 $0x7  }
0x26c: {  	_ =	swait.ge @!p0 [sflag:s0], s1  }
0x26d: {  	s1 =	ssub.s32 @!p0 $0x0, s1;
	[sflag:s0] =	ssyncset.done @!p0 $0x0  }
0x26e: {  	[sflag:s0] =	ssyncadd.s32 @!p0 s1  }
0x26f: {  	[bflag:$0x3] =	sbarrier.arrive $0xFFFF  }
0x270: {  	_ =	shalt  }

</sc_bundles>
